<compile_context>
chip_gen: v7x
topology: tpu7x:2x2x1
jax: 0.10.2.dev20260603
libtpu: 0.0.44.dev20260713+nightly
codegen_flags: <defaults>
</compile_context>

<pallas_src>
import functools

import jax
import jax.numpy as jnp
from jax import lax
from jax.experimental import pallas as pl
from jax.experimental.pallas import tpu as pltpu
from jax.experimental.pallas import tpu_sc as plsc

N_POINTS = 20000
N_PAD = 20480
N_KEY = 2048
NSAMPLE = 32
RADIUS2 = 0.8 * 0.8
C_BEV = 256
H = 176
W = 200
BOUND = 4.0
PADV = 1.0e6
INVALID = 1.0e10



def _fps_body(x_ref, y_ref, z_ref, pts_ref, d0_ref, out_ref):
    rows = lax.broadcasted_iota(jnp.int32, (8, 2560), 0)
    cols = lax.broadcasted_iota(jnp.int32, (8, 2560), 1)
    lin = rows * 2560 + cols
    lanes = lax.broadcasted_iota(jnp.int32, (1, 128), 1)

    row0 = pts_ref[0:1, :]
    lx0 = row0[0:1, 0:1]
    ly0 = row0[0:1, 1:2]
    lz0 = row0[0:1, 2:3]
    out_ref[0:1, :] = jnp.where(
        lanes == 0, lx0, jnp.where(lanes == 1, ly0, jnp.where(lanes == 2, lz0, 0.0)))

    def body(i, carry):
        dists, lx, ly, lz = carry
        dx = x_ref[...] - lx
        dy = y_ref[...] - ly
        dz = z_ref[...] - lz
        d = dx * dx + dy * dy + dz * dz
        dn = jnp.minimum(dists, d)
        m = jnp.max(dn)
        sel = jnp.min(jnp.where(dn == m, lin, jnp.int32(2 ** 30)))
        prow = pts_ref[pl.ds(sel, 1), :]
        nlx = prow[0:1, 0:1]
        nly = prow[0:1, 1:2]
        nlz = prow[0:1, 2:3]
        row = jnp.where(
            lanes == 0, nlx, jnp.where(lanes == 1, nly, jnp.where(lanes == 2, nlz, 0.0)))
        out_ref[pl.ds(i, 1), :] = row
        return (dn, nlx, nly, nlz)

    lax.fori_loop(1, N_KEY, body, (d0_ref[...], lx0, ly0, lz0))


def _fps(x8, y8, z8, pts8, d0):
    return pl.pallas_call(
        _fps_body,
        out_shape=jax.ShapeDtypeStruct((N_KEY, 128), jnp.float32),
    )(x8, y8, z8, pts8, d0)



KB = 16


def _ballq_body(key_ref, x_ref, y_ref, z_ref, out_ref, m_ref):
    kx = key_ref[:, 0:1]
    ky = key_ref[:, 1:2]
    kz = key_ref[:, 2:3]
    dx = kx - x_ref[...]
    dy = ky - y_ref[...]
    dz = kz - z_ref[...]
    d2 = dx * dx + dy * dy + dz * dz
    m_ref[...] = jnp.where(d2 <= RADIUS2, d2, INVALID)

    lanelin = lax.broadcasted_iota(jnp.int32, (KB, N_PAD), 1)
    out_ref[...] = jnp.zeros((KB, 128), jnp.int32)

    first_sel = None
    for s in range(NSAMPLE):
        cur = m_ref[...]
        m = jnp.min(cur, axis=1, keepdims=True)
        eq = cur == m
        sel = jnp.min(jnp.where(eq, lanelin, jnp.int32(2 ** 30)),
                      axis=1, keepdims=True)
        m_ref[...] = jnp.where(eq, INVALID, cur)
        if s == 0:
            first_sel = sel
            rec = sel
        else:
            rec = jnp.where(m < 1.0e9, sel, first_sel)
        out_ref[:, s:s + 1] = rec


def _ballq(keyrows, x1, y1, z1):
    return pl.pallas_call(
        _ballq_body,
        grid=(N_KEY // KB,),
        in_specs=[
            pl.BlockSpec((KB, 128), lambda i: (i, 0)),
            pl.BlockSpec((1, N_PAD), lambda i: (0, 0)),
            pl.BlockSpec((1, N_PAD), lambda i: (0, 0)),
            pl.BlockSpec((1, N_PAD), lambda i: (0, 0)),
        ],
        out_specs=pl.BlockSpec((KB, 128), lambda i: (i, 0)),
        out_shape=jax.ShapeDtypeStruct((N_KEY, 128), jnp.int32),
        scratch_shapes=[pltpu.VMEM((KB, N_PAD), jnp.float32)],
    )(keyrows, x1, y1, z1)



NW = 32
NBR_TOTAL = N_KEY * NSAMPLE
NBR_PER_W = NBR_TOTAL // NW
NBR_CHUNKS = NBR_PER_W // 128


def _sc_nbr_gather(points128, idx3d):
    mesh = plsc.VectorSubcoreMesh(core_axis_name="c", subcore_axis_name="s")

    @functools.partial(
        pl.kernel, mesh=mesh,
        out_type=jax.ShapeDtypeStruct((NBR_TOTAL, 128), jnp.float32),
        scratch_types=[
            pltpu.VMEM((NBR_CHUNKS, 128), jnp.int32),
            pltpu.VMEM((128, 128), jnp.float32),
            pltpu.VMEM((128, 128), jnp.float32),
            pltpu.SemaphoreType.DMA,
            pltpu.SemaphoreType.DMA,
        ],
    )
    def k(table_hbm, idx_hbm, out_hbm, idx_v, buf0, buf1, sem0, sem1):
        wid = lax.axis_index("s") * 2 + lax.axis_index("c")
        base = wid * NBR_PER_W
        pltpu.sync_copy(idx_hbm.at[wid], idx_v)
        bufs = (buf0, buf1)
        sems = (sem0, sem1)
        copies = [None, None]
        for j in range(NBR_CHUNKS):
            p = j % 2
            if copies[p] is not None:
                copies[p].wait()
                pltpu.sync_copy(bufs[p],
                                out_hbm.at[pl.ds(base + (j - 2) * 128, 128)])
            copies[p] = pltpu.async_copy(
                table_hbm.at[idx_v.at[j]], bufs[p], sems[p])
        for j in (NBR_CHUNKS - 2, NBR_CHUNKS - 1):
            p = j % 2
            copies[p].wait()
            pltpu.sync_copy(bufs[p], out_hbm.at[pl.ds(base + j * 128, 128)])

    return k(points128, idx3d)



KEY_PER_W = N_KEY // NW


def _sc_bev_gather(table, kx, ky):
    mesh = plsc.VectorSubcoreMesh(core_axis_name="c", subcore_axis_name="s")
    out1 = jax.ShapeDtypeStruct((N_KEY, C_BEV), jnp.float32)

    @functools.partial(
        pl.kernel, mesh=mesh,
        out_type=(out1, out1, out1, out1),
        scratch_types=[
            pltpu.VMEM((KEY_PER_W,), jnp.float32),
            pltpu.VMEM((KEY_PER_W,), jnp.float32),
            pltpu.VMEM((KEY_PER_W,), jnp.int32),
            pltpu.VMEM((KEY_PER_W,), jnp.int32),
            pltpu.VMEM((KEY_PER_W,), jnp.int32),
            pltpu.VMEM((KEY_PER_W,), jnp.int32),
            pltpu.VMEM((KEY_PER_W, C_BEV), jnp.float32),
            pltpu.VMEM((KEY_PER_W, C_BEV), jnp.float32),
            pltpu.VMEM((KEY_PER_W, C_BEV), jnp.float32),
            pltpu.VMEM((KEY_PER_W, C_BEV), jnp.float32),
            pltpu.SemaphoreType.DMA,
        ],
    )
    def k(table_hbm, kx_hbm, ky_hbm, o00, o01, o10, o11,
          kx_v, ky_v, i00, i01, i10, i11, f00, f01, f10, f11, sem):
        wid = lax.axis_index("s") * 2 + lax.axis_index("c")
        base = wid * KEY_PER_W
        pltpu.sync_copy(kx_hbm.at[pl.ds(base, KEY_PER_W)], kx_v)
        pltpu.sync_copy(ky_hbm.at[pl.ds(base, KEY_PER_W)], ky_v)
        for j in range(KEY_PER_W // 16):
            sl = pl.ds(j * 16, 16)
            x = kx_v[sl]
            y = ky_v[sl]
            u = (x + BOUND) / (2.0 * BOUND) * (W - 1)
            v = (y + BOUND) / (2.0 * BOUND) * (H - 1)
            u = jnp.minimum(jnp.maximum(u, 0.0), W - 1.0)
            v = jnp.minimum(jnp.maximum(v, 0.0), H - 1.0)
            u0 = u.astype(jnp.int32)
            v0 = v.astype(jnp.int32)
            u1 = jnp.minimum(u0 + 1, W - 1)
            v1 = jnp.minimum(v0 + 1, H - 1)
            i00[sl] = v0 * W + u0
            i01[sl] = v0 * W + u1
            i10[sl] = v1 * W + u0
            i11[sl] = v1 * W + u1
        copies = [
            pltpu.async_copy(table_hbm.at[i00], f00, sem),
            pltpu.async_copy(table_hbm.at[i01], f01, sem),
            pltpu.async_copy(table_hbm.at[i10], f10, sem),
            pltpu.async_copy(table_hbm.at[i11], f11, sem),
        ]
        for c in copies:
            c.wait()
        dst = pl.ds(base, KEY_PER_W)
        pltpu.sync_copy(f00, o00.at[dst])
        pltpu.sync_copy(f01, o01.at[dst])
        pltpu.sync_copy(f10, o10.at[dst])
        pltpu.sync_copy(f11, o11.at[dst])

    return k(table, kx, ky)



MB = 256


def _mlp_body(g_ref, key_ref, w1_ref, b1_ref, w2_ref, b2_ref, out_ref):
    g4 = g_ref[:, 0:4]
    a = jnp.dot(g4, w1_ref[...], preferred_element_type=jnp.float32)
    kxyz = key_ref[:, 0:3]
    b = jnp.dot(kxyz, w1_ref[0:3, :], preferred_element_type=jnp.float32)
    a3 = a.reshape(MB, NSAMPLE, 32)
    h1 = jnp.maximum(a3 - b[:, None, :] + b1_ref[0:1, :][None, :, :], 0.0)
    h2 = jnp.dot(h1.reshape(MB * NSAMPLE, 32), w2_ref[...],
                 preferred_element_type=jnp.float32)
    h2 = jnp.maximum(h2 + b2_ref[0:1, :], 0.0)
    out_ref[...] = jnp.max(h2.reshape(MB, NSAMPLE, 64), axis=1)


def _mlp(gathered, keyrows, W1, b1, W2, b2):
    return pl.pallas_call(
        _mlp_body,
        grid=(N_KEY // MB,),
        in_specs=[
            pl.BlockSpec((MB * NSAMPLE, 128), lambda i: (i, 0)),
            pl.BlockSpec((MB, 128), lambda i: (i, 0)),
            pl.BlockSpec((4, 32), lambda i: (0, 0)),
            pl.BlockSpec((1, 32), lambda i: (0, 0)),
            pl.BlockSpec((32, 64), lambda i: (0, 0)),
            pl.BlockSpec((1, 64), lambda i: (0, 0)),
        ],
        out_specs=pl.BlockSpec((MB, 64), lambda i: (i, 0)),
        out_shape=jax.ShapeDtypeStruct((N_KEY, 64), jnp.float32),
    )(gathered, keyrows, W1, b1, W2, b2)




def _blend_body(pnet_ref, f00_ref, f01_ref, f10_ref, f11_ref, key_ref, out_ref):
    kx = key_ref[:, 0:1]
    ky = key_ref[:, 1:2]
    u = (kx + BOUND) / (2.0 * BOUND) * (W - 1)
    v = (ky + BOUND) / (2.0 * BOUND) * (H - 1)
    u = jnp.clip(u, 0.0, W - 1.0)
    v = jnp.clip(v, 0.0, H - 1.0)
    wu = u - jnp.floor(u)
    wv = v - jnp.floor(v)
    bev = (f00_ref[...] * (1.0 - wu) * (1.0 - wv)
           + f01_ref[...] * wu * (1.0 - wv)
           + f10_ref[...] * (1.0 - wu) * wv
           + f11_ref[...] * wu * wv)
    out_ref[:, 0:64] = pnet_ref[...]
    out_ref[:, 64:320] = bev


def _blend(pnet, f00, f01, f10, f11, keyrows):
    return pl.pallas_call(
        _blend_body,
        out_shape=jax.ShapeDtypeStruct((N_KEY, 320), jnp.float32),
    )(pnet, f00, f01, f10, f11, keyrows)




def kernel(points, bev_volume, W1, b1, W2, b2):
    xyz = points[:, :3]
    pad = jnp.full((N_PAD - N_POINTS,), PADV, jnp.float32)
    xp = jnp.concatenate([xyz[:, 0], pad])
    yp = jnp.concatenate([xyz[:, 1], pad])
    zp = jnp.concatenate([xyz[:, 2], pad])
    d0 = jnp.concatenate([
        jnp.full((N_POINTS,), INVALID, jnp.float32),
        jnp.full((N_PAD - N_POINTS,), -INVALID, jnp.float32),
    ]).reshape(8, 2560)

    pts8 = jnp.pad(xyz, ((0, N_PAD - N_POINTS), (0, 5)))
    keyrows = _fps(xp.reshape(8, 2560), yp.reshape(8, 2560),
                   zp.reshape(8, 2560), pts8, d0)

    nbr_pad = _ballq(keyrows, xp.reshape(1, N_PAD), yp.reshape(1, N_PAD),
                     zp.reshape(1, N_PAD))
    idx3d = nbr_pad[:, :NSAMPLE].reshape(NW, NBR_CHUNKS, 128)

    points128 = jnp.pad(points, ((0, 0), (0, 124)))
    gathered = _sc_nbr_gather(points128, idx3d)

    bev_t = jnp.transpose(bev_volume[0], (1, 2, 0)).reshape(H * W, C_BEV)
    kx = keyrows[:, 0]
    ky = keyrows[:, 1]
    f00, f01, f10, f11 = _sc_bev_gather(bev_t, kx, ky)

    pnet = _mlp(gathered, keyrows, W1, b1.reshape(1, 32), W2, b2.reshape(1, 64))

    return _blend(pnet, f00, f01, f10, f11, keyrows)

# --- scband reference (transcript-rebuilt; emitter-appended) ---
"""Pipeline reference for scband-pv-rcnn-84499186581840 (READ-ONLY COPY).

The authoritative reference and input builder live on the scoring server;
editing this copy changes nothing except your own understanding.
"""

import jax, jax.numpy as jnp
import numpy as np

N_POINTS = 20000
N_KEY = 2048
NSAMPLE = 32
RADIUS = 0.8
C_BEV = 256
H = 176
W = 200
BOUND = 4.0


def setup_inputs(seed: int = 0) -> dict:
    key = jax.random.key(seed)
    k1, k2, k3, k4 = jax.random.split(key, 4)
    points = jax.random.normal(k1, (N_POINTS, 4), dtype=jnp.float32)
    bev_volume = jax.random.uniform(k2, (1, C_BEV, H, W), dtype=jnp.float32)
    W1 = jax.random.normal(k3, (4, 32), dtype=jnp.float32) * 0.1
    b1 = jnp.zeros((32,), dtype=jnp.float32)
    W2 = jax.random.normal(k4, (32, 64), dtype=jnp.float32) * 0.1
    b2 = jnp.zeros((64,), dtype=jnp.float32)
    return {"points": points, "bev_volume": bev_volume, "W1": W1, "b1": b1, "W2": W2, "b2": b2}


def _furthest_point_sample(xyz, n):
    # Iterative FPS: select point maximizing min-distance to already-selected set.
    N = xyz.shape[0]

    def body(i, state):
        dists, idxs = state
        last = xyz[idxs[i - 1]]
        d = jnp.sum((xyz - last[None, :]) ** 2, axis=1)
        dists = jnp.minimum(dists, d)
        idxs = idxs.at[i].set(jnp.argmax(dists).astype(jnp.int32))
        return (dists, idxs)

    dists0 = jnp.full((N,), 1e10, dtype=jnp.float32)
    idxs0 = jnp.zeros((n,), dtype=jnp.int32)
    _, idxs = jax.lax.fori_loop(1, n, body, (dists0, idxs0))
    return idxs


def _forward(points, bev_volume, W1, b1, W2, b2):
    xyz = points[:, :3]
    feat = points[:, 3:]

    # --- sample_keypoints: FPS (indices are non-differentiable, as in the CUDA op) ---
    kp_idx = _furthest_point_sample(jax.lax.stop_gradient(xyz), N_KEY)
    key_xyz = xyz[kp_idx]                      # (2048, 3)

    # --- PointNet SA module: ball query (retrieval of neighbors within radius) ---
    d2 = jnp.sum((key_xyz[:, None, :] - xyz[None, :, :]) ** 2, axis=-1)   # (2048, 20000)
    masked = jnp.where(d2 <= RADIUS * RADIUS, d2, jnp.float32(1e10))
    neg_vals, nbr_idx = jax.lax.top_k(-masked, NSAMPLE)   # nearest NSAMPLE within ball
    valid = neg_vals > jnp.float32(-1e9)
    nbr_idx = jnp.where(valid, nbr_idx, nbr_idx[:, :1])   # pad with first (self) index

    grouped_xyz = xyz[nbr_idx] - key_xyz[:, None, :]       # (2048, 32, 3) centered
    grouped_feat = feat[nbr_idx]                           # (2048, 32, 1)
    g = jnp.concatenate([grouped_xyz, grouped_feat], axis=-1)  # use_xyz=True -> (2048, 32, 4)

    h = jax.nn.relu(g @ W1 + b1)                           # shared MLP (1x1 conv)
    h = jax.nn.relu(h @ W2 + b2)                           # (2048, 32, 64)
    pnet_feat = jnp.max(h, axis=1)                         # max-pool over neighbors -> (2048, 64)

    # --- bev_forward: bilinear gather from dense BEV feature map (grid_sample) ---
    vol = bev_volume[0]                                    # (256, 176, 200)
    u = (key_xyz[:, 0] + BOUND) / (2.0 * BOUND) * (W - 1)
    v = (key_xyz[:, 1] + BOUND) / (2.0 * BOUND) * (H - 1)
    u = jnp.clip(u, 0.0, W - 1.0)
    v = jnp.clip(v, 0.0, H - 1.0)
    u0 = jnp.floor(u)
    v0 = jnp.floor(v)
    u0i = u0.astype(jnp.int32)
    v0i = v0.astype(jnp.int32)
    u1i = jnp.minimum(u0i + 1, W - 1)
    v1i = jnp.minimum(v0i + 1, H - 1)
    wu = u - u0
    wv = v - v0
    f00 = vol[:, v0i, u0i]
    f01 = vol[:, v0i, u1i]
    f10 = vol[:, v1i, u0i]
    f11 = vol[:, v1i, u1i]
    bev = (f00 * (1 - wu) * (1 - wv) + f01 * wu * (1 - wv)
           + f10 * (1 - wu) * wv + f11 * wu * wv).T         # (2048, 256)

    return jnp.concatenate([pnet_feat, bev], axis=-1)       # (2048, 320)


def reference(points, bev_volume, W1, b1, W2, b2):
    return _forward(points, bev_volume, W1, b1, W2, b2)

if __name__ == "__main__":
    import jax
    _d = setup_inputs()
    print(jax.jit(kernel)(*tuple(_d.values())))

</pallas_src>

<mosaic_0001>
#map = affine_map<(d0, d1) -> (0, 0)>
#map1 = affine_map<(d0, d1) -> (0)>
module attributes {stable_mosaic.version = 14 : i64} {
  func.func @k(%arg0: i32, %arg1: i32, %arg2: memref<35200x256xf32, #tpu.memory_space<hbm>>, %arg3: memref<2048xf32, #tpu.memory_space<hbm>>, %arg4: memref<2048xf32, #tpu.memory_space<hbm>>, %arg5: memref<2048x256xf32, #tpu.memory_space<hbm>>, %arg6: memref<2048x256xf32, #tpu.memory_space<hbm>>, %arg7: memref<2048x256xf32, #tpu.memory_space<hbm>>, %arg8: memref<2048x256xf32, #tpu.memory_space<hbm>>, %arg9: memref<64xf32, #tpu.memory_space<vmem>>, %arg10: memref<64xf32, #tpu.memory_space<vmem>>, %arg11: memref<64xi32, #tpu.memory_space<vmem>>, %arg12: memref<64xi32, #tpu.memory_space<vmem>>, %arg13: memref<64xi32, #tpu.memory_space<vmem>>, %arg14: memref<64xi32, #tpu.memory_space<vmem>>, %arg15: memref<64x256xf32, #tpu.memory_space<vmem>>, %arg16: memref<64x256xf32, #tpu.memory_space<vmem>>, %arg17: memref<64x256xf32, #tpu.memory_space<vmem>>, %arg18: memref<64x256xf32, #tpu.memory_space<vmem>>, %arg19: memref<!tpu.dma_semaphore, #tpu.memory_space<semaphore_mem>>) attributes {dimension_semantics = [#tpu.dimension_semantics<core_parallel>, #tpu.dimension_semantics<subcore_parallel>], iteration_bounds = array<i64: 2, 16>, scalar_prefetch = 0 : i64, scratch_operands = 11 : i64, tpu.core_type = #tpu.core_type<sc_vector_subcore>, window_params = [{transform_indices = #map}, {transform_indices = #map1}, {transform_indices = #map1}, {transform_indices = #map}, {transform_indices = #map}, {transform_indices = #map}, {transform_indices = #map}]} {
    %mul3A = arith.constant 2 : i32
    %mul3A_0 = arith.muli %arg1, %mul3A : i32
    %add3A = arith.addi %mul3A_0, %arg0 : i32
    %mul3A_1 = arith.constant 64 : i32
    %mul3A_2 = arith.muli %add3A, %mul3A_1 : i32
    "tpu.region"() ({
      %run_scoped3A = tpu.sem_alloc : memref<!tpu.dma_semaphore, #tpu.memory_space<semaphore_mem>>
      %dma_start3A_347 = tpu.memref_slice %arg3[%mul3A_2] : memref<2048xf32, #tpu.memory_space<hbm>> -> memref<64xf32, #tpu.memory_space<hbm>>
      %dma_start3A_348 = tpu.memref_slice %arg3[%mul3A_2] : memref<2048xf32, #tpu.memory_space<hbm>> -> memref<64xf32, #tpu.memory_space<hbm>>
      tpu.enqueue_dma source(%dma_start3A_348 : memref<64xf32, #tpu.memory_space<hbm>>) target(%arg9 : memref<64xf32, #tpu.memory_space<vmem>>) target_semaphore(%run_scoped3A : memref<!tpu.dma_semaphore, #tpu.memory_space<semaphore_mem>>)
      %dma_wait3A_349 = tpu.memref_slice %arg3[%mul3A_2] : memref<2048xf32, #tpu.memory_space<hbm>> -> memref<64xf32, #tpu.memory_space<hbm>>
      %dma_wait3A_350 = tpu.memref_slice %arg3[%mul3A_2] : memref<2048xf32, #tpu.memory_space<hbm>> -> memref<64xf32, #tpu.memory_space<hbm>>
      tpu.wait_dma2 semaphore(%run_scoped3A : memref<!tpu.dma_semaphore, #tpu.memory_space<semaphore_mem>>) src(%dma_wait3A_350 : memref<64xf32, #tpu.memory_space<hbm>>) dst(%arg9 : memref<64xf32, #tpu.memory_space<vmem>>)
      tpu.yield
    }) : () -> ()
    "tpu.region"() ({
      %run_scoped3A = tpu.sem_alloc : memref<!tpu.dma_semaphore, #tpu.memory_space<semaphore_mem>>
      %dma_start3A_347 = tpu.memref_slice %arg4[%mul3A_2] : memref<2048xf32, #tpu.memory_space<hbm>> -> memref<64xf32, #tpu.memory_space<hbm>>
      %dma_start3A_348 = tpu.memref_slice %arg4[%mul3A_2] : memref<2048xf32, #tpu.memory_space<hbm>> -> memref<64xf32, #tpu.memory_space<hbm>>
      tpu.enqueue_dma source(%dma_start3A_348 : memref<64xf32, #tpu.memory_space<hbm>>) target(%arg10 : memref<64xf32, #tpu.memory_space<vmem>>) target_semaphore(%run_scoped3A : memref<!tpu.dma_semaphore, #tpu.memory_space<semaphore_mem>>)
      %dma_wait3A_349 = tpu.memref_slice %arg4[%mul3A_2] : memref<2048xf32, #tpu.memory_space<hbm>> -> memref<64xf32, #tpu.memory_space<hbm>>
      %dma_wait3A_350 = tpu.memref_slice %arg4[%mul3A_2] : memref<2048xf32, #tpu.memory_space<hbm>> -> memref<64xf32, #tpu.memory_space<hbm>>
      tpu.wait_dma2 semaphore(%run_scoped3A : memref<!tpu.dma_semaphore, #tpu.memory_space<semaphore_mem>>) src(%dma_wait3A_350 : memref<64xf32, #tpu.memory_space<hbm>>) dst(%arg10 : memref<64xf32, #tpu.memory_space<vmem>>)
      tpu.yield
    }) : () -> ()
    %get3A = arith.constant 0 : index
    %get3A_3 = tpu.vector_load %arg9[%get3A] {strides = array<i32>} : memref<64xf32, #tpu.memory_space<vmem>>, vector<16xf32>,
    %get3A_4 = vector.shape_cast %get3A_3 : vector<16xf32> to vector<16xf32>
    %get3A_5 = arith.constant 0 : index
    %get3A_6 = tpu.vector_load %arg10[%get3A_5] {strides = array<i32>} : memref<64xf32, #tpu.memory_space<vmem>>, vector<16xf32>,
    %get3A_7 = vector.shape_cast %get3A_6 : vector<16xf32> to vector<16xf32>
    %add3A_8 = arith.constant 4.000000e+00 : f32
    %add3A_9 = vector.broadcast %add3A_8 : f32 to vector<16xf32>
    %add3A_10 = arith.addf %get3A_4, %add3A_9 : vector<16xf32>
    %div3A = arith.constant 8.000000e+00 : f32
    %div3A_11 = vector.broadcast %div3A : f32 to vector<16xf32>
    %div3A_12 = arith.divf %add3A_10, %div3A_11 : vector<16xf32>
    %mul3A_13 = arith.constant 1.990000e+02 : f32
    %mul3A_14 = vector.broadcast %mul3A_13 : f32 to vector<16xf32>
    %mul3A_15 = arith.mulf %div3A_12, %mul3A_14 : vector<16xf32>
    %add3A_16 = arith.constant 4.000000e+00 : f32
    %add3A_17 = vector.broadcast %add3A_16 : f32 to vector<16xf32>
    %add3A_18 = arith.addf %get3A_7, %add3A_17 : vector<16xf32>
    %div3A_19 = arith.constant 8.000000e+00 : f32
    %div3A_20 = vector.broadcast %div3A_19 : f32 to vector<16xf32>
    %div3A_21 = arith.divf %add3A_18, %div3A_20 : vector<16xf32>
    %mul3A_22 = arith.constant 1.750000e+02 : f32
    %mul3A_23 = vector.broadcast %mul3A_22 : f32 to vector<16xf32>
    %mul3A_24 = arith.mulf %div3A_21, %mul3A_23 : vector<16xf32>
    %max3A = arith.constant 0.000000e+00 : f32
    %max3A_25 = vector.broadcast %max3A : f32 to vector<16xf32>
    %max3A_26 = arith.maximumf %mul3A_15, %max3A_25 : vector<16xf32>
    %min3A = arith.constant 1.990000e+02 : f32
    %min3A_27 = vector.broadcast %min3A : f32 to vector<16xf32>
    %min3A_28 = arith.minimumf %max3A_26, %min3A_27 : vector<16xf32>
    %max3A_29 = arith.constant 0.000000e+00 : f32
    %max3A_30 = vector.broadcast %max3A_29 : f32 to vector<16xf32>
    %max3A_31 = arith.maximumf %mul3A_24, %max3A_30 : vector<16xf32>
    %min3A_32 = arith.constant 1.750000e+02 : f32
    %min3A_33 = vector.broadcast %min3A_32 : f32 to vector<16xf32>
    %min3A_34 = arith.minimumf %max3A_31, %min3A_33 : vector<16xf32>
    %convert_element_type3A = arith.fptosi %min3A_28 : vector<16xf32> to vector<16xi32>
    %convert_element_type3A_35 = arith.fptosi %min3A_34 : vector<16xf32> to vector<16xi32>
    %add3A_36 = arith.constant 1 : i32
    %add3A_37 = vector.broadcast %add3A_36 : i32 to vector<16xi32>
    %add3A_38 = arith.addi %convert_element_type3A, %add3A_37 : vector<16xi32>
    %min3A_39 = arith.constant 199 : i32
    %min3A_40 = vector.broadcast %min3A_39 : i32 to vector<16xi32>
    %min3A_41 = arith.minsi %add3A_38, %min3A_40 : vector<16xi32>
    %add3A_42 = arith.constant 1 : i32
    %add3A_43 = vector.broadcast %add3A_42 : i32 to vector<16xi32>
    %add3A_44 = arith.addi %convert_element_type3A_35, %add3A_43 : vector<16xi32>
    %min3A_45 = arith.constant 175 : i32
    %min3A_46 = vector.broadcast %min3A_45 : i32 to vector<16xi32>
    %min3A_47 = arith.minsi %add3A_44, %min3A_46 : vector<16xi32>
    %mul3A_48 = arith.constant 200 : i32
    %mul3A_49 = vector.broadcast %mul3A_48 : i32 to vector<16xi32>
    %mul3A_50 = arith.muli %convert_element_type3A_35, %mul3A_49 : vector<16xi32>
    %add3A_51 = arith.addi %mul3A_50, %convert_element_type3A : vector<16xi32>
    %swap3A = arith.constant 0 : index
    %swap3A_52 = tpu.vector_load %arg11[%swap3A] {strides = array<i32>} : memref<64xi32, #tpu.memory_space<vmem>>, vector<16xi32>,
    %swap3A_53 = vector.shape_cast %swap3A_52 : vector<16xi32> to vector<16xi32>
    %swap3A_54 = vector.shape_cast %add3A_51 : vector<16xi32> to vector<16xi32>
    tpu.vector_store %arg11[%swap3A], %swap3A_54 {strides = array<i32>} : memref<64xi32, #tpu.memory_space<vmem>>, vector<16xi32>,
    %mul3A_55 = arith.constant 200 : i32
    %mul3A_56 = vector.broadcast %mul3A_55 : i32 to vector<16xi32>
    %mul3A_57 = arith.muli %convert_element_type3A_35, %mul3A_56 : vector<16xi32>
    %add3A_58 = arith.addi %mul3A_57, %min3A_41 : vector<16xi32>
    %swap3A_59 = arith.constant 0 : index
    %swap3A_60 = tpu.vector_load %arg12[%swap3A_59] {strides = array<i32>} : memref<64xi32, #tpu.memory_space<vmem>>, vector<16xi32>,
    %swap3A_61 = vector.shape_cast %swap3A_60 : vector<16xi32> to vector<16xi32>
    %swap3A_62 = vector.shape_cast %add3A_58 : vector<16xi32> to vector<16xi32>
    tpu.vector_store %arg12[%swap3A_59], %swap3A_62 {strides = array<i32>} : memref<64xi32, #tpu.memory_space<vmem>>, vector<16xi32>,
    %mul3A_63 = arith.constant 200 : i32
    %mul3A_64 = vector.broadcast %mul3A_63 : i32 to vector<16xi32>
    %mul3A_65 = arith.muli %min3A_47, %mul3A_64 : vector<16xi32>
    %add3A_66 = arith.addi %mul3A_65, %convert_element_type3A : vector<16xi32>
    %swap3A_67 = arith.constant 0 : index
    %swap3A_68 = tpu.vector_load %arg13[%swap3A_67] {strides = array<i32>} : memref<64xi32, #tpu.memory_space<vmem>>, vector<16xi32>,
    %swap3A_69 = vector.shape_cast %swap3A_68 : vector<16xi32> to vector<16xi32>
    %swap3A_70 = vector.shape_cast %add3A_66 : vector<16xi32> to vector<16xi32>
    tpu.vector_store %arg13[%swap3A_67], %swap3A_70 {strides = array<i32>} : memref<64xi32, #tpu.memory_space<vmem>>, vector<16xi32>,
    %mul3A_71 = arith.constant 200 : i32
    %mul3A_72 = vector.broadcast %mul3A_71 : i32 to vector<16xi32>
    %mul3A_73 = arith.muli %min3A_47, %mul3A_72 : vector<16xi32>
    %add3A_74 = arith.addi %mul3A_73, %min3A_41 : vector<16xi32>
    %swap3A_75 = arith.constant 0 : index
    %swap3A_76 = tpu.vector_load %arg14[%swap3A_75] {strides = array<i32>} : memref<64xi32, #tpu.memory_space<vmem>>, vector<16xi32>,
    %swap3A_77 = vector.shape_cast %swap3A_76 : vector<16xi32> to vector<16xi32>
    %swap3A_78 = vector.shape_cast %add3A_74 : vector<16xi32> to vector<16xi32>
    tpu.vector_store %arg14[%swap3A_75], %swap3A_78 {strides = array<i32>} : memref<64xi32, #tpu.memory_space<vmem>>, vector<16xi32>,
    %get3A_79 = arith.constant 16 : index
    %get3A_80 = tpu.vector_load %arg9[%get3A_79] {strides = array<i32>} : memref<64xf32, #tpu.memory_space<vmem>>, vector<16xf32>,
    %get3A_81 = vector.shape_cast %get3A_80 : vector<16xf32> to vector<16xf32>
    %get3A_82 = arith.constant 16 : index
    %get3A_83 = tpu.vector_load %arg10[%get3A_82] {strides = array<i32>} : memref<64xf32, #tpu.memory_space<vmem>>, vector<16xf32>,
    %get3A_84 = vector.shape_cast %get3A_83 : vector<16xf32> to vector<16xf32>
    %add3A_85 = arith.constant 4.000000e+00 : f32
    %add3A_86 = vector.broadcast %add3A_85 : f32 to vector<16xf32>
    %add3A_87 = arith.addf %get3A_81, %add3A_86 : vector<16xf32>
    %div3A_88 = arith.constant 8.000000e+00 : f32
    %div3A_89 = vector.broadcast %div3A_88 : f32 to vector<16xf32>
    %div3A_90 = arith.divf %add3A_87, %div3A_89 : vector<16xf32>
    %mul3A_91 = arith.constant 1.990000e+02 : f32
    %mul3A_92 = vector.broadcast %mul3A_91 : f32 to vector<16xf32>
    %mul3A_93 = arith.mulf %div3A_90, %mul3A_92 : vector<16xf32>
    %add3A_94 = arith.constant 4.000000e+00 : f32
    %add3A_95 = vector.broadcast %add3A_94 : f32 to vector<16xf32>
    %add3A_96 = arith.addf %get3A_84, %add3A_95 : vector<16xf32>
    %div3A_97 = arith.constant 8.000000e+00 : f32
    %div3A_98 = vector.broadcast %div3A_97 : f32 to vector<16xf32>
    %div3A_99 = arith.divf %add3A_96, %div3A_98 : vector<16xf32>
    %mul3A_100 = arith.constant 1.750000e+02 : f32
    %mul3A_101 = vector.broadcast %mul3A_100 : f32 to vector<16xf32>
    %mul3A_102 = arith.mulf %div3A_99, %mul3A_101 : vector<16xf32>
    %max3A_103 = arith.constant 0.000000e+00 : f32
    %max3A_104 = vector.broadcast %max3A_103 : f32 to vector<16xf32>
    %max3A_105 = arith.maximumf %mul3A_93, %max3A_104 : vector<16xf32>
    %min3A_106 = arith.constant 1.990000e+02 : f32
    %min3A_107 = vector.broadcast %min3A_106 : f32 to vector<16xf32>
    %min3A_108 = arith.minimumf %max3A_105, %min3A_107 : vector<16xf32>
    %max3A_109 = arith.constant 0.000000e+00 : f32
    %max3A_110 = vector.broadcast %max3A_109 : f32 to vector<16xf32>
    %max3A_111 = arith.maximumf %mul3A_102, %max3A_110 : vector<16xf32>
    %min3A_112 = arith.constant 1.750000e+02 : f32
    %min3A_113 = vector.broadcast %min3A_112 : f32 to vector<16xf32>
    %min3A_114 = arith.minimumf %max3A_111, %min3A_113 : vector<16xf32>
    %convert_element_type3A_115 = arith.fptosi %min3A_108 : vector<16xf32> to vector<16xi32>
    %convert_element_type3A_116 = arith.fptosi %min3A_114 : vector<16xf32> to vector<16xi32>
    %add3A_117 = arith.constant 1 : i32
    %add3A_118 = vector.broadcast %add3A_117 : i32 to vector<16xi32>
    %add3A_119 = arith.addi %convert_element_type3A_115, %add3A_118 : vector<16xi32>
    %min3A_120 = arith.constant 199 : i32
    %min3A_121 = vector.broadcast %min3A_120 : i32 to vector<16xi32>
    %min3A_122 = arith.minsi %add3A_119, %min3A_121 : vector<16xi32>
    %add3A_123 = arith.constant 1 : i32
    %add3A_124 = vector.broadcast %add3A_123 : i32 to vector<16xi32>
    %add3A_125 = arith.addi %convert_element_type3A_116, %add3A_124 : vector<16xi32>
    %min3A_126 = arith.constant 175 : i32
    %min3A_127 = vector.broadcast %min3A_126 : i32 to vector<16xi32>
    %min3A_128 = arith.minsi %add3A_125, %min3A_127 : vector<16xi32>
    %mul3A_129 = arith.constant 200 : i32
    %mul3A_130 = vector.broadcast %mul3A_129 : i32 to vector<16xi32>
    %mul3A_131 = arith.muli %convert_element_type3A_116, %mul3A_130 : vector<16xi32>
    %add3A_132 = arith.addi %mul3A_131, %convert_element_type3A_115 : vector<16xi32>
    %swap3A_133 = arith.constant 16 : index
    %swap3A_134 = tpu.vector_load %arg11[%swap3A_133] {strides = array<i32>} : memref<64xi32, #tpu.memory_space<vmem>>, vector<16xi32>,
    %swap3A_135 = vector.shape_cast %swap3A_134 : vector<16xi32> to vector<16xi32>
    %swap3A_136 = vector.shape_cast %add3A_132 : vector<16xi32> to vector<16xi32>
    tpu.vector_store %arg11[%swap3A_133], %swap3A_136 {strides = array<i32>} : memref<64xi32, #tpu.memory_space<vmem>>, vector<16xi32>,
    %mul3A_137 = arith.constant 200 : i32
    %mul3A_138 = vector.broadcast %mul3A_137 : i32 to vector<16xi32>
    %mul3A_139 = arith.muli %convert_element_type3A_116, %mul3A_138 : vector<16xi32>
    %add3A_140 = arith.addi %mul3A_139, %min3A_122 : vector<16xi32>
    %swap3A_141 = arith.constant 16 : index
    %swap3A_142 = tpu.vector_load %arg12[%swap3A_141] {strides = array<i32>} : memref<64xi32, #tpu.memory_space<vmem>>, vector<16xi32>,
    %swap3A_143 = vector.shape_cast %swap3A_142 : vector<16xi32> to vector<16xi32>
    %swap3A_144 = vector.shape_cast %add3A_140 : vector<16xi32> to vector<16xi32>
    tpu.vector_store %arg12[%swap3A_141], %swap3A_144 {strides = array<i32>} : memref<64xi32, #tpu.memory_space<vmem>>, vector<16xi32>,
    %mul3A_145 = arith.constant 200 : i32
    %mul3A_146 = vector.broadcast %mul3A_145 : i32 to vector<16xi32>
    %mul3A_147 = arith.muli %min3A_128, %mul3A_146 : vector<16xi32>
    %add3A_148 = arith.addi %mul3A_147, %convert_element_type3A_115 : vector<16xi32>
    %swap3A_149 = arith.constant 16 : index
    %swap3A_150 = tpu.vector_load %arg13[%swap3A_149] {strides = array<i32>} : memref<64xi32, #tpu.memory_space<vmem>>, vector<16xi32>,
    %swap3A_151 = vector.shape_cast %swap3A_150 : vector<16xi32> to vector<16xi32>
    %swap3A_152 = vector.shape_cast %add3A_148 : vector<16xi32> to vector<16xi32>
    tpu.vector_store %arg13[%swap3A_149], %swap3A_152 {strides = array<i32>} : memref<64xi32, #tpu.memory_space<vmem>>, vector<16xi32>,
    %mul3A_153 = arith.constant 200 : i32
    %mul3A_154 = vector.broadcast %mul3A_153 : i32 to vector<16xi32>
    %mul3A_155 = arith.muli %min3A_128, %mul3A_154 : vector<16xi32>
    %add3A_156 = arith.addi %mul3A_155, %min3A_122 : vector<16xi32>
    %swap3A_157 = arith.constant 16 : index
    %swap3A_158 = tpu.vector_load %arg14[%swap3A_157] {strides = array<i32>} : memref<64xi32, #tpu.memory_space<vmem>>, vector<16xi32>,
    %swap3A_159 = vector.shape_cast %swap3A_158 : vector<16xi32> to vector<16xi32>
    %swap3A_160 = vector.shape_cast %add3A_156 : vector<16xi32> to vector<16xi32>
    tpu.vector_store %arg14[%swap3A_157], %swap3A_160 {strides = array<i32>} : memref<64xi32, #tpu.memory_space<vmem>>, vector<16xi32>,
    %get3A_161 = arith.constant 32 : index
    %get3A_162 = tpu.vector_load %arg9[%get3A_161] {strides = array<i32>} : memref<64xf32, #tpu.memory_space<vmem>>, vector<16xf32>,
    %get3A_163 = vector.shape_cast %get3A_162 : vector<16xf32> to vector<16xf32>
    %get3A_164 = arith.constant 32 : index
    %get3A_165 = tpu.vector_load %arg10[%get3A_164] {strides = array<i32>} : memref<64xf32, #tpu.memory_space<vmem>>, vector<16xf32>,
    %get3A_166 = vector.shape_cast %get3A_165 : vector<16xf32> to vector<16xf32>
    %add3A_167 = arith.constant 4.000000e+00 : f32
    %add3A_168 = vector.broadcast %add3A_167 : f32 to vector<16xf32>
    %add3A_169 = arith.addf %get3A_163, %add3A_168 : vector<16xf32>
    %div3A_170 = arith.constant 8.000000e+00 : f32
    %div3A_171 = vector.broadcast %div3A_170 : f32 to vector<16xf32>
    %div3A_172 = arith.divf %add3A_169, %div3A_171 : vector<16xf32>
    %mul3A_173 = arith.constant 1.990000e+02 : f32
    %mul3A_174 = vector.broadcast %mul3A_173 : f32 to vector<16xf32>
    %mul3A_175 = arith.mulf %div3A_172, %mul3A_174 : vector<16xf32>
    %add3A_176 = arith.constant 4.000000e+00 : f32
    %add3A_177 = vector.broadcast %add3A_176 : f32 to vector<16xf32>
    %add3A_178 = arith.addf %get3A_166, %add3A_177 : vector<16xf32>
    %div3A_179 = arith.constant 8.000000e+00 : f32
    %div3A_180 = vector.broadcast %div3A_179 : f32 to vector<16xf32>
    %div3A_181 = arith.divf %add3A_178, %div3A_180 : vector<16xf32>
    %mul3A_182 = arith.constant 1.750000e+02 : f32
    %mul3A_183 = vector.broadcast %mul3A_182 : f32 to vector<16xf32>
    %mul3A_184 = arith.mulf %div3A_181, %mul3A_183 : vector<16xf32>
    %max3A_185 = arith.constant 0.000000e+00 : f32
    %max3A_186 = vector.broadcast %max3A_185 : f32 to vector<16xf32>
    %max3A_187 = arith.maximumf %mul3A_175, %max3A_186 : vector<16xf32>
    %min3A_188 = arith.constant 1.990000e+02 : f32
    %min3A_189 = vector.broadcast %min3A_188 : f32 to vector<16xf32>
    %min3A_190 = arith.minimumf %max3A_187, %min3A_189 : vector<16xf32>
    %max3A_191 = arith.constant 0.000000e+00 : f32
    %max3A_192 = vector.broadcast %max3A_191 : f32 to vector<16xf32>
    %max3A_193 = arith.maximumf %mul3A_184, %max3A_192 : vector<16xf32>
    %min3A_194 = arith.constant 1.750000e+02 : f32
    %min3A_195 = vector.broadcast %min3A_194 : f32 to vector<16xf32>
    %min3A_196 = arith.minimumf %max3A_193, %min3A_195 : vector<16xf32>
    %convert_element_type3A_197 = arith.fptosi %min3A_190 : vector<16xf32> to vector<16xi32>
    %convert_element_type3A_198 = arith.fptosi %min3A_196 : vector<16xf32> to vector<16xi32>
    %add3A_199 = arith.constant 1 : i32
    %add3A_200 = vector.broadcast %add3A_199 : i32 to vector<16xi32>
    %add3A_201 = arith.addi %convert_element_type3A_197, %add3A_200 : vector<16xi32>
    %min3A_202 = arith.constant 199 : i32
    %min3A_203 = vector.broadcast %min3A_202 : i32 to vector<16xi32>
    %min3A_204 = arith.minsi %add3A_201, %min3A_203 : vector<16xi32>
    %add3A_205 = arith.constant 1 : i32
    %add3A_206 = vector.broadcast %add3A_205 : i32 to vector<16xi32>
    %add3A_207 = arith.addi %convert_element_type3A_198, %add3A_206 : vector<16xi32>
    %min3A_208 = arith.constant 175 : i32
    %min3A_209 = vector.broadcast %min3A_208 : i32 to vector<16xi32>
    %min3A_210 = arith.minsi %add3A_207, %min3A_209 : vector<16xi32>
    %mul3A_211 = arith.constant 200 : i32
    %mul3A_212 = vector.broadcast %mul3A_211 : i32 to vector<16xi32>
    %mul3A_213 = arith.muli %convert_element_type3A_198, %mul3A_212 : vector<16xi32>
    %add3A_214 = arith.addi %mul3A_213, %convert_element_type3A_197 : vector<16xi32>
    %swap3A_215 = arith.constant 32 : index
    %swap3A_216 = tpu.vector_load %arg11[%swap3A_215] {strides = array<i32>} : memref<64xi32, #tpu.memory_space<vmem>>, vector<16xi32>,
    %swap3A_217 = vector.shape_cast %swap3A_216 : vector<16xi32> to vector<16xi32>
    %swap3A_218 = vector.shape_cast %add3A_214 : vector<16xi32> to vector<16xi32>
    tpu.vector_store %arg11[%swap3A_215], %swap3A_218 {strides = array<i32>} : memref<64xi32, #tpu.memory_space<vmem>>, vector<16xi32>,
    %mul3A_219 = arith.constant 200 : i32
    %mul3A_220 = vector.broadcast %mul3A_219 : i32 to vector<16xi32>
    %mul3A_221 = arith.muli %convert_element_type3A_198, %mul3A_220 : vector<16xi32>
    %add3A_222 = arith.addi %mul3A_221, %min3A_204 : vector<16xi32>
    %swap3A_223 = arith.constant 32 : index
    %swap3A_224 = tpu.vector_load %arg12[%swap3A_223] {strides = array<i32>} : memref<64xi32, #tpu.memory_space<vmem>>, vector<16xi32>,
    %swap3A_225 = vector.shape_cast %swap3A_224 : vector<16xi32> to vector<16xi32>
    %swap3A_226 = vector.shape_cast %add3A_222 : vector<16xi32> to vector<16xi32>
    tpu.vector_store %arg12[%swap3A_223], %swap3A_226 {strides = array<i32>} : memref<64xi32, #tpu.memory_space<vmem>>, vector<16xi32>,
    %mul3A_227 = arith.constant 200 : i32
    %mul3A_228 = vector.broadcast %mul3A_227 : i32 to vector<16xi32>
    %mul3A_229 = arith.muli %min3A_210, %mul3A_228 : vector<16xi32>
    %add3A_230 = arith.addi %mul3A_229, %convert_element_type3A_197 : vector<16xi32>
    %swap3A_231 = arith.constant 32 : index
    %swap3A_232 = tpu.vector_load %arg13[%swap3A_231] {strides = array<i32>} : memref<64xi32, #tpu.memory_space<vmem>>, vector<16xi32>,
    %swap3A_233 = vector.shape_cast %swap3A_232 : vector<16xi32> to vector<16xi32>
    %swap3A_234 = vector.shape_cast %add3A_230 : vector<16xi32> to vector<16xi32>
    tpu.vector_store %arg13[%swap3A_231], %swap3A_234 {strides = array<i32>} : memref<64xi32, #tpu.memory_space<vmem>>, vector<16xi32>,
    %mul3A_235 = arith.constant 200 : i32
    %mul3A_236 = vector.broadcast %mul3A_235 : i32 to vector<16xi32>
    %mul3A_237 = arith.muli %min3A_210, %mul3A_236 : vector<16xi32>
    %add3A_238 = arith.addi %mul3A_237, %min3A_204 : vector<16xi32>
    %swap3A_239 = arith.constant 32 : index
    %swap3A_240 = tpu.vector_load %arg14[%swap3A_239] {strides = array<i32>} : memref<64xi32, #tpu.memory_space<vmem>>, vector<16xi32>,
    %swap3A_241 = vector.shape_cast %swap3A_240 : vector<16xi32> to vector<16xi32>
    %swap3A_242 = vector.shape_cast %add3A_238 : vector<16xi32> to vector<16xi32>
    tpu.vector_store %arg14[%swap3A_239], %swap3A_242 {strides = array<i32>} : memref<64xi32, #tpu.memory_space<vmem>>, vector<16xi32>,
    %get3A_243 = arith.constant 48 : index
    %get3A_244 = tpu.vector_load %arg9[%get3A_243] {strides = array<i32>} : memref<64xf32, #tpu.memory_space<vmem>>, vector<16xf32>,
    %get3A_245 = vector.shape_cast %get3A_244 : vector<16xf32> to vector<16xf32>
    %get3A_246 = arith.constant 48 : index
    %get3A_247 = tpu.vector_load %arg10[%get3A_246] {strides = array<i32>} : memref<64xf32, #tpu.memory_space<vmem>>, vector<16xf32>,
    %get3A_248 = vector.shape_cast %get3A_247 : vector<16xf32> to vector<16xf32>
    %add3A_249 = arith.constant 4.000000e+00 : f32
    %add3A_250 = vector.broadcast %add3A_249 : f32 to vector<16xf32>
    %add3A_251 = arith.addf %get3A_245, %add3A_250 : vector<16xf32>
    %div3A_252 = arith.constant 8.000000e+00 : f32
    %div3A_253 = vector.broadcast %div3A_252 : f32 to vector<16xf32>
    %div3A_254 = arith.divf %add3A_251, %div3A_253 : vector<16xf32>
    %mul3A_255 = arith.constant 1.990000e+02 : f32
    %mul3A_256 = vector.broadcast %mul3A_255 : f32 to vector<16xf32>
    %mul3A_257 = arith.mulf %div3A_254, %mul3A_256 : vector<16xf32>
    %add3A_258 = arith.constant 4.000000e+00 : f32
    %add3A_259 = vector.broadcast %add3A_258 : f32 to vector<16xf32>
    %add3A_260 = arith.addf %get3A_248, %add3A_259 : vector<16xf32>
    %div3A_261 = arith.constant 8.000000e+00 : f32
    %div3A_262 = vector.broadcast %div3A_261 : f32 to vector<16xf32>
    %div3A_263 = arith.divf %add3A_260, %div3A_262 : vector<16xf32>
    %mul3A_264 = arith.constant 1.750000e+02 : f32
    %mul3A_265 = vector.broadcast %mul3A_264 : f32 to vector<16xf32>
    %mul3A_266 = arith.mulf %div3A_263, %mul3A_265 : vector<16xf32>
    %max3A_267 = arith.constant 0.000000e+00 : f32
    %max3A_268 = vector.broadcast %max3A_267 : f32 to vector<16xf32>
    %max3A_269 = arith.maximumf %mul3A_257, %max3A_268 : vector<16xf32>
    %min3A_270 = arith.constant 1.990000e+02 : f32
    %min3A_271 = vector.broadcast %min3A_270 : f32 to vector<16xf32>
    %min3A_272 = arith.minimumf %max3A_269, %min3A_271 : vector<16xf32>
    %max3A_273 = arith.constant 0.000000e+00 : f32
    %max3A_274 = vector.broadcast %max3A_273 : f32 to vector<16xf32>
    %max3A_275 = arith.maximumf %mul3A_266, %max3A_274 : vector<16xf32>
    %min3A_276 = arith.constant 1.750000e+02 : f32
    %min3A_277 = vector.broadcast %min3A_276 : f32 to vector<16xf32>
    %min3A_278 = arith.minimumf %max3A_275, %min3A_277 : vector<16xf32>
    %convert_element_type3A_279 = arith.fptosi %min3A_272 : vector<16xf32> to vector<16xi32>
    %convert_element_type3A_280 = arith.fptosi %min3A_278 : vector<16xf32> to vector<16xi32>
    %add3A_281 = arith.constant 1 : i32
    %add3A_282 = vector.broadcast %add3A_281 : i32 to vector<16xi32>
    %add3A_283 = arith.addi %convert_element_type3A_279, %add3A_282 : vector<16xi32>
    %min3A_284 = arith.constant 199 : i32
    %min3A_285 = vector.broadcast %min3A_284 : i32 to vector<16xi32>
    %min3A_286 = arith.minsi %add3A_283, %min3A_285 : vector<16xi32>
    %add3A_287 = arith.constant 1 : i32
    %add3A_288 = vector.broadcast %add3A_287 : i32 to vector<16xi32>
    %add3A_289 = arith.addi %convert_element_type3A_280, %add3A_288 : vector<16xi32>
    %min3A_290 = arith.constant 175 : i32
    %min3A_291 = vector.broadcast %min3A_290 : i32 to vector<16xi32>
    %min3A_292 = arith.minsi %add3A_289, %min3A_291 : vector<16xi32>
    %mul3A_293 = arith.constant 200 : i32
    %mul3A_294 = vector.broadcast %mul3A_293 : i32 to vector<16xi32>
    %mul3A_295 = arith.muli %convert_element_type3A_280, %mul3A_294 : vector<16xi32>
    %add3A_296 = arith.addi %mul3A_295, %convert_element_type3A_279 : vector<16xi32>
    %swap3A_297 = arith.constant 48 : index
    %swap3A_298 = tpu.vector_load %arg11[%swap3A_297] {strides = array<i32>} : memref<64xi32, #tpu.memory_space<vmem>>, vector<16xi32>,
    %swap3A_299 = vector.shape_cast %swap3A_298 : vector<16xi32> to vector<16xi32>
    %swap3A_300 = vector.shape_cast %add3A_296 : vector<16xi32> to vector<16xi32>
    tpu.vector_store %arg11[%swap3A_297], %swap3A_300 {strides = array<i32>} : memref<64xi32, #tpu.memory_space<vmem>>, vector<16xi32>,
    %mul3A_301 = arith.constant 200 : i32
    %mul3A_302 = vector.broadcast %mul3A_301 : i32 to vector<16xi32>
    %mul3A_303 = arith.muli %convert_element_type3A_280, %mul3A_302 : vector<16xi32>
    %add3A_304 = arith.addi %mul3A_303, %min3A_286 : vector<16xi32>
    %swap3A_305 = arith.constant 48 : index
    %swap3A_306 = tpu.vector_load %arg12[%swap3A_305] {strides = array<i32>} : memref<64xi32, #tpu.memory_space<vmem>>, vector<16xi32>,
    %swap3A_307 = vector.shape_cast %swap3A_306 : vector<16xi32> to vector<16xi32>
    %swap3A_308 = vector.shape_cast %add3A_304 : vector<16xi32> to vector<16xi32>
    tpu.vector_store %arg12[%swap3A_305], %swap3A_308 {strides = array<i32>} : memref<64xi32, #tpu.memory_space<vmem>>, vector<16xi32>,
    %mul3A_309 = arith.constant 200 : i32
    %mul3A_310 = vector.broadcast %mul3A_309 : i32 to vector<16xi32>
    %mul3A_311 = arith.muli %min3A_292, %mul3A_310 : vector<16xi32>
    %add3A_312 = arith.addi %mul3A_311, %convert_element_type3A_279 : vector<16xi32>
    %swap3A_313 = arith.constant 48 : index
    %swap3A_314 = tpu.vector_load %arg13[%swap3A_313] {strides = array<i32>} : memref<64xi32, #tpu.memory_space<vmem>>, vector<16xi32>,
    %swap3A_315 = vector.shape_cast %swap3A_314 : vector<16xi32> to vector<16xi32>
    %swap3A_316 = vector.shape_cast %add3A_312 : vector<16xi32> to vector<16xi32>
    tpu.vector_store %arg13[%swap3A_313], %swap3A_316 {strides = array<i32>} : memref<64xi32, #tpu.memory_space<vmem>>, vector<16xi32>,
    %mul3A_317 = arith.constant 200 : i32
    %mul3A_318 = vector.broadcast %mul3A_317 : i32 to vector<16xi32>
    %mul3A_319 = arith.muli %min3A_292, %mul3A_318 : vector<16xi32>
    %add3A_320 = arith.addi %mul3A_319, %min3A_286 : vector<16xi32>
    %swap3A_321 = arith.constant 48 : index
    %swap3A_322 = tpu.vector_load %arg14[%swap3A_321] {strides = array<i32>} : memref<64xi32, #tpu.memory_space<vmem>>, vector<16xi32>,
    %swap3A_323 = vector.shape_cast %swap3A_322 : vector<16xi32> to vector<16xi32>
    %swap3A_324 = vector.shape_cast %add3A_320 : vector<16xi32> to vector<16xi32>
    tpu.vector_store %arg14[%swap3A_321], %swap3A_324 {strides = array<i32>} : memref<64xi32, #tpu.memory_space<vmem>>, vector<16xi32>,
    %dma_start3A = arith.constant 0 : i32
    %dma_start3A_325 = arith.constant 0 : i32
    %dma_start3A_326 = tpu.memref_slice %arg2[%dma_start3A, %dma_start3A_325] : memref<35200x256xf32, #tpu.memory_space<hbm>> -> memref<35200x256xf32, #tpu.memory_space<hbm>>
    tpu.enqueue_indirect_dma source(%dma_start3A_326 : memref<35200x256xf32, #tpu.memory_space<hbm>>) target(%arg15 : memref<64x256xf32, #tpu.memory_space<vmem>>) offsets(%arg11 : memref<64xi32, #tpu.memory_space<vmem>>) semaphore(%arg19 : memref<!tpu.dma_semaphore, #tpu.memory_space<semaphore_mem>>)
    %dma_start3A_327 = arith.constant 0 : i32
    %dma_start3A_328 = arith.constant 0 : i32
    %dma_start3A_329 = tpu.memref_slice %arg2[%dma_start3A_327, %dma_start3A_328] : memref<35200x256xf32, #tpu.memory_space<hbm>> -> memref<35200x256xf32, #tpu.memory_space<hbm>>
    tpu.enqueue_indirect_dma source(%dma_start3A_329 : memref<35200x256xf32, #tpu.memory_space<hbm>>) target(%arg16 : memref<64x256xf32, #tpu.memory_space<vmem>>) offsets(%arg12 : memref<64xi32, #tpu.memory_space<vmem>>) semaphore(%arg19 : memref<!tpu.dma_semaphore, #tpu.memory_space<semaphore_mem>>)
    %dma_start3A_330 = arith.constant 0 : i32
    %dma_start3A_331 = arith.constant 0 : i32
    %dma_start3A_332 = tpu.memref_slice %arg2[%dma_start3A_330, %dma_start3A_331] : memref<35200x256xf32, #tpu.memory_space<hbm>> -> memref<35200x256xf32, #tpu.memory_space<hbm>>
    tpu.enqueue_indirect_dma source(%dma_start3A_332 : memref<35200x256xf32, #tpu.memory_space<hbm>>) target(%arg17 : memref<64x256xf32, #tpu.memory_space<vmem>>) offsets(%arg13 : memref<64xi32, #tpu.memory_space<vmem>>) semaphore(%arg19 : memref<!tpu.dma_semaphore, #tpu.memory_space<semaphore_mem>>)
    %dma_start3A_333 = arith.constant 0 : i32
    %dma_start3A_334 = arith.constant 0 : i32
    %dma_start3A_335 = tpu.memref_slice %arg2[%dma_start3A_333, %dma_start3A_334] : memref<35200x256xf32, #tpu.memory_space<hbm>> -> memref<35200x256xf32, #tpu.memory_space<hbm>>
    tpu.enqueue_indirect_dma source(%dma_start3A_335 : memref<35200x256xf32, #tpu.memory_space<hbm>>) target(%arg18 : memref<64x256xf32, #tpu.memory_space<vmem>>) offsets(%arg14 : memref<64xi32, #tpu.memory_space<vmem>>) semaphore(%arg19 : memref<!tpu.dma_semaphore, #tpu.memory_space<semaphore_mem>>)
    %dma_wait3A = arith.constant 0 : i32
    %dma_wait3A_336 = arith.constant 0 : i32
    %dma_wait3A_337 = tpu.memref_slice %arg2[%dma_wait3A, %dma_wait3A_336] : memref<35200x256xf32, #tpu.memory_space<hbm>> -> memref<35200x256xf32, #tpu.memory_space<hbm>>
    tpu.wait_indirect_dma semaphore(%arg19 : memref<!tpu.dma_semaphore, #tpu.memory_space<semaphore_mem>>) src(%dma_wait3A_337 : memref<35200x256xf32, #tpu.memory_space<hbm>>) dst(%arg15 : memref<64x256xf32, #tpu.memory_space<vmem>>)
    %dma_wait3A_338 = arith.constant 0 : i32
    %dma_wait3A_339 = arith.constant 0 : i32
    %dma_wait3A_340 = tpu.memref_slice %arg2[%dma_wait3A_338, %dma_wait3A_339] : memref<35200x256xf32, #tpu.memory_space<hbm>> -> memref<35200x256xf32, #tpu.memory_space<hbm>>
    tpu.wait_indirect_dma semaphore(%arg19 : memref<!tpu.dma_semaphore, #tpu.memory_space<semaphore_mem>>) src(%dma_wait3A_340 : memref<35200x256xf32, #tpu.memory_space<hbm>>) dst(%arg16 : memref<64x256xf32, #tpu.memory_space<vmem>>)
    %dma_wait3A_341 = arith.constant 0 : i32
    %dma_wait3A_342 = arith.constant 0 : i32
    %dma_wait3A_343 = tpu.memref_slice %arg2[%dma_wait3A_341, %dma_wait3A_342] : memref<35200x256xf32, #tpu.memory_space<hbm>> -> memref<35200x256xf32, #tpu.memory_space<hbm>>
    tpu.wait_indirect_dma semaphore(%arg19 : memref<!tpu.dma_semaphore, #tpu.memory_space<semaphore_mem>>) src(%dma_wait3A_343 : memref<35200x256xf32, #tpu.memory_space<hbm>>) dst(%arg17 : memref<64x256xf32, #tpu.memory_space<vmem>>)
    %dma_wait3A_344 = arith.constant 0 : i32
    %dma_wait3A_345 = arith.constant 0 : i32
    %dma_wait3A_346 = tpu.memref_slice %arg2[%dma_wait3A_344, %dma_wait3A_345] : memref<35200x256xf32, #tpu.memory_space<hbm>> -> memref<35200x256xf32, #tpu.memory_space<hbm>>
    tpu.wait_indirect_dma semaphore(%arg19 : memref<!tpu.dma_semaphore, #tpu.memory_space<semaphore_mem>>) src(%dma_wait3A_346 : memref<35200x256xf32, #tpu.memory_space<hbm>>) dst(%arg18 : memref<64x256xf32, #tpu.memory_space<vmem>>)
    "tpu.region"() ({
      %run_scoped3A = tpu.sem_alloc : memref<!tpu.dma_semaphore, #tpu.memory_space<semaphore_mem>>
      %dma_start3A_347 = arith.constant 0 : i32
      %dma_start3A_348 = tpu.memref_slice %arg5[%mul3A_2, %dma_start3A_347] : memref<2048x256xf32, #tpu.memory_space<hbm>> -> memref<64x256xf32, #tpu.memory_space<hbm>>
      %dma_start3A_349 = arith.constant 0 : i32
      %dma_start3A_350 = tpu.memref_slice %arg5[%mul3A_2, %dma_start3A_349] : memref<2048x256xf32, #tpu.memory_space<hbm>> -> memref<64x256xf32, #tpu.memory_space<hbm>>
      tpu.enqueue_dma source(%arg15 : memref<64x256xf32, #tpu.memory_space<vmem>>) target(%dma_start3A_350 : memref<64x256xf32, #tpu.memory_space<hbm>>) target_semaphore(%run_scoped3A : memref<!tpu.dma_semaphore, #tpu.memory_space<semaphore_mem>>)
      %dma_wait3A_351 = arith.constant 0 : i32
      %dma_wait3A_352 = tpu.memref_slice %arg5[%mul3A_2, %dma_wait3A_351] : memref<2048x256xf32, #tpu.memory_space<hbm>> -> memref<64x256xf32, #tpu.memory_space<hbm>>
      %dma_wait3A_353 = arith.constant 0 : i32
      %dma_wait3A_354 = tpu.memref_slice %arg5[%mul3A_2, %dma_wait3A_353] : memref<2048x256xf32, #tpu.memory_space<hbm>> -> memref<64x256xf32, #tpu.memory_space<hbm>>
      tpu.wait_dma2 semaphore(%run_scoped3A : memref<!tpu.dma_semaphore, #tpu.memory_space<semaphore_mem>>) src(%arg15 : memref<64x256xf32, #tpu.memory_space<vmem>>) dst(%dma_wait3A_354 : memref<64x256xf32, #tpu.memory_space<hbm>>)
      tpu.yield
    }) : () -> ()
    "tpu.region"() ({
      %run_scoped3A = tpu.sem_alloc : memref<!tpu.dma_semaphore, #tpu.memory_space<semaphore_mem>>
      %dma_start3A_347 = arith.constant 0 : i32
      %dma_start3A_348 = tpu.memref_slice %arg6[%mul3A_2, %dma_start3A_347] : memref<2048x256xf32, #tpu.memory_space<hbm>> -> memref<64x256xf32, #tpu.memory_space<hbm>>
      %dma_start3A_349 = arith.constant 0 : i32
      %dma_start3A_350 = tpu.memref_slice %arg6[%mul3A_2, %dma_start3A_349] : memref<2048x256xf32, #tpu.memory_space<hbm>> -> memref<64x256xf32, #tpu.memory_space<hbm>>
      tpu.enqueue_dma source(%arg16 : memref<64x256xf32, #tpu.memory_space<vmem>>) target(%dma_start3A_350 : memref<64x256xf32, #tpu.memory_space<hbm>>) target_semaphore(%run_scoped3A : memref<!tpu.dma_semaphore, #tpu.memory_space<semaphore_mem>>)
      %dma_wait3A_351 = arith.constant 0 : i32
      %dma_wait3A_352 = tpu.memref_slice %arg6[%mul3A_2, %dma_wait3A_351] : memref<2048x256xf32, #tpu.memory_space<hbm>> -> memref<64x256xf32, #tpu.memory_space<hbm>>
      %dma_wait3A_353 = arith.constant 0 : i32
      %dma_wait3A_354 = tpu.memref_slice %arg6[%mul3A_2, %dma_wait3A_353] : memref<2048x256xf32, #tpu.memory_space<hbm>> -> memref<64x256xf32, #tpu.memory_space<hbm>>
      tpu.wait_dma2 semaphore(%run_scoped3A : memref<!tpu.dma_semaphore, #tpu.memory_space<semaphore_mem>>) src(%arg16 : memref<64x256xf32, #tpu.memory_space<vmem>>) dst(%dma_wait3A_354 : memref<64x256xf32, #tpu.memory_space<hbm>>)
      tpu.yield
    }) : () -> ()
    "tpu.region"() ({
      %run_scoped3A = tpu.sem_alloc : memref<!tpu.dma_semaphore, #tpu.memory_space<semaphore_mem>>
      %dma_start3A_347 = arith.constant 0 : i32
      %dma_start3A_348 = tpu.memref_slice %arg7[%mul3A_2, %dma_start3A_347] : memref<2048x256xf32, #tpu.memory_space<hbm>> -> memref<64x256xf32, #tpu.memory_space<hbm>>
      %dma_start3A_349 = arith.constant 0 : i32
      %dma_start3A_350 = tpu.memref_slice %arg7[%mul3A_2, %dma_start3A_349] : memref<2048x256xf32, #tpu.memory_space<hbm>> -> memref<64x256xf32, #tpu.memory_space<hbm>>
      tpu.enqueue_dma source(%arg17 : memref<64x256xf32, #tpu.memory_space<vmem>>) target(%dma_start3A_350 : memref<64x256xf32, #tpu.memory_space<hbm>>) target_semaphore(%run_scoped3A : memref<!tpu.dma_semaphore, #tpu.memory_space<semaphore_mem>>)
      %dma_wait3A_351 = arith.constant 0 : i32
      %dma_wait3A_352 = tpu.memref_slice %arg7[%mul3A_2, %dma_wait3A_351] : memref<2048x256xf32, #tpu.memory_space<hbm>> -> memref<64x256xf32, #tpu.memory_space<hbm>>
      %dma_wait3A_353 = arith.constant 0 : i32
      %dma_wait3A_354 = tpu.memref_slice %arg7[%mul3A_2, %dma_wait3A_353] : memref<2048x256xf32, #tpu.memory_space<hbm>> -> memref<64x256xf32, #tpu.memory_space<hbm>>
      tpu.wait_dma2 semaphore(%run_scoped3A : memref<!tpu.dma_semaphore, #tpu.memory_space<semaphore_mem>>) src(%arg17 : memref<64x256xf32, #tpu.memory_space<vmem>>) dst(%dma_wait3A_354 : memref<64x256xf32, #tpu.memory_space<hbm>>)
      tpu.yield
    }) : () -> ()
    "tpu.region"() ({
      %run_scoped3A = tpu.sem_alloc : memref<!tpu.dma_semaphore, #tpu.memory_space<semaphore_mem>>
      %dma_start3A_347 = arith.constant 0 : i32
      %dma_start3A_348 = tpu.memref_slice %arg8[%mul3A_2, %dma_start3A_347] : memref<2048x256xf32, #tpu.memory_space<hbm>> -> memref<64x256xf32, #tpu.memory_space<hbm>>
      %dma_start3A_349 = arith.constant 0 : i32
      %dma_start3A_350 = tpu.memref_slice %arg8[%mul3A_2, %dma_start3A_349] : memref<2048x256xf32, #tpu.memory_space<hbm>> -> memref<64x256xf32, #tpu.memory_space<hbm>>
      tpu.enqueue_dma source(%arg18 : memref<64x256xf32, #tpu.memory_space<vmem>>) target(%dma_start3A_350 : memref<64x256xf32, #tpu.memory_space<hbm>>) target_semaphore(%run_scoped3A : memref<!tpu.dma_semaphore, #tpu.memory_space<semaphore_mem>>)
      %dma_wait3A_351 = arith.constant 0 : i32
      %dma_wait3A_352 = tpu.memref_slice %arg8[%mul3A_2, %dma_wait3A_351] : memref<2048x256xf32, #tpu.memory_space<hbm>> -> memref<64x256xf32, #tpu.memory_space<hbm>>
      %dma_wait3A_353 = arith.constant 0 : i32
      %dma_wait3A_354 = tpu.memref_slice %arg8[%mul3A_2, %dma_wait3A_353] : memref<2048x256xf32, #tpu.memory_space<hbm>> -> memref<64x256xf32, #tpu.memory_space<hbm>>
      tpu.wait_dma2 semaphore(%run_scoped3A : memref<!tpu.dma_semaphore, #tpu.memory_space<semaphore_mem>>) src(%arg18 : memref<64x256xf32, #tpu.memory_space<vmem>>) dst(%dma_wait3A_354 : memref<64x256xf32, #tpu.memory_space<hbm>>)
      tpu.yield
    }) : () -> ()
    return
  }
}

#map = affine_map<(d0, d1) -> (0, 0)>
#map1 = affine_map<(d0, d1) -> (0, 0, 0)>
module attributes {stable_mosaic.version = 14 : i64} {
  func.func @k(%arg0: i32, %arg1: i32, %arg2: memref<20000x128xf32, #tpu.memory_space<hbm>>, %arg3: memref<32x16x128xi32, #tpu.memory_space<hbm>>, %arg4: memref<65536x128xf32, #tpu.memory_space<hbm>>, %arg5: memref<16x128xi32, #tpu.memory_space<vmem>>, %arg6: memref<128x128xf32, #tpu.memory_space<vmem>>, %arg7: memref<128x128xf32, #tpu.memory_space<vmem>>, %arg8: memref<!tpu.dma_semaphore, #tpu.memory_space<semaphore_mem>>, %arg9: memref<!tpu.dma_semaphore, #tpu.memory_space<semaphore_mem>>) attributes {dimension_semantics = [#tpu.dimension_semantics<core_parallel>, #tpu.dimension_semantics<subcore_parallel>], iteration_bounds = array<i64: 2, 16>, scalar_prefetch = 0 : i64, scratch_operands = 5 : i64, tpu.core_type = #tpu.core_type<sc_vector_subcore>, window_params = [{transform_indices = #map}, {transform_indices = #map1}, {transform_indices = #map}]} {
    %mul3A = arith.constant 2 : i32
    %mul3A_0 = arith.muli %arg1, %mul3A : i32
    %add3A = arith.addi %mul3A_0, %arg0 : i32
    %mul3A_1 = arith.constant 2048 : i32
    %mul3A_2 = arith.muli %add3A, %mul3A_1 : i32
    "tpu.region"() ({
      %run_scoped3A = tpu.sem_alloc : memref<!tpu.dma_semaphore, #tpu.memory_space<semaphore_mem>>
      %dma_start3A_257 = arith.constant 0 : i32
      %dma_start3A_258 = arith.constant 0 : i32
      %dma_start3A_259 = tpu.memref_slice %arg3[%add3A, %dma_start3A_257, %dma_start3A_258] : memref<32x16x128xi32, #tpu.memory_space<hbm>> -> memref<1x16x128xi32, #tpu.memory_space<hbm>>
      %dma_start3A_260 = tpu.memref_squeeze %dma_start3A_259 : memref<1x16x128xi32, #tpu.memory_space<hbm>> -> memref<16x128xi32, #tpu.memory_space<hbm>>
      %dma_start3A_261 = arith.constant 0 : i32
      %dma_start3A_262 = arith.constant 0 : i32
      %dma_start3A_263 = tpu.memref_slice %arg3[%add3A, %dma_start3A_261, %dma_start3A_262] : memref<32x16x128xi32, #tpu.memory_space<hbm>> -> memref<1x16x128xi32, #tpu.memory_space<hbm>>
      %dma_start3A_264 = tpu.memref_squeeze %dma_start3A_263 : memref<1x16x128xi32, #tpu.memory_space<hbm>> -> memref<16x128xi32, #tpu.memory_space<hbm>>
      tpu.enqueue_dma source(%dma_start3A_264 : memref<16x128xi32, #tpu.memory_space<hbm>>) target(%arg5 : memref<16x128xi32, #tpu.memory_space<vmem>>) target_semaphore(%run_scoped3A : memref<!tpu.dma_semaphore, #tpu.memory_space<semaphore_mem>>)
      %dma_wait3A_265 = arith.constant 0 : i32
      %dma_wait3A_266 = arith.constant 0 : i32
      %dma_wait3A_267 = tpu.memref_slice %arg3[%add3A, %dma_wait3A_265, %dma_wait3A_266] : memref<32x16x128xi32, #tpu.memory_space<hbm>> -> memref<1x16x128xi32, #tpu.memory_space<hbm>>
      %dma_wait3A_268 = tpu.memref_squeeze %dma_wait3A_267 : memref<1x16x128xi32, #tpu.memory_space<hbm>> -> memref<16x128xi32, #tpu.memory_space<hbm>>
      %dma_wait3A_269 = arith.constant 0 : i32
      %dma_wait3A_270 = arith.constant 0 : i32
      %dma_wait3A_271 = tpu.memref_slice %arg3[%add3A, %dma_wait3A_269, %dma_wait3A_270] : memref<32x16x128xi32, #tpu.memory_space<hbm>> -> memref<1x16x128xi32, #tpu.memory_space<hbm>>
      %dma_wait3A_272 = tpu.memref_squeeze %dma_wait3A_271 : memref<1x16x128xi32, #tpu.memory_space<hbm>> -> memref<16x128xi32, #tpu.memory_space<hbm>>
      tpu.wait_dma2 semaphore(%run_scoped3A : memref<!tpu.dma_semaphore, #tpu.memory_space<semaphore_mem>>) src(%dma_wait3A_272 : memref<16x128xi32, #tpu.memory_space<hbm>>) dst(%arg5 : memref<16x128xi32, #tpu.memory_space<vmem>>)
      tpu.yield
    }) : () -> ()
    %dma_start3A = arith.constant 0 : i32
    %dma_start3A_3 = arith.constant 0 : i32
    %dma_start3A_4 = tpu.memref_slice %arg5[%dma_start3A, %dma_start3A_3] : memref<16x128xi32, #tpu.memory_space<vmem>> -> memref<1x128xi32, #tpu.memory_space<vmem>>
    %dma_start3A_5 = tpu.memref_squeeze %dma_start3A_4 : memref<1x128xi32, #tpu.memory_space<vmem>> -> memref<128xi32, #tpu.memory_space<vmem>>
    %dma_start3A_6 = arith.constant 0 : i32
    %dma_start3A_7 = arith.constant 0 : i32
    %dma_start3A_8 = tpu.memref_slice %arg2[%dma_start3A_6, %dma_start3A_7] : memref<20000x128xf32, #tpu.memory_space<hbm>> -> memref<20000x128xf32, #tpu.memory_space<hbm>>
    tpu.enqueue_indirect_dma source(%dma_start3A_8 : memref<20000x128xf32, #tpu.memory_space<hbm>>) target(%arg6 : memref<128x128xf32, #tpu.memory_space<vmem>>) offsets(%dma_start3A_5 : memref<128xi32, #tpu.memory_space<vmem>>) semaphore(%arg8 : memref<!tpu.dma_semaphore, #tpu.memory_space<semaphore_mem>>)
    %dma_start3A_9 = arith.constant 1 : i32
    %dma_start3A_10 = arith.constant 0 : i32
    %dma_start3A_11 = tpu.memref_slice %arg5[%dma_start3A_9, %dma_start3A_10] : memref<16x128xi32, #tpu.memory_space<vmem>> -> memref<1x128xi32, #tpu.memory_space<vmem>>
    %dma_start3A_12 = tpu.memref_squeeze %dma_start3A_11 : memref<1x128xi32, #tpu.memory_space<vmem>> -> memref<128xi32, #tpu.memory_space<vmem>>
    %dma_start3A_13 = arith.constant 0 : i32
    %dma_start3A_14 = arith.constant 0 : i32
    %dma_start3A_15 = tpu.memref_slice %arg2[%dma_start3A_13, %dma_start3A_14] : memref<20000x128xf32, #tpu.memory_space<hbm>> -> memref<20000x128xf32, #tpu.memory_space<hbm>>
    tpu.enqueue_indirect_dma source(%dma_start3A_15 : memref<20000x128xf32, #tpu.memory_space<hbm>>) target(%arg7 : memref<128x128xf32, #tpu.memory_space<vmem>>) offsets(%dma_start3A_12 : memref<128xi32, #tpu.memory_space<vmem>>) semaphore(%arg9 : memref<!tpu.dma_semaphore, #tpu.memory_space<semaphore_mem>>)
    %dma_wait3A = arith.constant 0 : i32
    %dma_wait3A_16 = arith.constant 0 : i32
    %dma_wait3A_17 = tpu.memref_slice %arg5[%dma_wait3A, %dma_wait3A_16] : memref<16x128xi32, #tpu.memory_space<vmem>> -> memref<1x128xi32, #tpu.memory_space<vmem>>
    %dma_wait3A_18 = tpu.memref_squeeze %dma_wait3A_17 : memref<1x128xi32, #tpu.memory_space<vmem>> -> memref<128xi32, #tpu.memory_space<vmem>>
    %dma_wait3A_19 = arith.constant 0 : i32
    %dma_wait3A_20 = arith.constant 0 : i32
    %dma_wait3A_21 = tpu.memref_slice %arg2[%dma_wait3A_19, %dma_wait3A_20] : memref<20000x128xf32, #tpu.memory_space<hbm>> -> memref<20000x128xf32, #tpu.memory_space<hbm>>
    tpu.wait_indirect_dma semaphore(%arg8 : memref<!tpu.dma_semaphore, #tpu.memory_space<semaphore_mem>>) src(%dma_wait3A_21 : memref<20000x128xf32, #tpu.memory_space<hbm>>) dst(%arg6 : memref<128x128xf32, #tpu.memory_space<vmem>>)
    %add3A_22 = arith.constant 0 : i32
    %add3A_23 = arith.addi %mul3A_2, %add3A_22 : i32
    "tpu.region"() ({
      %run_scoped3A = tpu.sem_alloc : memref<!tpu.dma_semaphore, #tpu.memory_space<semaphore_mem>>
      %dma_start3A_257 = arith.constant 0 : i32
      %dma_start3A_258 = tpu.memref_slice %arg4[%add3A_23, %dma_start3A_257] : memref<65536x128xf32, #tpu.memory_space<hbm>> -> memref<128x128xf32, #tpu.memory_space<hbm>>
      %dma_start3A_259 = arith.constant 0 : i32
      %dma_start3A_260 = tpu.memref_slice %arg4[%add3A_23, %dma_start3A_259] : memref<65536x128xf32, #tpu.memory_space<hbm>> -> memref<128x128xf32, #tpu.memory_space<hbm>>
      tpu.enqueue_dma source(%arg6 : memref<128x128xf32, #tpu.memory_space<vmem>>) target(%dma_start3A_260 : memref<128x128xf32, #tpu.memory_space<hbm>>) target_semaphore(%run_scoped3A : memref<!tpu.dma_semaphore, #tpu.memory_space<semaphore_mem>>)
      %dma_wait3A_261 = arith.constant 0 : i32
      %dma_wait3A_262 = tpu.memref_slice %arg4[%add3A_23, %dma_wait3A_261] : memref<65536x128xf32, #tpu.memory_space<hbm>> -> memref<128x128xf32, #tpu.memory_space<hbm>>
      %dma_wait3A_263 = arith.constant 0 : i32
      %dma_wait3A_264 = tpu.memref_slice %arg4[%add3A_23, %dma_wait3A_263] : memref<65536x128xf32, #tpu.memory_space<hbm>> -> memref<128x128xf32, #tpu.memory_space<hbm>>
      tpu.wait_dma2 semaphore(%run_scoped3A : memref<!tpu.dma_semaphore, #tpu.memory_space<semaphore_mem>>) src(%arg6 : memref<128x128xf32, #tpu.memory_space<vmem>>) dst(%dma_wait3A_264 : memref<128x128xf32, #tpu.memory_space<hbm>>)
      tpu.yield
    }) : () -> ()
    %dma_start3A_24 = arith.constant 2 : i32
    %dma_start3A_25 = arith.constant 0 : i32
    %dma_start3A_26 = tpu.memref_slice %arg5[%dma_start3A_24, %dma_start3A_25] : memref<16x128xi32, #tpu.memory_space<vmem>> -> memref<1x128xi32, #tpu.memory_space<vmem>>
    %dma_start3A_27 = tpu.memref_squeeze %dma_start3A_26 : memref<1x128xi32, #tpu.memory_space<vmem>> -> memref<128xi32, #tpu.memory_space<vmem>>
    %dma_start3A_28 = arith.constant 0 : i32
    %dma_start3A_29 = arith.constant 0 : i32
    %dma_start3A_30 = tpu.memref_slice %arg2[%dma_start3A_28, %dma_start3A_29] : memref<20000x128xf32, #tpu.memory_space<hbm>> -> memref<20000x128xf32, #tpu.memory_space<hbm>>
    tpu.enqueue_indirect_dma source(%dma_start3A_30 : memref<20000x128xf32, #tpu.memory_space<hbm>>) target(%arg6 : memref<128x128xf32, #tpu.memory_space<vmem>>) offsets(%dma_start3A_27 : memref<128xi32, #tpu.memory_space<vmem>>) semaphore(%arg8 : memref<!tpu.dma_semaphore, #tpu.memory_space<semaphore_mem>>)
    %dma_wait3A_31 = arith.constant 1 : i32
    %dma_wait3A_32 = arith.constant 0 : i32
    %dma_wait3A_33 = tpu.memref_slice %arg5[%dma_wait3A_31, %dma_wait3A_32] : memref<16x128xi32, #tpu.memory_space<vmem>> -> memref<1x128xi32, #tpu.memory_space<vmem>>
    %dma_wait3A_34 = tpu.memref_squeeze %dma_wait3A_33 : memref<1x128xi32, #tpu.memory_space<vmem>> -> memref<128xi32, #tpu.memory_space<vmem>>
    %dma_wait3A_35 = arith.constant 0 : i32
    %dma_wait3A_36 = arith.constant 0 : i32
    %dma_wait3A_37 = tpu.memref_slice %arg2[%dma_wait3A_35, %dma_wait3A_36] : memref<20000x128xf32, #tpu.memory_space<hbm>> -> memref<20000x128xf32, #tpu.memory_space<hbm>>
    tpu.wait_indirect_dma semaphore(%arg9 : memref<!tpu.dma_semaphore, #tpu.memory_space<semaphore_mem>>) src(%dma_wait3A_37 : memref<20000x128xf32, #tpu.memory_space<hbm>>) dst(%arg7 : memref<128x128xf32, #tpu.memory_space<vmem>>)
    %add3A_38 = arith.constant 128 : i32
    %add3A_39 = arith.addi %mul3A_2, %add3A_38 : i32
    "tpu.region"() ({
      %run_scoped3A = tpu.sem_alloc : memref<!tpu.dma_semaphore, #tpu.memory_space<semaphore_mem>>
      %dma_start3A_257 = arith.constant 0 : i32
      %dma_start3A_258 = tpu.memref_slice %arg4[%add3A_39, %dma_start3A_257] : memref<65536x128xf32, #tpu.memory_space<hbm>> -> memref<128x128xf32, #tpu.memory_space<hbm>>
      %dma_start3A_259 = arith.constant 0 : i32
      %dma_start3A_260 = tpu.memref_slice %arg4[%add3A_39, %dma_start3A_259] : memref<65536x128xf32, #tpu.memory_space<hbm>> -> memref<128x128xf32, #tpu.memory_space<hbm>>
      tpu.enqueue_dma source(%arg7 : memref<128x128xf32, #tpu.memory_space<vmem>>) target(%dma_start3A_260 : memref<128x128xf32, #tpu.memory_space<hbm>>) target_semaphore(%run_scoped3A : memref<!tpu.dma_semaphore, #tpu.memory_space<semaphore_mem>>)
      %dma_wait3A_261 = arith.constant 0 : i32
      %dma_wait3A_262 = tpu.memref_slice %arg4[%add3A_39, %dma_wait3A_261] : memref<65536x128xf32, #tpu.memory_space<hbm>> -> memref<128x128xf32, #tpu.memory_space<hbm>>
      %dma_wait3A_263 = arith.constant 0 : i32
      %dma_wait3A_264 = tpu.memref_slice %arg4[%add3A_39, %dma_wait3A_263] : memref<65536x128xf32, #tpu.memory_space<hbm>> -> memref<128x128xf32, #tpu.memory_space<hbm>>
      tpu.wait_dma2 semaphore(%run_scoped3A : memref<!tpu.dma_semaphore, #tpu.memory_space<semaphore_mem>>) src(%arg7 : memref<128x128xf32, #tpu.memory_space<vmem>>) dst(%dma_wait3A_264 : memref<128x128xf32, #tpu.memory_space<hbm>>)
      tpu.yield
    }) : () -> ()
    %dma_start3A_40 = arith.constant 3 : i32
    %dma_start3A_41 = arith.constant 0 : i32
    %dma_start3A_42 = tpu.memref_slice %arg5[%dma_start3A_40, %dma_start3A_41] : memref<16x128xi32, #tpu.memory_space<vmem>> -> memref<1x128xi32, #tpu.memory_space<vmem>>
    %dma_start3A_43 = tpu.memref_squeeze %dma_start3A_42 : memref<1x128xi32, #tpu.memory_space<vmem>> -> memref<128xi32, #tpu.memory_space<vmem>>
    %dma_start3A_44 = arith.constant 0 : i32
    %dma_start3A_45 = arith.constant 0 : i32
    %dma_start3A_46 = tpu.memref_slice %arg2[%dma_start3A_44, %dma_start3A_45] : memref<20000x128xf32, #tpu.memory_space<hbm>> -> memref<20000x128xf32, #tpu.memory_space<hbm>>
    tpu.enqueue_indirect_dma source(%dma_start3A_46 : memref<20000x128xf32, #tpu.memory_space<hbm>>) target(%arg7 : memref<128x128xf32, #tpu.memory_space<vmem>>) offsets(%dma_start3A_43 : memref<128xi32, #tpu.memory_space<vmem>>) semaphore(%arg9 : memref<!tpu.dma_semaphore, #tpu.memory_space<semaphore_mem>>)
    %dma_wait3A_47 = arith.constant 2 : i32
    %dma_wait3A_48 = arith.constant 0 : i32
    %dma_wait3A_49 = tpu.memref_slice %arg5[%dma_wait3A_47, %dma_wait3A_48] : memref<16x128xi32, #tpu.memory_space<vmem>> -> memref<1x128xi32, #tpu.memory_space<vmem>>
    %dma_wait3A_50 = tpu.memref_squeeze %dma_wait3A_49 : memref<1x128xi32, #tpu.memory_space<vmem>> -> memref<128xi32, #tpu.memory_space<vmem>>
    %dma_wait3A_51 = arith.constant 0 : i32
    %dma_wait3A_52 = arith.constant 0 : i32
    %dma_wait3A_53 = tpu.memref_slice %arg2[%dma_wait3A_51, %dma_wait3A_52] : memref<20000x128xf32, #tpu.memory_space<hbm>> -> memref<20000x128xf32, #tpu.memory_space<hbm>>
    tpu.wait_indirect_dma semaphore(%arg8 : memref<!tpu.dma_semaphore, #tpu.memory_space<semaphore_mem>>) src(%dma_wait3A_53 : memref<20000x128xf32, #tpu.memory_space<hbm>>) dst(%arg6 : memref<128x128xf32, #tpu.memory_space<vmem>>)
    %add3A_54 = arith.constant 256 : i32
    %add3A_55 = arith.addi %mul3A_2, %add3A_54 : i32
    "tpu.region"() ({
      %run_scoped3A = tpu.sem_alloc : memref<!tpu.dma_semaphore, #tpu.memory_space<semaphore_mem>>
      %dma_start3A_257 = arith.constant 0 : i32
      %dma_start3A_258 = tpu.memref_slice %arg4[%add3A_55, %dma_start3A_257] : memref<65536x128xf32, #tpu.memory_space<hbm>> -> memref<128x128xf32, #tpu.memory_space<hbm>>
      %dma_start3A_259 = arith.constant 0 : i32
      %dma_start3A_260 = tpu.memref_slice %arg4[%add3A_55, %dma_start3A_259] : memref<65536x128xf32, #tpu.memory_space<hbm>> -> memref<128x128xf32, #tpu.memory_space<hbm>>
      tpu.enqueue_dma source(%arg6 : memref<128x128xf32, #tpu.memory_space<vmem>>) target(%dma_start3A_260 : memref<128x128xf32, #tpu.memory_space<hbm>>) target_semaphore(%run_scoped3A : memref<!tpu.dma_semaphore, #tpu.memory_space<semaphore_mem>>)
      %dma_wait3A_261 = arith.constant 0 : i32
      %dma_wait3A_262 = tpu.memref_slice %arg4[%add3A_55, %dma_wait3A_261] : memref<65536x128xf32, #tpu.memory_space<hbm>> -> memref<128x128xf32, #tpu.memory_space<hbm>>
      %dma_wait3A_263 = arith.constant 0 : i32
      %dma_wait3A_264 = tpu.memref_slice %arg4[%add3A_55, %dma_wait3A_263] : memref<65536x128xf32, #tpu.memory_space<hbm>> -> memref<128x128xf32, #tpu.memory_space<hbm>>
      tpu.wait_dma2 semaphore(%run_scoped3A : memref<!tpu.dma_semaphore, #tpu.memory_space<semaphore_mem>>) src(%arg6 : memref<128x128xf32, #tpu.memory_space<vmem>>) dst(%dma_wait3A_264 : memref<128x128xf32, #tpu.memory_space<hbm>>)
      tpu.yield
    }) : () -> ()
    %dma_start3A_56 = arith.constant 4 : i32
    %dma_start3A_57 = arith.constant 0 : i32
    %dma_start3A_58 = tpu.memref_slice %arg5[%dma_start3A_56, %dma_start3A_57] : memref<16x128xi32, #tpu.memory_space<vmem>> -> memref<1x128xi32, #tpu.memory_space<vmem>>
    %dma_start3A_59 = tpu.memref_squeeze %dma_start3A_58 : memref<1x128xi32, #tpu.memory_space<vmem>> -> memref<128xi32, #tpu.memory_space<vmem>>
    %dma_start3A_60 = arith.constant 0 : i32
    %dma_start3A_61 = arith.constant 0 : i32
    %dma_start3A_62 = tpu.memref_slice %arg2[%dma_start3A_60, %dma_start3A_61] : memref<20000x128xf32, #tpu.memory_space<hbm>> -> memref<20000x128xf32, #tpu.memory_space<hbm>>
    tpu.enqueue_indirect_dma source(%dma_start3A_62 : memref<20000x128xf32, #tpu.memory_space<hbm>>) target(%arg6 : memref<128x128xf32, #tpu.memory_space<vmem>>) offsets(%dma_start3A_59 : memref<128xi32, #tpu.memory_space<vmem>>) semaphore(%arg8 : memref<!tpu.dma_semaphore, #tpu.memory_space<semaphore_mem>>)
    %dma_wait3A_63 = arith.constant 3 : i32
    %dma_wait3A_64 = arith.constant 0 : i32
    %dma_wait3A_65 = tpu.memref_slice %arg5[%dma_wait3A_63, %dma_wait3A_64] : memref<16x128xi32, #tpu.memory_space<vmem>> -> memref<1x128xi32, #tpu.memory_space<vmem>>
    %dma_wait3A_66 = tpu.memref_squeeze %dma_wait3A_65 : memref<1x128xi32, #tpu.memory_space<vmem>> -> memref<128xi32, #tpu.memory_space<vmem>>
    %dma_wait3A_67 = arith.constant 0 : i32
    %dma_wait3A_68 = arith.constant 0 : i32
    %dma_wait3A_69 = tpu.memref_slice %arg2[%dma_wait3A_67, %dma_wait3A_68] : memref<20000x128xf32, #tpu.memory_space<hbm>> -> memref<20000x128xf32, #tpu.memory_space<hbm>>
    tpu.wait_indirect_dma semaphore(%arg9 : memref<!tpu.dma_semaphore, #tpu.memory_space<semaphore_mem>>) src(%dma_wait3A_69 : memref<20000x128xf32, #tpu.memory_space<hbm>>) dst(%arg7 : memref<128x128xf32, #tpu.memory_space<vmem>>)
    %add3A_70 = arith.constant 384 : i32
    %add3A_71 = arith.addi %mul3A_2, %add3A_70 : i32
    "tpu.region"() ({
      %run_scoped3A = tpu.sem_alloc : memref<!tpu.dma_semaphore, #tpu.memory_space<semaphore_mem>>
      %dma_start3A_257 = arith.constant 0 : i32
      %dma_start3A_258 = tpu.memref_slice %arg4[%add3A_71, %dma_start3A_257] : memref<65536x128xf32, #tpu.memory_space<hbm>> -> memref<128x128xf32, #tpu.memory_space<hbm>>
      %dma_start3A_259 = arith.constant 0 : i32
      %dma_start3A_260 = tpu.memref_slice %arg4[%add3A_71, %dma_start3A_259] : memref<65536x128xf32, #tpu.memory_space<hbm>> -> memref<128x128xf32, #tpu.memory_space<hbm>>
      tpu.enqueue_dma source(%arg7 : memref<128x128xf32, #tpu.memory_space<vmem>>) target(%dma_start3A_260 : memref<128x128xf32, #tpu.memory_space<hbm>>) target_semaphore(%run_scoped3A : memref<!tpu.dma_semaphore, #tpu.memory_space<semaphore_mem>>)
      %dma_wait3A_261 = arith.constant 0 : i32
      %dma_wait3A_262 = tpu.memref_slice %arg4[%add3A_71, %dma_wait3A_261] : memref<65536x128xf32, #tpu.memory_space<hbm>> -> memref<128x128xf32, #tpu.memory_space<hbm>>
      %dma_wait3A_263 = arith.constant 0 : i32
      %dma_wait3A_264 = tpu.memref_slice %arg4[%add3A_71, %dma_wait3A_263] : memref<65536x128xf32, #tpu.memory_space<hbm>> -> memref<128x128xf32, #tpu.memory_space<hbm>>
      tpu.wait_dma2 semaphore(%run_scoped3A : memref<!tpu.dma_semaphore, #tpu.memory_space<semaphore_mem>>) src(%arg7 : memref<128x128xf32, #tpu.memory_space<vmem>>) dst(%dma_wait3A_264 : memref<128x128xf32, #tpu.memory_space<hbm>>)
      tpu.yield
    }) : () -> ()
    %dma_start3A_72 = arith.constant 5 : i32
    %dma_start3A_73 = arith.constant 0 : i32
    %dma_start3A_74 = tpu.memref_slice %arg5[%dma_start3A_72, %dma_start3A_73] : memref<16x128xi32, #tpu.memory_space<vmem>> -> memref<1x128xi32, #tpu.memory_space<vmem>>
    %dma_start3A_75 = tpu.memref_squeeze %dma_start3A_74 : memref<1x128xi32, #tpu.memory_space<vmem>> -> memref<128xi32, #tpu.memory_space<vmem>>
    %dma_start3A_76 = arith.constant 0 : i32
    %dma_start3A_77 = arith.constant 0 : i32
    %dma_start3A_78 = tpu.memref_slice %arg2[%dma_start3A_76, %dma_start3A_77] : memref<20000x128xf32, #tpu.memory_space<hbm>> -> memref<20000x128xf32, #tpu.memory_space<hbm>>
    tpu.enqueue_indirect_dma source(%dma_start3A_78 : memref<20000x128xf32, #tpu.memory_space<hbm>>) target(%arg7 : memref<128x128xf32, #tpu.memory_space<vmem>>) offsets(%dma_start3A_75 : memref<128xi32, #tpu.memory_space<vmem>>) semaphore(%arg9 : memref<!tpu.dma_semaphore, #tpu.memory_space<semaphore_mem>>)
    %dma_wait3A_79 = arith.constant 4 : i32
    %dma_wait3A_80 = arith.constant 0 : i32
    %dma_wait3A_81 = tpu.memref_slice %arg5[%dma_wait3A_79, %dma_wait3A_80] : memref<16x128xi32, #tpu.memory_space<vmem>> -> memref<1x128xi32, #tpu.memory_space<vmem>>
    %dma_wait3A_82 = tpu.memref_squeeze %dma_wait3A_81 : memref<1x128xi32, #tpu.memory_space<vmem>> -> memref<128xi32, #tpu.memory_space<vmem>>
    %dma_wait3A_83 = arith.constant 0 : i32
    %dma_wait3A_84 = arith.constant 0 : i32
    %dma_wait3A_85 = tpu.memref_slice %arg2[%dma_wait3A_83, %dma_wait3A_84] : memref<20000x128xf32, #tpu.memory_space<hbm>> -> memref<20000x128xf32, #tpu.memory_space<hbm>>
    tpu.wait_indirect_dma semaphore(%arg8 : memref<!tpu.dma_semaphore, #tpu.memory_space<semaphore_mem>>) src(%dma_wait3A_85 : memref<20000x128xf32, #tpu.memory_space<hbm>>) dst(%arg6 : memref<128x128xf32, #tpu.memory_space<vmem>>)
    %add3A_86 = arith.constant 512 : i32
    %add3A_87 = arith.addi %mul3A_2, %add3A_86 : i32
    "tpu.region"() ({
      %run_scoped3A = tpu.sem_alloc : memref<!tpu.dma_semaphore, #tpu.memory_space<semaphore_mem>>
      %dma_start3A_257 = arith.constant 0 : i32
      %dma_start3A_258 = tpu.memref_slice %arg4[%add3A_87, %dma_start3A_257] : memref<65536x128xf32, #tpu.memory_space<hbm>> -> memref<128x128xf32, #tpu.memory_space<hbm>>
      %dma_start3A_259 = arith.constant 0 : i32
      %dma_start3A_260 = tpu.memref_slice %arg4[%add3A_87, %dma_start3A_259] : memref<65536x128xf32, #tpu.memory_space<hbm>> -> memref<128x128xf32, #tpu.memory_space<hbm>>
      tpu.enqueue_dma source(%arg6 : memref<128x128xf32, #tpu.memory_space<vmem>>) target(%dma_start3A_260 : memref<128x128xf32, #tpu.memory_space<hbm>>) target_semaphore(%run_scoped3A : memref<!tpu.dma_semaphore, #tpu.memory_space<semaphore_mem>>)
      %dma_wait3A_261 = arith.constant 0 : i32
      %dma_wait3A_262 = tpu.memref_slice %arg4[%add3A_87, %dma_wait3A_261] : memref<65536x128xf32, #tpu.memory_space<hbm>> -> memref<128x128xf32, #tpu.memory_space<hbm>>
      %dma_wait3A_263 = arith.constant 0 : i32
      %dma_wait3A_264 = tpu.memref_slice %arg4[%add3A_87, %dma_wait3A_263] : memref<65536x128xf32, #tpu.memory_space<hbm>> -> memref<128x128xf32, #tpu.memory_space<hbm>>
      tpu.wait_dma2 semaphore(%run_scoped3A : memref<!tpu.dma_semaphore, #tpu.memory_space<semaphore_mem>>) src(%arg6 : memref<128x128xf32, #tpu.memory_space<vmem>>) dst(%dma_wait3A_264 : memref<128x128xf32, #tpu.memory_space<hbm>>)
      tpu.yield
    }) : () -> ()
    %dma_start3A_88 = arith.constant 6 : i32
    %dma_start3A_89 = arith.constant 0 : i32
    %dma_start3A_90 = tpu.memref_slice %arg5[%dma_start3A_88, %dma_start3A_89] : memref<16x128xi32, #tpu.memory_space<vmem>> -> memref<1x128xi32, #tpu.memory_space<vmem>>
    %dma_start3A_91 = tpu.memref_squeeze %dma_start3A_90 : memref<1x128xi32, #tpu.memory_space<vmem>> -> memref<128xi32, #tpu.memory_space<vmem>>
    %dma_start3A_92 = arith.constant 0 : i32
    %dma_start3A_93 = arith.constant 0 : i32
    %dma_start3A_94 = tpu.memref_slice %arg2[%dma_start3A_92, %dma_start3A_93] : memref<20000x128xf32, #tpu.memory_space<hbm>> -> memref<20000x128xf32, #tpu.memory_space<hbm>>
    tpu.enqueue_indirect_dma source(%dma_start3A_94 : memref<20000x128xf32, #tpu.memory_space<hbm>>) target(%arg6 : memref<128x128xf32, #tpu.memory_space<vmem>>) offsets(%dma_start3A_91 : memref<128xi32, #tpu.memory_space<vmem>>) semaphore(%arg8 : memref<!tpu.dma_semaphore, #tpu.memory_space<semaphore_mem>>)
    %dma_wait3A_95 = arith.constant 5 : i32
    %dma_wait3A_96 = arith.constant 0 : i32
    %dma_wait3A_97 = tpu.memref_slice %arg5[%dma_wait3A_95, %dma_wait3A_96] : memref<16x128xi32, #tpu.memory_space<vmem>> -> memref<1x128xi32, #tpu.memory_space<vmem>>
    %dma_wait3A_98 = tpu.memref_squeeze %dma_wait3A_97 : memref<1x128xi32, #tpu.memory_space<vmem>> -> memref<128xi32, #tpu.memory_space<vmem>>
    %dma_wait3A_99 = arith.constant 0 : i32
    %dma_wait3A_100 = arith.constant 0 : i32
    %dma_wait3A_101 = tpu.memref_slice %arg2[%dma_wait3A_99, %dma_wait3A_100] : memref<20000x128xf32, #tpu.memory_space<hbm>> -> memref<20000x128xf32, #tpu.memory_space<hbm>>
    tpu.wait_indirect_dma semaphore(%arg9 : memref<!tpu.dma_semaphore, #tpu.memory_space<semaphore_mem>>) src(%dma_wait3A_101 : memref<20000x128xf32, #tpu.memory_space<hbm>>) dst(%arg7 : memref<128x128xf32, #tpu.memory_space<vmem>>)
    %add3A_102 = arith.constant 640 : i32
    %add3A_103 = arith.addi %mul3A_2, %add3A_102 : i32
    "tpu.region"() ({
      %run_scoped3A = tpu.sem_alloc : memref<!tpu.dma_semaphore, #tpu.memory_space<semaphore_mem>>
      %dma_start3A_257 = arith.constant 0 : i32
      %dma_start3A_258 = tpu.memref_slice %arg4[%add3A_103, %dma_start3A_257] : memref<65536x128xf32, #tpu.memory_space<hbm>> -> memref<128x128xf32, #tpu.memory_space<hbm>>
      %dma_start3A_259 = arith.constant 0 : i32
      %dma_start3A_260 = tpu.memref_slice %arg4[%add3A_103, %dma_start3A_259] : memref<65536x128xf32, #tpu.memory_space<hbm>> -> memref<128x128xf32, #tpu.memory_space<hbm>>
      tpu.enqueue_dma source(%arg7 : memref<128x128xf32, #tpu.memory_space<vmem>>) target(%dma_start3A_260 : memref<128x128xf32, #tpu.memory_space<hbm>>) target_semaphore(%run_scoped3A : memref<!tpu.dma_semaphore, #tpu.memory_space<semaphore_mem>>)
      %dma_wait3A_261 = arith.constant 0 : i32
      %dma_wait3A_262 = tpu.memref_slice %arg4[%add3A_103, %dma_wait3A_261] : memref<65536x128xf32, #tpu.memory_space<hbm>> -> memref<128x128xf32, #tpu.memory_space<hbm>>
      %dma_wait3A_263 = arith.constant 0 : i32
      %dma_wait3A_264 = tpu.memref_slice %arg4[%add3A_103, %dma_wait3A_263] : memref<65536x128xf32, #tpu.memory_space<hbm>> -> memref<128x128xf32, #tpu.memory_space<hbm>>
      tpu.wait_dma2 semaphore(%run_scoped3A : memref<!tpu.dma_semaphore, #tpu.memory_space<semaphore_mem>>) src(%arg7 : memref<128x128xf32, #tpu.memory_space<vmem>>) dst(%dma_wait3A_264 : memref<128x128xf32, #tpu.memory_space<hbm>>)
      tpu.yield
    }) : () -> ()
    %dma_start3A_104 = arith.constant 7 : i32
    %dma_start3A_105 = arith.constant 0 : i32
    %dma_start3A_106 = tpu.memref_slice %arg5[%dma_start3A_104, %dma_start3A_105] : memref<16x128xi32, #tpu.memory_space<vmem>> -> memref<1x128xi32, #tpu.memory_space<vmem>>
    %dma_start3A_107 = tpu.memref_squeeze %dma_start3A_106 : memref<1x128xi32, #tpu.memory_space<vmem>> -> memref<128xi32, #tpu.memory_space<vmem>>
    %dma_start3A_108 = arith.constant 0 : i32
    %dma_start3A_109 = arith.constant 0 : i32
    %dma_start3A_110 = tpu.memref_slice %arg2[%dma_start3A_108, %dma_start3A_109] : memref<20000x128xf32, #tpu.memory_space<hbm>> -> memref<20000x128xf32, #tpu.memory_space<hbm>>
    tpu.enqueue_indirect_dma source(%dma_start3A_110 : memref<20000x128xf32, #tpu.memory_space<hbm>>) target(%arg7 : memref<128x128xf32, #tpu.memory_space<vmem>>) offsets(%dma_start3A_107 : memref<128xi32, #tpu.memory_space<vmem>>) semaphore(%arg9 : memref<!tpu.dma_semaphore, #tpu.memory_space<semaphore_mem>>)
    %dma_wait3A_111 = arith.constant 6 : i32
    %dma_wait3A_112 = arith.constant 0 : i32
    %dma_wait3A_113 = tpu.memref_slice %arg5[%dma_wait3A_111, %dma_wait3A_112] : memref<16x128xi32, #tpu.memory_space<vmem>> -> memref<1x128xi32, #tpu.memory_space<vmem>>
    %dma_wait3A_114 = tpu.memref_squeeze %dma_wait3A_113 : memref<1x128xi32, #tpu.memory_space<vmem>> -> memref<128xi32, #tpu.memory_space<vmem>>
    %dma_wait3A_115 = arith.constant 0 : i32
    %dma_wait3A_116 = arith.constant 0 : i32
    %dma_wait3A_117 = tpu.memref_slice %arg2[%dma_wait3A_115, %dma_wait3A_116] : memref<20000x128xf32, #tpu.memory_space<hbm>> -> memref<20000x128xf32, #tpu.memory_space<hbm>>
    tpu.wait_indirect_dma semaphore(%arg8 : memref<!tpu.dma_semaphore, #tpu.memory_space<semaphore_mem>>) src(%dma_wait3A_117 : memref<20000x128xf32, #tpu.memory_space<hbm>>) dst(%arg6 : memref<128x128xf32, #tpu.memory_space<vmem>>)
    %add3A_118 = arith.constant 768 : i32
    %add3A_119 = arith.addi %mul3A_2, %add3A_118 : i32
    "tpu.region"() ({
      %run_scoped3A = tpu.sem_alloc : memref<!tpu.dma_semaphore, #tpu.memory_space<semaphore_mem>>
      %dma_start3A_257 = arith.constant 0 : i32
      %dma_start3A_258 = tpu.memref_slice %arg4[%add3A_119, %dma_start3A_257] : memref<65536x128xf32, #tpu.memory_space<hbm>> -> memref<128x128xf32, #tpu.memory_space<hbm>>
      %dma_start3A_259 = arith.constant 0 : i32
      %dma_start3A_260 = tpu.memref_slice %arg4[%add3A_119, %dma_start3A_259] : memref<65536x128xf32, #tpu.memory_space<hbm>> -> memref<128x128xf32, #tpu.memory_space<hbm>>
      tpu.enqueue_dma source(%arg6 : memref<128x128xf32, #tpu.memory_space<vmem>>) target(%dma_start3A_260 : memref<128x128xf32, #tpu.memory_space<hbm>>) target_semaphore(%run_scoped3A : memref<!tpu.dma_semaphore, #tpu.memory_space<semaphore_mem>>)
      %dma_wait3A_261 = arith.constant 0 : i32
      %dma_wait3A_262 = tpu.memref_slice %arg4[%add3A_119, %dma_wait3A_261] : memref<65536x128xf32, #tpu.memory_space<hbm>> -> memref<128x128xf32, #tpu.memory_space<hbm>>
      %dma_wait3A_263 = arith.constant 0 : i32
      %dma_wait3A_264 = tpu.memref_slice %arg4[%add3A_119, %dma_wait3A_263] : memref<65536x128xf32, #tpu.memory_space<hbm>> -> memref<128x128xf32, #tpu.memory_space<hbm>>
      tpu.wait_dma2 semaphore(%run_scoped3A : memref<!tpu.dma_semaphore, #tpu.memory_space<semaphore_mem>>) src(%arg6 : memref<128x128xf32, #tpu.memory_space<vmem>>) dst(%dma_wait3A_264 : memref<128x128xf32, #tpu.memory_space<hbm>>)
      tpu.yield
    }) : () -> ()
    %dma_start3A_120 = arith.constant 8 : i32
    %dma_start3A_121 = arith.constant 0 : i32
    %dma_start3A_122 = tpu.memref_slice %arg5[%dma_start3A_120, %dma_start3A_121] : memref<16x128xi32, #tpu.memory_space<vmem>> -> memref<1x128xi32, #tpu.memory_space<vmem>>
    %dma_start3A_123 = tpu.memref_squeeze %dma_start3A_122 : memref<1x128xi32, #tpu.memory_space<vmem>> -> memref<128xi32, #tpu.memory_space<vmem>>
    %dma_start3A_124 = arith.constant 0 : i32
    %dma_start3A_125 = arith.constant 0 : i32
    %dma_start3A_126 = tpu.memref_slice %arg2[%dma_start3A_124, %dma_start3A_125] : memref<20000x128xf32, #tpu.memory_space<hbm>> -> memref<20000x128xf32, #tpu.memory_space<hbm>>
    tpu.enqueue_indirect_dma source(%dma_start3A_126 : memref<20000x128xf32, #tpu.memory_space<hbm>>) target(%arg6 : memref<128x128xf32, #tpu.memory_space<vmem>>) offsets(%dma_start3A_123 : memref<128xi32, #tpu.memory_space<vmem>>) semaphore(%arg8 : memref<!tpu.dma_semaphore, #tpu.memory_space<semaphore_mem>>)
    %dma_wait3A_127 = arith.constant 7 : i32
    %dma_wait3A_128 = arith.constant 0 : i32
    %dma_wait3A_129 = tpu.memref_slice %arg5[%dma_wait3A_127, %dma_wait3A_128] : memref<16x128xi32, #tpu.memory_space<vmem>> -> memref<1x128xi32, #tpu.memory_space<vmem>>
    %dma_wait3A_130 = tpu.memref_squeeze %dma_wait3A_129 : memref<1x128xi32, #tpu.memory_space<vmem>> -> memref<128xi32, #tpu.memory_space<vmem>>
    %dma_wait3A_131 = arith.constant 0 : i32
    %dma_wait3A_132 = arith.constant 0 : i32
    %dma_wait3A_133 = tpu.memref_slice %arg2[%dma_wait3A_131, %dma_wait3A_132] : memref<20000x128xf32, #tpu.memory_space<hbm>> -> memref<20000x128xf32, #tpu.memory_space<hbm>>
    tpu.wait_indirect_dma semaphore(%arg9 : memref<!tpu.dma_semaphore, #tpu.memory_space<semaphore_mem>>) src(%dma_wait3A_133 : memref<20000x128xf32, #tpu.memory_space<hbm>>) dst(%arg7 : memref<128x128xf32, #tpu.memory_space<vmem>>)
    %add3A_134 = arith.constant 896 : i32
    %add3A_135 = arith.addi %mul3A_2, %add3A_134 : i32
    "tpu.region"() ({
      %run_scoped3A = tpu.sem_alloc : memref<!tpu.dma_semaphore, #tpu.memory_space<semaphore_mem>>
      %dma_start3A_257 = arith.constant 0 : i32
      %dma_start3A_258 = tpu.memref_slice %arg4[%add3A_135, %dma_start3A_257] : memref<65536x128xf32, #tpu.memory_space<hbm>> -> memref<128x128xf32, #tpu.memory_space<hbm>>
      %dma_start3A_259 = arith.constant 0 : i32
      %dma_start3A_260 = tpu.memref_slice %arg4[%add3A_135, %dma_start3A_259] : memref<65536x128xf32, #tpu.memory_space<hbm>> -> memref<128x128xf32, #tpu.memory_space<hbm>>
      tpu.enqueue_dma source(%arg7 : memref<128x128xf32, #tpu.memory_space<vmem>>) target(%dma_start3A_260 : memref<128x128xf32, #tpu.memory_space<hbm>>) target_semaphore(%run_scoped3A : memref<!tpu.dma_semaphore, #tpu.memory_space<semaphore_mem>>)
      %dma_wait3A_261 = arith.constant 0 : i32
      %dma_wait3A_262 = tpu.memref_slice %arg4[%add3A_135, %dma_wait3A_261] : memref<65536x128xf32, #tpu.memory_space<hbm>> -> memref<128x128xf32, #tpu.memory_space<hbm>>
      %dma_wait3A_263 = arith.constant 0 : i32
      %dma_wait3A_264 = tpu.memref_slice %arg4[%add3A_135, %dma_wait3A_263] : memref<65536x128xf32, #tpu.memory_space<hbm>> -> memref<128x128xf32, #tpu.memory_space<hbm>>
      tpu.wait_dma2 semaphore(%run_scoped3A : memref<!tpu.dma_semaphore, #tpu.memory_space<semaphore_mem>>) src(%arg7 : memref<128x128xf32, #tpu.memory_space<vmem>>) dst(%dma_wait3A_264 : memref<128x128xf32, #tpu.memory_space<hbm>>)
      tpu.yield
    }) : () -> ()
    %dma_start3A_136 = arith.constant 9 : i32
    %dma_start3A_137 = arith.constant 0 : i32
    %dma_start3A_138 = tpu.memref_slice %arg5[%dma_start3A_136, %dma_start3A_137] : memref<16x128xi32, #tpu.memory_space<vmem>> -> memref<1x128xi32, #tpu.memory_space<vmem>>
    %dma_start3A_139 = tpu.memref_squeeze %dma_start3A_138 : memref<1x128xi32, #tpu.memory_space<vmem>> -> memref<128xi32, #tpu.memory_space<vmem>>
    %dma_start3A_140 = arith.constant 0 : i32
    %dma_start3A_141 = arith.constant 0 : i32
    %dma_start3A_142 = tpu.memref_slice %arg2[%dma_start3A_140, %dma_start3A_141] : memref<20000x128xf32, #tpu.memory_space<hbm>> -> memref<20000x128xf32, #tpu.memory_space<hbm>>
    tpu.enqueue_indirect_dma source(%dma_start3A_142 : memref<20000x128xf32, #tpu.memory_space<hbm>>) target(%arg7 : memref<128x128xf32, #tpu.memory_space<vmem>>) offsets(%dma_start3A_139 : memref<128xi32, #tpu.memory_space<vmem>>) semaphore(%arg9 : memref<!tpu.dma_semaphore, #tpu.memory_space<semaphore_mem>>)
    %dma_wait3A_143 = arith.constant 8 : i32
    %dma_wait3A_144 = arith.constant 0 : i32
    %dma_wait3A_145 = tpu.memref_slice %arg5[%dma_wait3A_143, %dma_wait3A_144] : memref<16x128xi32, #tpu.memory_space<vmem>> -> memref<1x128xi32, #tpu.memory_space<vmem>>
    %dma_wait3A_146 = tpu.memref_squeeze %dma_wait3A_145 : memref<1x128xi32, #tpu.memory_space<vmem>> -> memref<128xi32, #tpu.memory_space<vmem>>
    %dma_wait3A_147 = arith.constant 0 : i32
    %dma_wait3A_148 = arith.constant 0 : i32
    %dma_wait3A_149 = tpu.memref_slice %arg2[%dma_wait3A_147, %dma_wait3A_148] : memref<20000x128xf32, #tpu.memory_space<hbm>> -> memref<20000x128xf32, #tpu.memory_space<hbm>>
    tpu.wait_indirect_dma semaphore(%arg8 : memref<!tpu.dma_semaphore, #tpu.memory_space<semaphore_mem>>) src(%dma_wait3A_149 : memref<20000x128xf32, #tpu.memory_space<hbm>>) dst(%arg6 : memref<128x128xf32, #tpu.memory_space<vmem>>)
    %add3A_150 = arith.constant 1024 : i32
    %add3A_151 = arith.addi %mul3A_2, %add3A_150 : i32
    "tpu.region"() ({
      %run_scoped3A = tpu.sem_alloc : memref<!tpu.dma_semaphore, #tpu.memory_space<semaphore_mem>>
      %dma_start3A_257 = arith.constant 0 : i32
      %dma_start3A_258 = tpu.memref_slice %arg4[%add3A_151, %dma_start3A_257] : memref<65536x128xf32, #tpu.memory_space<hbm>> -> memref<128x128xf32, #tpu.memory_space<hbm>>
      %dma_start3A_259 = arith.constant 0 : i32
      %dma_start3A_260 = tpu.memref_slice %arg4[%add3A_151, %dma_start3A_259] : memref<65536x128xf32, #tpu.memory_space<hbm>> -> memref<128x128xf32, #tpu.memory_space<hbm>>
      tpu.enqueue_dma source(%arg6 : memref<128x128xf32, #tpu.memory_space<vmem>>) target(%dma_start3A_260 : memref<128x128xf32, #tpu.memory_space<hbm>>) target_semaphore(%run_scoped3A : memref<!tpu.dma_semaphore, #tpu.memory_space<semaphore_mem>>)
      %dma_wait3A_261 = arith.constant 0 : i32
      %dma_wait3A_262 = tpu.memref_slice %arg4[%add3A_151, %dma_wait3A_261] : memref<65536x128xf32, #tpu.memory_space<hbm>> -> memref<128x128xf32, #tpu.memory_space<hbm>>
      %dma_wait3A_263 = arith.constant 0 : i32
      %dma_wait3A_264 = tpu.memref_slice %arg4[%add3A_151, %dma_wait3A_263] : memref<65536x128xf32, #tpu.memory_space<hbm>> -> memref<128x128xf32, #tpu.memory_space<hbm>>
      tpu.wait_dma2 semaphore(%run_scoped3A : memref<!tpu.dma_semaphore, #tpu.memory_space<semaphore_mem>>) src(%arg6 : memref<128x128xf32, #tpu.memory_space<vmem>>) dst(%dma_wait3A_264 : memref<128x128xf32, #tpu.memory_space<hbm>>)
      tpu.yield
    }) : () -> ()
    %dma_start3A_152 = arith.constant 10 : i32
    %dma_start3A_153 = arith.constant 0 : i32
    %dma_start3A_154 = tpu.memref_slice %arg5[%dma_start3A_152, %dma_start3A_153] : memref<16x128xi32, #tpu.memory_space<vmem>> -> memref<1x128xi32, #tpu.memory_space<vmem>>
    %dma_start3A_155 = tpu.memref_squeeze %dma_start3A_154 : memref<1x128xi32, #tpu.memory_space<vmem>> -> memref<128xi32, #tpu.memory_space<vmem>>
    %dma_start3A_156 = arith.constant 0 : i32
    %dma_start3A_157 = arith.constant 0 : i32
    %dma_start3A_158 = tpu.memref_slice %arg2[%dma_start3A_156, %dma_start3A_157] : memref<20000x128xf32, #tpu.memory_space<hbm>> -> memref<20000x128xf32, #tpu.memory_space<hbm>>
    tpu.enqueue_indirect_dma source(%dma_start3A_158 : memref<20000x128xf32, #tpu.memory_space<hbm>>) target(%arg6 : memref<128x128xf32, #tpu.memory_space<vmem>>) offsets(%dma_start3A_155 : memref<128xi32, #tpu.memory_space<vmem>>) semaphore(%arg8 : memref<!tpu.dma_semaphore, #tpu.memory_space<semaphore_mem>>)
    %dma_wait3A_159 = arith.constant 9 : i32
    %dma_wait3A_160 = arith.constant 0 : i32
    %dma_wait3A_161 = tpu.memref_slice %arg5[%dma_wait3A_159, %dma_wait3A_160] : memref<16x128xi32, #tpu.memory_space<vmem>> -> memref<1x128xi32, #tpu.memory_space<vmem>>
    %dma_wait3A_162 = tpu.memref_squeeze %dma_wait3A_161 : memref<1x128xi32, #tpu.memory_space<vmem>> -> memref<128xi32, #tpu.memory_space<vmem>>
    %dma_wait3A_163 = arith.constant 0 : i32
    %dma_wait3A_164 = arith.constant 0 : i32
    %dma_wait3A_165 = tpu.memref_slice %arg2[%dma_wait3A_163, %dma_wait3A_164] : memref<20000x128xf32, #tpu.memory_space<hbm>> -> memref<20000x128xf32, #tpu.memory_space<hbm>>
    tpu.wait_indirect_dma semaphore(%arg9 : memref<!tpu.dma_semaphore, #tpu.memory_space<semaphore_mem>>) src(%dma_wait3A_165 : memref<20000x128xf32, #tpu.memory_space<hbm>>) dst(%arg7 : memref<128x128xf32, #tpu.memory_space<vmem>>)
    %add3A_166 = arith.constant 1152 : i32
    %add3A_167 = arith.addi %mul3A_2, %add3A_166 : i32
    "tpu.region"() ({
      %run_scoped3A = tpu.sem_alloc : memref<!tpu.dma_semaphore, #tpu.memory_space<semaphore_mem>>
      %dma_start3A_257 = arith.constant 0 : i32
      %dma_start3A_258 = tpu.memref_slice %arg4[%add3A_167, %dma_start3A_257] : memref<65536x128xf32, #tpu.memory_space<hbm>> -> memref<128x128xf32, #tpu.memory_space<hbm>>
      %dma_start3A_259 = arith.constant 0 : i32
      %dma_start3A_260 = tpu.memref_slice %arg4[%add3A_167, %dma_start3A_259] : memref<65536x128xf32, #tpu.memory_space<hbm>> -> memref<128x128xf32, #tpu.memory_space<hbm>>
      tpu.enqueue_dma source(%arg7 : memref<128x128xf32, #tpu.memory_space<vmem>>) target(%dma_start3A_260 : memref<128x128xf32, #tpu.memory_space<hbm>>) target_semaphore(%run_scoped3A : memref<!tpu.dma_semaphore, #tpu.memory_space<semaphore_mem>>)
      %dma_wait3A_261 = arith.constant 0 : i32
      %dma_wait3A_262 = tpu.memref_slice %arg4[%add3A_167, %dma_wait3A_261] : memref<65536x128xf32, #tpu.memory_space<hbm>> -> memref<128x128xf32, #tpu.memory_space<hbm>>
      %dma_wait3A_263 = arith.constant 0 : i32
      %dma_wait3A_264 = tpu.memref_slice %arg4[%add3A_167, %dma_wait3A_263] : memref<65536x128xf32, #tpu.memory_space<hbm>> -> memref<128x128xf32, #tpu.memory_space<hbm>>
      tpu.wait_dma2 semaphore(%run_scoped3A : memref<!tpu.dma_semaphore, #tpu.memory_space<semaphore_mem>>) src(%arg7 : memref<128x128xf32, #tpu.memory_space<vmem>>) dst(%dma_wait3A_264 : memref<128x128xf32, #tpu.memory_space<hbm>>)
      tpu.yield
    }) : () -> ()
    %dma_start3A_168 = arith.constant 11 : i32
    %dma_start3A_169 = arith.constant 0 : i32
    %dma_start3A_170 = tpu.memref_slice %arg5[%dma_start3A_168, %dma_start3A_169] : memref<16x128xi32, #tpu.memory_space<vmem>> -> memref<1x128xi32, #tpu.memory_space<vmem>>
    %dma_start3A_171 = tpu.memref_squeeze %dma_start3A_170 : memref<1x128xi32, #tpu.memory_space<vmem>> -> memref<128xi32, #tpu.memory_space<vmem>>
    %dma_start3A_172 = arith.constant 0 : i32
    %dma_start3A_173 = arith.constant 0 : i32
    %dma_start3A_174 = tpu.memref_slice %arg2[%dma_start3A_172, %dma_start3A_173] : memref<20000x128xf32, #tpu.memory_space<hbm>> -> memref<20000x128xf32, #tpu.memory_space<hbm>>
    tpu.enqueue_indirect_dma source(%dma_start3A_174 : memref<20000x128xf32, #tpu.memory_space<hbm>>) target(%arg7 : memref<128x128xf32, #tpu.memory_space<vmem>>) offsets(%dma_start3A_171 : memref<128xi32, #tpu.memory_space<vmem>>) semaphore(%arg9 : memref<!tpu.dma_semaphore, #tpu.memory_space<semaphore_mem>>)
    %dma_wait3A_175 = arith.constant 10 : i32
    %dma_wait3A_176 = arith.constant 0 : i32
    %dma_wait3A_177 = tpu.memref_slice %arg5[%dma_wait3A_175, %dma_wait3A_176] : memref<16x128xi32, #tpu.memory_space<vmem>> -> memref<1x128xi32, #tpu.memory_space<vmem>>
    %dma_wait3A_178 = tpu.memref_squeeze %dma_wait3A_177 : memref<1x128xi32, #tpu.memory_space<vmem>> -> memref<128xi32, #tpu.memory_space<vmem>>
    %dma_wait3A_179 = arith.constant 0 : i32
    %dma_wait3A_180 = arith.constant 0 : i32
    %dma_wait3A_181 = tpu.memref_slice %arg2[%dma_wait3A_179, %dma_wait3A_180] : memref<20000x128xf32, #tpu.memory_space<hbm>> -> memref<20000x128xf32, #tpu.memory_space<hbm>>
    tpu.wait_indirect_dma semaphore(%arg8 : memref<!tpu.dma_semaphore, #tpu.memory_space<semaphore_mem>>) src(%dma_wait3A_181 : memref<20000x128xf32, #tpu.memory_space<hbm>>) dst(%arg6 : memref<128x128xf32, #tpu.memory_space<vmem>>)
    %add3A_182 = arith.constant 1280 : i32
    %add3A_183 = arith.addi %mul3A_2, %add3A_182 : i32
    "tpu.region"() ({
      %run_scoped3A = tpu.sem_alloc : memref<!tpu.dma_semaphore, #tpu.memory_space<semaphore_mem>>
      %dma_start3A_257 = arith.constant 0 : i32
      %dma_start3A_258 = tpu.memref_slice %arg4[%add3A_183, %dma_start3A_257] : memref<65536x128xf32, #tpu.memory_space<hbm>> -> memref<128x128xf32, #tpu.memory_space<hbm>>
      %dma_start3A_259 = arith.constant 0 : i32
      %dma_start3A_260 = tpu.memref_slice %arg4[%add3A_183, %dma_start3A_259] : memref<65536x128xf32, #tpu.memory_space<hbm>> -> memref<128x128xf32, #tpu.memory_space<hbm>>
      tpu.enqueue_dma source(%arg6 : memref<128x128xf32, #tpu.memory_space<vmem>>) target(%dma_start3A_260 : memref<128x128xf32, #tpu.memory_space<hbm>>) target_semaphore(%run_scoped3A : memref<!tpu.dma_semaphore, #tpu.memory_space<semaphore_mem>>)
      %dma_wait3A_261 = arith.constant 0 : i32
      %dma_wait3A_262 = tpu.memref_slice %arg4[%add3A_183, %dma_wait3A_261] : memref<65536x128xf32, #tpu.memory_space<hbm>> -> memref<128x128xf32, #tpu.memory_space<hbm>>
      %dma_wait3A_263 = arith.constant 0 : i32
      %dma_wait3A_264 = tpu.memref_slice %arg4[%add3A_183, %dma_wait3A_263] : memref<65536x128xf32, #tpu.memory_space<hbm>> -> memref<128x128xf32, #tpu.memory_space<hbm>>
      tpu.wait_dma2 semaphore(%run_scoped3A : memref<!tpu.dma_semaphore, #tpu.memory_space<semaphore_mem>>) src(%arg6 : memref<128x128xf32, #tpu.memory_space<vmem>>) dst(%dma_wait3A_264 : memref<128x128xf32, #tpu.memory_space<hbm>>)
      tpu.yield
    }) : () -> ()
    %dma_start3A_184 = arith.constant 12 : i32
    %dma_start3A_185 = arith.constant 0 : i32
    %dma_start3A_186 = tpu.memref_slice %arg5[%dma_start3A_184, %dma_start3A_185] : memref<16x128xi32, #tpu.memory_space<vmem>> -> memref<1x128xi32, #tpu.memory_space<vmem>>
    %dma_start3A_187 = tpu.memref_squeeze %dma_start3A_186 : memref<1x128xi32, #tpu.memory_space<vmem>> -> memref<128xi32, #tpu.memory_space<vmem>>
    %dma_start3A_188 = arith.constant 0 : i32
    %dma_start3A_189 = arith.constant 0 : i32
    %dma_start3A_190 = tpu.memref_slice %arg2[%dma_start3A_188, %dma_start3A_189] : memref<20000x128xf32, #tpu.memory_space<hbm>> -> memref<20000x128xf32, #tpu.memory_space<hbm>>
    tpu.enqueue_indirect_dma source(%dma_start3A_190 : memref<20000x128xf32, #tpu.memory_space<hbm>>) target(%arg6 : memref<128x128xf32, #tpu.memory_space<vmem>>) offsets(%dma_start3A_187 : memref<128xi32, #tpu.memory_space<vmem>>) semaphore(%arg8 : memref<!tpu.dma_semaphore, #tpu.memory_space<semaphore_mem>>)
    %dma_wait3A_191 = arith.constant 11 : i32
    %dma_wait3A_192 = arith.constant 0 : i32
    %dma_wait3A_193 = tpu.memref_slice %arg5[%dma_wait3A_191, %dma_wait3A_192] : memref<16x128xi32, #tpu.memory_space<vmem>> -> memref<1x128xi32, #tpu.memory_space<vmem>>
    %dma_wait3A_194 = tpu.memref_squeeze %dma_wait3A_193 : memref<1x128xi32, #tpu.memory_space<vmem>> -> memref<128xi32, #tpu.memory_space<vmem>>
    %dma_wait3A_195 = arith.constant 0 : i32
    %dma_wait3A_196 = arith.constant 0 : i32
    %dma_wait3A_197 = tpu.memref_slice %arg2[%dma_wait3A_195, %dma_wait3A_196] : memref<20000x128xf32, #tpu.memory_space<hbm>> -> memref<20000x128xf32, #tpu.memory_space<hbm>>
    tpu.wait_indirect_dma semaphore(%arg9 : memref<!tpu.dma_semaphore, #tpu.memory_space<semaphore_mem>>) src(%dma_wait3A_197 : memref<20000x128xf32, #tpu.memory_space<hbm>>) dst(%arg7 : memref<128x128xf32, #tpu.memory_space<vmem>>)
    %add3A_198 = arith.constant 1408 : i32
    %add3A_199 = arith.addi %mul3A_2, %add3A_198 : i32
    "tpu.region"() ({
      %run_scoped3A = tpu.sem_alloc : memref<!tpu.dma_semaphore, #tpu.memory_space<semaphore_mem>>
      %dma_start3A_257 = arith.constant 0 : i32
      %dma_start3A_258 = tpu.memref_slice %arg4[%add3A_199, %dma_start3A_257] : memref<65536x128xf32, #tpu.memory_space<hbm>> -> memref<128x128xf32, #tpu.memory_space<hbm>>
      %dma_start3A_259 = arith.constant 0 : i32
      %dma_start3A_260 = tpu.memref_slice %arg4[%add3A_199, %dma_start3A_259] : memref<65536x128xf32, #tpu.memory_space<hbm>> -> memref<128x128xf32, #tpu.memory_space<hbm>>
      tpu.enqueue_dma source(%arg7 : memref<128x128xf32, #tpu.memory_space<vmem>>) target(%dma_start3A_260 : memref<128x128xf32, #tpu.memory_space<hbm>>) target_semaphore(%run_scoped3A : memref<!tpu.dma_semaphore, #tpu.memory_space<semaphore_mem>>)
      %dma_wait3A_261 = arith.constant 0 : i32
      %dma_wait3A_262 = tpu.memref_slice %arg4[%add3A_199, %dma_wait3A_261] : memref<65536x128xf32, #tpu.memory_space<hbm>> -> memref<128x128xf32, #tpu.memory_space<hbm>>
      %dma_wait3A_263 = arith.constant 0 : i32
      %dma_wait3A_264 = tpu.memref_slice %arg4[%add3A_199, %dma_wait3A_263] : memref<65536x128xf32, #tpu.memory_space<hbm>> -> memref<128x128xf32, #tpu.memory_space<hbm>>
      tpu.wait_dma2 semaphore(%run_scoped3A : memref<!tpu.dma_semaphore, #tpu.memory_space<semaphore_mem>>) src(%arg7 : memref<128x128xf32, #tpu.memory_space<vmem>>) dst(%dma_wait3A_264 : memref<128x128xf32, #tpu.memory_space<hbm>>)
      tpu.yield
    }) : () -> ()
    %dma_start3A_200 = arith.constant 13 : i32
    %dma_start3A_201 = arith.constant 0 : i32
    %dma_start3A_202 = tpu.memref_slice %arg5[%dma_start3A_200, %dma_start3A_201] : memref<16x128xi32, #tpu.memory_space<vmem>> -> memref<1x128xi32, #tpu.memory_space<vmem>>
    %dma_start3A_203 = tpu.memref_squeeze %dma_start3A_202 : memref<1x128xi32, #tpu.memory_space<vmem>> -> memref<128xi32, #tpu.memory_space<vmem>>
    %dma_start3A_204 = arith.constant 0 : i32
    %dma_start3A_205 = arith.constant 0 : i32
    %dma_start3A_206 = tpu.memref_slice %arg2[%dma_start3A_204, %dma_start3A_205] : memref<20000x128xf32, #tpu.memory_space<hbm>> -> memref<20000x128xf32, #tpu.memory_space<hbm>>
    tpu.enqueue_indirect_dma source(%dma_start3A_206 : memref<20000x128xf32, #tpu.memory_space<hbm>>) target(%arg7 : memref<128x128xf32, #tpu.memory_space<vmem>>) offsets(%dma_start3A_203 : memref<128xi32, #tpu.memory_space<vmem>>) semaphore(%arg9 : memref<!tpu.dma_semaphore, #tpu.memory_space<semaphore_mem>>)
    %dma_wait3A_207 = arith.constant 12 : i32
    %dma_wait3A_208 = arith.constant 0 : i32
    %dma_wait3A_209 = tpu.memref_slice %arg5[%dma_wait3A_207, %dma_wait3A_208] : memref<16x128xi32, #tpu.memory_space<vmem>> -> memref<1x128xi32, #tpu.memory_space<vmem>>
    %dma_wait3A_210 = tpu.memref_squeeze %dma_wait3A_209 : memref<1x128xi32, #tpu.memory_space<vmem>> -> memref<128xi32, #tpu.memory_space<vmem>>
    %dma_wait3A_211 = arith.constant 0 : i32
    %dma_wait3A_212 = arith.constant 0 : i32
    %dma_wait3A_213 = tpu.memref_slice %arg2[%dma_wait3A_211, %dma_wait3A_212] : memref<20000x128xf32, #tpu.memory_space<hbm>> -> memref<20000x128xf32, #tpu.memory_space<hbm>>
    tpu.wait_indirect_dma semaphore(%arg8 : memref<!tpu.dma_semaphore, #tpu.memory_space<semaphore_mem>>) src(%dma_wait3A_213 : memref<20000x128xf32, #tpu.memory_space<hbm>>) dst(%arg6 : memref<128x128xf32, #tpu.memory_space<vmem>>)
    %add3A_214 = arith.constant 1536 : i32
    %add3A_215 = arith.addi %mul3A_2, %add3A_214 : i32
    "tpu.region"() ({
      %run_scoped3A = tpu.sem_alloc : memref<!tpu.dma_semaphore, #tpu.memory_space<semaphore_mem>>
      %dma_start3A_257 = arith.constant 0 : i32
      %dma_start3A_258 = tpu.memref_slice %arg4[%add3A_215, %dma_start3A_257] : memref<65536x128xf32, #tpu.memory_space<hbm>> -> memref<128x128xf32, #tpu.memory_space<hbm>>
      %dma_start3A_259 = arith.constant 0 : i32
      %dma_start3A_260 = tpu.memref_slice %arg4[%add3A_215, %dma_start3A_259] : memref<65536x128xf32, #tpu.memory_space<hbm>> -> memref<128x128xf32, #tpu.memory_space<hbm>>
      tpu.enqueue_dma source(%arg6 : memref<128x128xf32, #tpu.memory_space<vmem>>) target(%dma_start3A_260 : memref<128x128xf32, #tpu.memory_space<hbm>>) target_semaphore(%run_scoped3A : memref<!tpu.dma_semaphore, #tpu.memory_space<semaphore_mem>>)
      %dma_wait3A_261 = arith.constant 0 : i32
      %dma_wait3A_262 = tpu.memref_slice %arg4[%add3A_215, %dma_wait3A_261] : memref<65536x128xf32, #tpu.memory_space<hbm>> -> memref<128x128xf32, #tpu.memory_space<hbm>>
      %dma_wait3A_263 = arith.constant 0 : i32
      %dma_wait3A_264 = tpu.memref_slice %arg4[%add3A_215, %dma_wait3A_263] : memref<65536x128xf32, #tpu.memory_space<hbm>> -> memref<128x128xf32, #tpu.memory_space<hbm>>
      tpu.wait_dma2 semaphore(%run_scoped3A : memref<!tpu.dma_semaphore, #tpu.memory_space<semaphore_mem>>) src(%arg6 : memref<128x128xf32, #tpu.memory_space<vmem>>) dst(%dma_wait3A_264 : memref<128x128xf32, #tpu.memory_space<hbm>>)
      tpu.yield
    }) : () -> ()
    %dma_start3A_216 = arith.constant 14 : i32
    %dma_start3A_217 = arith.constant 0 : i32
    %dma_start3A_218 = tpu.memref_slice %arg5[%dma_start3A_216, %dma_start3A_217] : memref<16x128xi32, #tpu.memory_space<vmem>> -> memref<1x128xi32, #tpu.memory_space<vmem>>
    %dma_start3A_219 = tpu.memref_squeeze %dma_start3A_218 : memref<1x128xi32, #tpu.memory_space<vmem>> -> memref<128xi32, #tpu.memory_space<vmem>>
    %dma_start3A_220 = arith.constant 0 : i32
    %dma_start3A_221 = arith.constant 0 : i32
    %dma_start3A_222 = tpu.memref_slice %arg2[%dma_start3A_220, %dma_start3A_221] : memref<20000x128xf32, #tpu.memory_space<hbm>> -> memref<20000x128xf32, #tpu.memory_space<hbm>>
    tpu.enqueue_indirect_dma source(%dma_start3A_222 : memref<20000x128xf32, #tpu.memory_space<hbm>>) target(%arg6 : memref<128x128xf32, #tpu.memory_space<vmem>>) offsets(%dma_start3A_219 : memref<128xi32, #tpu.memory_space<vmem>>) semaphore(%arg8 : memref<!tpu.dma_semaphore, #tpu.memory_space<semaphore_mem>>)
    %dma_wait3A_223 = arith.constant 13 : i32
    %dma_wait3A_224 = arith.constant 0 : i32
    %dma_wait3A_225 = tpu.memref_slice %arg5[%dma_wait3A_223, %dma_wait3A_224] : memref<16x128xi32, #tpu.memory_space<vmem>> -> memref<1x128xi32, #tpu.memory_space<vmem>>
    %dma_wait3A_226 = tpu.memref_squeeze %dma_wait3A_225 : memref<1x128xi32, #tpu.memory_space<vmem>> -> memref<128xi32, #tpu.memory_space<vmem>>
    %dma_wait3A_227 = arith.constant 0 : i32
    %dma_wait3A_228 = arith.constant 0 : i32
    %dma_wait3A_229 = tpu.memref_slice %arg2[%dma_wait3A_227, %dma_wait3A_228] : memref<20000x128xf32, #tpu.memory_space<hbm>> -> memref<20000x128xf32, #tpu.memory_space<hbm>>
    tpu.wait_indirect_dma semaphore(%arg9 : memref<!tpu.dma_semaphore, #tpu.memory_space<semaphore_mem>>) src(%dma_wait3A_229 : memref<20000x128xf32, #tpu.memory_space<hbm>>) dst(%arg7 : memref<128x128xf32, #tpu.memory_space<vmem>>)
    %add3A_230 = arith.constant 1664 : i32
    %add3A_231 = arith.addi %mul3A_2, %add3A_230 : i32
    "tpu.region"() ({
      %run_scoped3A = tpu.sem_alloc : memref<!tpu.dma_semaphore, #tpu.memory_space<semaphore_mem>>
      %dma_start3A_257 = arith.constant 0 : i32
      %dma_start3A_258 = tpu.memref_slice %arg4[%add3A_231, %dma_start3A_257] : memref<65536x128xf32, #tpu.memory_space<hbm>> -> memref<128x128xf32, #tpu.memory_space<hbm>>
      %dma_start3A_259 = arith.constant 0 : i32
      %dma_start3A_260 = tpu.memref_slice %arg4[%add3A_231, %dma_start3A_259] : memref<65536x128xf32, #tpu.memory_space<hbm>> -> memref<128x128xf32, #tpu.memory_space<hbm>>
      tpu.enqueue_dma source(%arg7 : memref<128x128xf32, #tpu.memory_space<vmem>>) target(%dma_start3A_260 : memref<128x128xf32, #tpu.memory_space<hbm>>) target_semaphore(%run_scoped3A : memref<!tpu.dma_semaphore, #tpu.memory_space<semaphore_mem>>)
      %dma_wait3A_261 = arith.constant 0 : i32
      %dma_wait3A_262 = tpu.memref_slice %arg4[%add3A_231, %dma_wait3A_261] : memref<65536x128xf32, #tpu.memory_space<hbm>> -> memref<128x128xf32, #tpu.memory_space<hbm>>
      %dma_wait3A_263 = arith.constant 0 : i32
      %dma_wait3A_264 = tpu.memref_slice %arg4[%add3A_231, %dma_wait3A_263] : memref<65536x128xf32, #tpu.memory_space<hbm>> -> memref<128x128xf32, #tpu.memory_space<hbm>>
      tpu.wait_dma2 semaphore(%run_scoped3A : memref<!tpu.dma_semaphore, #tpu.memory_space<semaphore_mem>>) src(%arg7 : memref<128x128xf32, #tpu.memory_space<vmem>>) dst(%dma_wait3A_264 : memref<128x128xf32, #tpu.memory_space<hbm>>)
      tpu.yield
    }) : () -> ()
    %dma_start3A_232 = arith.constant 15 : i32
    %dma_start3A_233 = arith.constant 0 : i32
    %dma_start3A_234 = tpu.memref_slice %arg5[%dma_start3A_232, %dma_start3A_233] : memref<16x128xi32, #tpu.memory_space<vmem>> -> memref<1x128xi32, #tpu.memory_space<vmem>>
    %dma_start3A_235 = tpu.memref_squeeze %dma_start3A_234 : memref<1x128xi32, #tpu.memory_space<vmem>> -> memref<128xi32, #tpu.memory_space<vmem>>
    %dma_start3A_236 = arith.constant 0 : i32
    %dma_start3A_237 = arith.constant 0 : i32
    %dma_start3A_238 = tpu.memref_slice %arg2[%dma_start3A_236, %dma_start3A_237] : memref<20000x128xf32, #tpu.memory_space<hbm>> -> memref<20000x128xf32, #tpu.memory_space<hbm>>
    tpu.enqueue_indirect_dma source(%dma_start3A_238 : memref<20000x128xf32, #tpu.memory_space<hbm>>) target(%arg7 : memref<128x128xf32, #tpu.memory_space<vmem>>) offsets(%dma_start3A_235 : memref<128xi32, #tpu.memory_space<vmem>>) semaphore(%arg9 : memref<!tpu.dma_semaphore, #tpu.memory_space<semaphore_mem>>)
    %dma_wait3A_239 = arith.constant 14 : i32
    %dma_wait3A_240 = arith.constant 0 : i32
    %dma_wait3A_241 = tpu.memref_slice %arg5[%dma_wait3A_239, %dma_wait3A_240] : memref<16x128xi32, #tpu.memory_space<vmem>> -> memref<1x128xi32, #tpu.memory_space<vmem>>
    %dma_wait3A_242 = tpu.memref_squeeze %dma_wait3A_241 : memref<1x128xi32, #tpu.memory_space<vmem>> -> memref<128xi32, #tpu.memory_space<vmem>>
    %dma_wait3A_243 = arith.constant 0 : i32
    %dma_wait3A_244 = arith.constant 0 : i32
    %dma_wait3A_245 = tpu.memref_slice %arg2[%dma_wait3A_243, %dma_wait3A_244] : memref<20000x128xf32, #tpu.memory_space<hbm>> -> memref<20000x128xf32, #tpu.memory_space<hbm>>
    tpu.wait_indirect_dma semaphore(%arg8 : memref<!tpu.dma_semaphore, #tpu.memory_space<semaphore_mem>>) src(%dma_wait3A_245 : memref<20000x128xf32, #tpu.memory_space<hbm>>) dst(%arg6 : memref<128x128xf32, #tpu.memory_space<vmem>>)
    %add3A_246 = arith.constant 1792 : i32
    %add3A_247 = arith.addi %mul3A_2, %add3A_246 : i32
    "tpu.region"() ({
      %run_scoped3A = tpu.sem_alloc : memref<!tpu.dma_semaphore, #tpu.memory_space<semaphore_mem>>
      %dma_start3A_257 = arith.constant 0 : i32
      %dma_start3A_258 = tpu.memref_slice %arg4[%add3A_247, %dma_start3A_257] : memref<65536x128xf32, #tpu.memory_space<hbm>> -> memref<128x128xf32, #tpu.memory_space<hbm>>
      %dma_start3A_259 = arith.constant 0 : i32
      %dma_start3A_260 = tpu.memref_slice %arg4[%add3A_247, %dma_start3A_259] : memref<65536x128xf32, #tpu.memory_space<hbm>> -> memref<128x128xf32, #tpu.memory_space<hbm>>
      tpu.enqueue_dma source(%arg6 : memref<128x128xf32, #tpu.memory_space<vmem>>) target(%dma_start3A_260 : memref<128x128xf32, #tpu.memory_space<hbm>>) target_semaphore(%run_scoped3A : memref<!tpu.dma_semaphore, #tpu.memory_space<semaphore_mem>>)
      %dma_wait3A_261 = arith.constant 0 : i32
      %dma_wait3A_262 = tpu.memref_slice %arg4[%add3A_247, %dma_wait3A_261] : memref<65536x128xf32, #tpu.memory_space<hbm>> -> memref<128x128xf32, #tpu.memory_space<hbm>>
      %dma_wait3A_263 = arith.constant 0 : i32
      %dma_wait3A_264 = tpu.memref_slice %arg4[%add3A_247, %dma_wait3A_263] : memref<65536x128xf32, #tpu.memory_space<hbm>> -> memref<128x128xf32, #tpu.memory_space<hbm>>
      tpu.wait_dma2 semaphore(%run_scoped3A : memref<!tpu.dma_semaphore, #tpu.memory_space<semaphore_mem>>) src(%arg6 : memref<128x128xf32, #tpu.memory_space<vmem>>) dst(%dma_wait3A_264 : memref<128x128xf32, #tpu.memory_space<hbm>>)
      tpu.yield
    }) : () -> ()
    %dma_wait3A_248 = arith.constant 15 : i32
    %dma_wait3A_249 = arith.constant 0 : i32
    %dma_wait3A_250 = tpu.memref_slice %arg5[%dma_wait3A_248, %dma_wait3A_249] : memref<16x128xi32, #tpu.memory_space<vmem>> -> memref<1x128xi32, #tpu.memory_space<vmem>>
    %dma_wait3A_251 = tpu.memref_squeeze %dma_wait3A_250 : memref<1x128xi32, #tpu.memory_space<vmem>> -> memref<128xi32, #tpu.memory_space<vmem>>
    %dma_wait3A_252 = arith.constant 0 : i32
    %dma_wait3A_253 = arith.constant 0 : i32
    %dma_wait3A_254 = tpu.memref_slice %arg2[%dma_wait3A_252, %dma_wait3A_253] : memref<20000x128xf32, #tpu.memory_space<hbm>> -> memref<20000x128xf32, #tpu.memory_space<hbm>>
    tpu.wait_indirect_dma semaphore(%arg9 : memref<!tpu.dma_semaphore, #tpu.memory_space<semaphore_mem>>) src(%dma_wait3A_254 : memref<20000x128xf32, #tpu.memory_space<hbm>>) dst(%arg7 : memref<128x128xf32, #tpu.memory_space<vmem>>)
    %add3A_255 = arith.constant 1920 : i32
    %add3A_256 = arith.addi %mul3A_2, %add3A_255 : i32
    "tpu.region"() ({
      %run_scoped3A = tpu.sem_alloc : memref<!tpu.dma_semaphore, #tpu.memory_space<semaphore_mem>>
      %dma_start3A_257 = arith.constant 0 : i32
      %dma_start3A_258 = tpu.memref_slice %arg4[%add3A_256, %dma_start3A_257] : memref<65536x128xf32, #tpu.memory_space<hbm>> -> memref<128x128xf32, #tpu.memory_space<hbm>>
      %dma_start3A_259 = arith.constant 0 : i32
      %dma_start3A_260 = tpu.memref_slice %arg4[%add3A_256, %dma_start3A_259] : memref<65536x128xf32, #tpu.memory_space<hbm>> -> memref<128x128xf32, #tpu.memory_space<hbm>>
      tpu.enqueue_dma source(%arg7 : memref<128x128xf32, #tpu.memory_space<vmem>>) target(%dma_start3A_260 : memref<128x128xf32, #tpu.memory_space<hbm>>) target_semaphore(%run_scoped3A : memref<!tpu.dma_semaphore, #tpu.memory_space<semaphore_mem>>)
      %dma_wait3A_261 = arith.constant 0 : i32
      %dma_wait3A_262 = tpu.memref_slice %arg4[%add3A_256, %dma_wait3A_261] : memref<65536x128xf32, #tpu.memory_space<hbm>> -> memref<128x128xf32, #tpu.memory_space<hbm>>
      %dma_wait3A_263 = arith.constant 0 : i32
      %dma_wait3A_264 = tpu.memref_slice %arg4[%add3A_256, %dma_wait3A_263] : memref<65536x128xf32, #tpu.memory_space<hbm>> -> memref<128x128xf32, #tpu.memory_space<hbm>>
      tpu.wait_dma2 semaphore(%run_scoped3A : memref<!tpu.dma_semaphore, #tpu.memory_space<semaphore_mem>>) src(%arg7 : memref<128x128xf32, #tpu.memory_space<vmem>>) dst(%dma_wait3A_264 : memref<128x128xf32, #tpu.memory_space<hbm>>)
      tpu.yield
    }) : () -> ()
    return
  }
}

module attributes {stable_mosaic.version = 14 : i64} {
  func.func @_fps_body(%arg0: memref<8x2560xf32, #tpu.memory_space<vmem>>, %arg1: memref<8x2560xf32, #tpu.memory_space<vmem>>, %arg2: memref<8x2560xf32, #tpu.memory_space<vmem>>, %arg3: memref<20480x8xf32, #tpu.memory_space<vmem>>, %arg4: memref<8x2560xf32, #tpu.memory_space<vmem>>, %arg5: memref<2048x128xf32, #tpu.memory_space<vmem>>) attributes {dimension_semantics = [], scalar_prefetch = 0 : i64, scratch_operands = 0 : i64, tpu.core_type = #tpu.core_type<tc>} {
    %iota3A = tpu.iota {dimensions = array<i32: 0>} : vector<8x2560xi32>
    %iota3A_0 = tpu.iota {dimensions = array<i32: 1>} : vector<8x2560xi32>
    %mul3A = arith.constant 2560 : i32
    %mul3A_1 = vector.broadcast %mul3A : i32 to vector<8x2560xi32>
    %mul3A_2 = arith.muli %iota3A, %mul3A_1 : vector<8x2560xi32>
    %add3A = arith.addi %mul3A_2, %iota3A_0 : vector<8x2560xi32>
    %iota3A_3 = tpu.iota {dimensions = array<i32: 1>} : vector<1x128xi32>
    %get3A = arith.constant 0 : index
    %get3A_4 = arith.constant 0 : index
    %get3A_5 = vector.load %arg3[%get3A, %get3A_4] : memref<20480x8xf32, #tpu.memory_space<vmem>>, vector<1x8xf32>
    %slice3A = vector.extract_strided_slice %get3A_5 {offsets = [0, 0], sizes = [1, 1], strides = [1, 1]} : vector<1x8xf32> to vector<1x1xf32>
    %slice3A_6 = vector.extract_strided_slice %get3A_5 {offsets = [0, 1], sizes = [1, 1], strides = [1, 1]} : vector<1x8xf32> to vector<1x1xf32>
    %slice3A_7 = vector.extract_strided_slice %get3A_5 {offsets = [0, 2], sizes = [1, 1], strides = [1, 1]} : vector<1x8xf32> to vector<1x1xf32>
    %eq3A = arith.constant 0 : i32
    %eq3A_8 = vector.broadcast %eq3A : i32 to vector<1x128xi32>
    %eq3A_9 = arith.cmpi eq, %iota3A_3, %eq3A_8 : vector<1x128xi32>
    %eq3A_10 = arith.constant 1 : i32
    %eq3A_11 = vector.broadcast %eq3A_10 : i32 to vector<1x128xi32>
    %eq3A_12 = arith.cmpi eq, %iota3A_3, %eq3A_11 : vector<1x128xi32>
    %eq3A_13 = arith.constant 2 : i32
    %eq3A_14 = vector.broadcast %eq3A_13 : i32 to vector<1x128xi32>
    %eq3A_15 = arith.cmpi eq, %iota3A_3, %eq3A_14 : vector<1x128xi32>
    %jit3A = arith.constant 0.000000e+00 : f32
    %broadcast_in_dim3A = vector.shape_cast %slice3A_7 : vector<1x1xf32> to vector<1x1xf32>
    %broadcast_in_dim3A_16 = vector.broadcast %broadcast_in_dim3A : vector<1x1xf32> to vector<1x128xf32>
    %broadcast_in_dim3A_17 = vector.broadcast %jit3A : f32 to vector<1x128xf32>
    %select_n3A = arith.select %eq3A_15, %broadcast_in_dim3A_16, %broadcast_in_dim3A_17 : vector<1x128xi1>, vector<1x128xf32>
    %broadcast_in_dim3A_18 = vector.shape_cast %slice3A_6 : vector<1x1xf32> to vector<1x1xf32>
    %broadcast_in_dim3A_19 = vector.broadcast %broadcast_in_dim3A_18 : vector<1x1xf32> to vector<1x128xf32>
    %select_n3A_20 = arith.select %eq3A_12, %broadcast_in_dim3A_19, %select_n3A : vector<1x128xi1>, vector<1x128xf32>
    %broadcast_in_dim3A_21 = vector.shape_cast %slice3A : vector<1x1xf32> to vector<1x1xf32>
    %broadcast_in_dim3A_22 = vector.broadcast %broadcast_in_dim3A_21 : vector<1x1xf32> to vector<1x128xf32>
    %select_n3A_23 = arith.select %eq3A_9, %broadcast_in_dim3A_22, %select_n3A_20 : vector<1x128xi1>, vector<1x128xf32>
    %swap3A = arith.constant 0 : index
    %swap3A_24 = arith.constant 0 : index
    %swap3A_25 = vector.load %arg5[%swap3A, %swap3A_24] : memref<2048x128xf32, #tpu.memory_space<vmem>>, vector<1x128xf32>
    tpu.vector_store %arg5[%swap3A, %swap3A_24], %select_n3A_23 {strides = array<i32>} : memref<2048x128xf32, #tpu.memory_space<vmem>>, vector<1x128xf32>,
    %get3A_26 = arith.constant 0 : index
    %get3A_27 = arith.constant 0 : index
    %get3A_28 = vector.load %arg4[%get3A_26, %get3A_27] : memref<8x2560xf32, #tpu.memory_space<vmem>>, vector<8x2560xf32>
    %scan3A = arith.constant 1 : i32
    %scan3A_29 = arith.constant 2047 : i32
    %scan3A_30 = arith.addi %scan3A, %scan3A_29 : i32
    %scan3A_31 = arith.constant 1 : i32
    %scan3A_32:4 = scf.for %scan3A_34 = %scan3A to %scan3A_30 step %scan3A_31 iter_args(%scan3A_35 = %get3A_28, %scan3A_36 = %slice3A, %scan3A_37 = %slice3A_6, %scan3A_38 = %slice3A_7) -> (vector<8x2560xf32>, vector<1x1xf32>, vector<1x1xf32>, vector<1x1xf32>)  : i32 {
      %get3A_39 = arith.constant 0 : index
      %get3A_40 = arith.constant 0 : index
      %get3A_41 = vector.load %arg0[%get3A_39, %get3A_40] : memref<8x2560xf32, #tpu.memory_space<vmem>>, vector<8x2560xf32>
      %sub3A = vector.broadcast %scan3A_36 : vector<1x1xf32> to vector<8x2560xf32>
      %sub3A_42 = arith.subf %get3A_41, %sub3A : vector<8x2560xf32>
      %get3A_43 = arith.constant 0 : index
      %get3A_44 = arith.constant 0 : index
      %get3A_45 = vector.load %arg1[%get3A_43, %get3A_44] : memref<8x2560xf32, #tpu.memory_space<vmem>>, vector<8x2560xf32>
      %sub3A_46 = vector.broadcast %scan3A_37 : vector<1x1xf32> to vector<8x2560xf32>
      %sub3A_47 = arith.subf %get3A_45, %sub3A_46 : vector<8x2560xf32>
      %get3A_48 = arith.constant 0 : index
      %get3A_49 = arith.constant 0 : index
      %get3A_50 = vector.load %arg2[%get3A_48, %get3A_49] : memref<8x2560xf32, #tpu.memory_space<vmem>>, vector<8x2560xf32>
      %sub3A_51 = vector.broadcast %scan3A_38 : vector<1x1xf32> to vector<8x2560xf32>
      %sub3A_52 = arith.subf %get3A_50, %sub3A_51 : vector<8x2560xf32>
      %mul3A_53 = arith.mulf %sub3A_42, %sub3A_42 : vector<8x2560xf32>
      %mul3A_54 = arith.mulf %sub3A_47, %sub3A_47 : vector<8x2560xf32>
      %add3A_55 = arith.addf %mul3A_53, %mul3A_54 : vector<8x2560xf32>
      %mul3A_56 = arith.mulf %sub3A_52, %sub3A_52 : vector<8x2560xf32>
      %add3A_57 = arith.addf %add3A_55, %mul3A_56 : vector<8x2560xf32>
      %min3A = arith.minimumf %scan3A_35, %add3A_57 : vector<8x2560xf32>
      %reduce_max3A = vector.shape_cast %min3A : vector<8x2560xf32> to vector<1x8x2560xf32>
      %reduce_max3A_58 = arith.constant dense<0xFF800000> : vector<1xf32>
      %reduce_max3A_59 = vector.multi_reduction <maximumf>, %reduce_max3A, %reduce_max3A_58 [1, 2] : vector<1x8x2560xf32> to vector<1xf32>
      %reduce_max3A_60 = vector.shape_cast %reduce_max3A_59 : vector<1xf32> to vector<1x1x1xf32>
      %reduce_max3A_61 = vector.extract %reduce_max3A_60[0, 0, 0] : f32 from vector<1x1x1xf32>
      %eq3A_62 = vector.broadcast %reduce_max3A_61 : f32 to vector<8x2560xf32>
      %eq3A_63 = arith.cmpf oeq, %min3A, %eq3A_62 : vector<8x2560xf32>
      %jit3A_64 = arith.constant 1073741824 : i32
      %broadcast_in_dim3A_65 = vector.broadcast %jit3A_64 : i32 to vector<8x2560xi32>
      %select_n3A_66 = arith.select %eq3A_63, %add3A, %broadcast_in_dim3A_65 : vector<8x2560xi1>, vector<8x2560xi32>
      %reduce_min3A = vector.shape_cast %select_n3A_66 : vector<8x2560xi32> to vector<1x8x2560xi32>
      %reduce_min3A_67 = arith.constant dense<2147483647> : vector<1xi32>
      %reduce_min3A_68 = vector.multi_reduction <minsi>, %reduce_min3A, %reduce_min3A_67 [1, 2] : vector<1x8x2560xi32> to vector<1xi32>
      %reduce_min3A_69 = vector.shape_cast %reduce_min3A_68 : vector<1xi32> to vector<1x1x1xi32>
      %reduce_min3A_70 = vector.extract %reduce_min3A_69[0, 0, 0] : i32 from vector<1x1x1xi32>
      %get3A_71 = arith.index_cast %reduce_min3A_70 : i32 to index
      %get3A_72 = arith.constant 0 : index
      %get3A_73 = vector.load %arg3[%get3A_71, %get3A_72] : memref<20480x8xf32, #tpu.memory_space<vmem>>, vector<1x8xf32>
      %slice3A_74 = vector.extract_strided_slice %get3A_73 {offsets = [0, 0], sizes = [1, 1], strides = [1, 1]} : vector<1x8xf32> to vector<1x1xf32>
      %slice3A_75 = vector.extract_strided_slice %get3A_73 {offsets = [0, 1], sizes = [1, 1], strides = [1, 1]} : vector<1x8xf32> to vector<1x1xf32>
      %slice3A_76 = vector.extract_strided_slice %get3A_73 {offsets = [0, 2], sizes = [1, 1], strides = [1, 1]} : vector<1x8xf32> to vector<1x1xf32>
      %eq3A_77 = arith.constant 0 : i32
      %eq3A_78 = vector.broadcast %eq3A_77 : i32 to vector<1x128xi32>
      %eq3A_79 = arith.cmpi eq, %iota3A_3, %eq3A_78 : vector<1x128xi32>
      %eq3A_80 = arith.constant 1 : i32
      %eq3A_81 = vector.broadcast %eq3A_80 : i32 to vector<1x128xi32>
      %eq3A_82 = arith.cmpi eq, %iota3A_3, %eq3A_81 : vector<1x128xi32>
      %eq3A_83 = arith.constant 2 : i32
      %eq3A_84 = vector.broadcast %eq3A_83 : i32 to vector<1x128xi32>
      %eq3A_85 = arith.cmpi eq, %iota3A_3, %eq3A_84 : vector<1x128xi32>
      %jit3A_86 = arith.constant 0.000000e+00 : f32
      %broadcast_in_dim3A_87 = vector.shape_cast %slice3A_76 : vector<1x1xf32> to vector<1x1xf32>
      %broadcast_in_dim3A_88 = vector.broadcast %broadcast_in_dim3A_87 : vector<1x1xf32> to vector<1x128xf32>
      %broadcast_in_dim3A_89 = vector.broadcast %jit3A_86 : f32 to vector<1x128xf32>
      %select_n3A_90 = arith.select %eq3A_85, %broadcast_in_dim3A_88, %broadcast_in_dim3A_89 : vector<1x128xi1>, vector<1x128xf32>
      %broadcast_in_dim3A_91 = vector.shape_cast %slice3A_75 : vector<1x1xf32> to vector<1x1xf32>
      %broadcast_in_dim3A_92 = vector.broadcast %broadcast_in_dim3A_91 : vector<1x1xf32> to vector<1x128xf32>
      %select_n3A_93 = arith.select %eq3A_82, %broadcast_in_dim3A_92, %select_n3A_90 : vector<1x128xi1>, vector<1x128xf32>
      %broadcast_in_dim3A_94 = vector.shape_cast %slice3A_74 : vector<1x1xf32> to vector<1x1xf32>
      %broadcast_in_dim3A_95 = vector.broadcast %broadcast_in_dim3A_94 : vector<1x1xf32> to vector<1x128xf32>
      %select_n3A_96 = arith.select %eq3A_79, %broadcast_in_dim3A_95, %select_n3A_93 : vector<1x128xi1>, vector<1x128xf32>
      %swap3A_97 = arith.index_cast %scan3A_34 : i32 to index
      %swap3A_98 = arith.constant 0 : index
      %swap3A_99 = vector.load %arg5[%swap3A_97, %swap3A_98] : memref<2048x128xf32, #tpu.memory_space<vmem>>, vector<1x128xf32>
      tpu.vector_store %arg5[%swap3A_97, %swap3A_98], %select_n3A_96 {strides = array<i32>} : memref<2048x128xf32, #tpu.memory_space<vmem>>, vector<1x128xf32>,
      scf.yield %min3A, %slice3A_74, %slice3A_75, %slice3A_76 : vector<8x2560xf32>, vector<1x1xf32>, vector<1x1xf32>, vector<1x1xf32>
    }
    %scan3A_33 = arith.constant 2047 : i32
    return
  }
}

module attributes {stable_mosaic.version = 14 : i64} {
  func.func @_ballq_body(%arg0: i32, %arg1: memref<16x128xf32, #tpu.memory_space<vmem>>, %arg2: memref<1x20480xf32, #tpu.memory_space<vmem>>, %arg3: memref<1x20480xf32, #tpu.memory_space<vmem>>, %arg4: memref<1x20480xf32, #tpu.memory_space<vmem>>, %arg5: memref<16x128xi32, #tpu.memory_space<vmem>>, %arg6: memref<16x20480xf32, #tpu.memory_space<vmem>>) attributes {dimension_semantics = [#tpu.dimension_semantics<arbitrary>], iteration_bounds = array<i64: 128>, scalar_prefetch = 0 : i64, scratch_operands = 1 : i64, tpu.core_type = #tpu.core_type<tc>, window_params = [{transform_indices = @transform_0, window_bounds = array<i64: 16, 128>}, {pipeline_mode = #tpu.pipeline_mode<synchronous>, transform_indices = @transform_1, window_bounds = array<i64: 1, 20480>}, {pipeline_mode = #tpu.pipeline_mode<synchronous>, transform_indices = @transform_2, window_bounds = array<i64: 1, 20480>}, {pipeline_mode = #tpu.pipeline_mode<synchronous>, transform_indices = @transform_3, window_bounds = array<i64: 1, 20480>}, {transform_indices = @transform_4, window_bounds = array<i64: 16, 128>}]} {
    %get3A = arith.constant 0 : index
    %get3A_0 = arith.constant 0 : index
    %get3A_1 = vector.load %arg1[%get3A, %get3A_0] : memref<16x128xf32, #tpu.memory_space<vmem>>, vector<16x1xf32>
    %get3A_2 = arith.constant 0 : index
    %get3A_3 = arith.constant 1 : index
    %get3A_4 = vector.load %arg1[%get3A_2, %get3A_3] : memref<16x128xf32, #tpu.memory_space<vmem>>, vector<16x1xf32>
    %get3A_5 = arith.constant 0 : index
    %get3A_6 = arith.constant 2 : index
    %get3A_7 = vector.load %arg1[%get3A_5, %get3A_6] : memref<16x128xf32, #tpu.memory_space<vmem>>, vector<16x1xf32>
    %get3A_8 = arith.constant 0 : index
    %get3A_9 = arith.constant 0 : index
    %get3A_10 = vector.load %arg2[%get3A_8, %get3A_9] : memref<1x20480xf32, #tpu.memory_space<vmem>>, vector<1x20480xf32>
    %sub3A = vector.broadcast %get3A_1 : vector<16x1xf32> to vector<16x20480xf32>
    %sub3A_11 = vector.broadcast %get3A_10 : vector<1x20480xf32> to vector<16x20480xf32>
    %sub3A_12 = arith.subf %sub3A, %sub3A_11 : vector<16x20480xf32>
    %get3A_13 = arith.constant 0 : index
    %get3A_14 = arith.constant 0 : index
    %get3A_15 = vector.load %arg3[%get3A_13, %get3A_14] : memref<1x20480xf32, #tpu.memory_space<vmem>>, vector<1x20480xf32>
    %sub3A_16 = vector.broadcast %get3A_4 : vector<16x1xf32> to vector<16x20480xf32>
    %sub3A_17 = vector.broadcast %get3A_15 : vector<1x20480xf32> to vector<16x20480xf32>
    %sub3A_18 = arith.subf %sub3A_16, %sub3A_17 : vector<16x20480xf32>
    %get3A_19 = arith.constant 0 : index
    %get3A_20 = arith.constant 0 : index
    %get3A_21 = vector.load %arg4[%get3A_19, %get3A_20] : memref<1x20480xf32, #tpu.memory_space<vmem>>, vector<1x20480xf32>
    %sub3A_22 = vector.broadcast %get3A_7 : vector<16x1xf32> to vector<16x20480xf32>
    %sub3A_23 = vector.broadcast %get3A_21 : vector<1x20480xf32> to vector<16x20480xf32>
    %sub3A_24 = arith.subf %sub3A_22, %sub3A_23 : vector<16x20480xf32>
    %mul3A = arith.mulf %sub3A_12, %sub3A_12 : vector<16x20480xf32>
    %mul3A_25 = arith.mulf %sub3A_18, %sub3A_18 : vector<16x20480xf32>
    %add3A = arith.addf %mul3A, %mul3A_25 : vector<16x20480xf32>
    %mul3A_26 = arith.mulf %sub3A_24, %sub3A_24 : vector<16x20480xf32>
    %add3A_27 = arith.addf %add3A, %mul3A_26 : vector<16x20480xf32>
    %le3A = arith.constant 6.400000e-01 : f32
    %le3A_28 = vector.broadcast %le3A : f32 to vector<16x20480xf32>
    %le3A_29 = arith.cmpf ole, %add3A_27, %le3A_28 : vector<16x20480xf32>
    %jit3A = arith.constant 1.000000e+10 : f32
    %broadcast_in_dim3A = vector.broadcast %jit3A : f32 to vector<16x20480xf32>
    %select_n3A = arith.select %le3A_29, %add3A_27, %broadcast_in_dim3A : vector<16x20480xi1>, vector<16x20480xf32>
    %swap3A = arith.constant 0 : index
    %swap3A_30 = arith.constant 0 : index
    %swap3A_31 = vector.load %arg6[%swap3A, %swap3A_30] : memref<16x20480xf32, #tpu.memory_space<vmem>>, vector<16x20480xf32>
    tpu.vector_store %arg6[%swap3A, %swap3A_30], %select_n3A {strides = array<i32>} : memref<16x20480xf32, #tpu.memory_space<vmem>>, vector<16x20480xf32>,
    %iota3A = tpu.iota {dimensions = array<i32: 1>} : vector<16x20480xi32>
    %broadcast_in_dim3A_32 = arith.constant 0 : i32
    %broadcast_in_dim3A_33 = vector.broadcast %broadcast_in_dim3A_32 : i32 to vector<16x128xi32>
    %swap3A_34 = arith.constant 0 : index
    %swap3A_35 = arith.constant 0 : index
    %swap3A_36 = vector.load %arg5[%swap3A_34, %swap3A_35] : memref<16x128xi32, #tpu.memory_space<vmem>>, vector<16x128xi32>
    tpu.vector_store %arg5[%swap3A_34, %swap3A_35], %broadcast_in_dim3A_33 {strides = array<i32>} : memref<16x128xi32, #tpu.memory_space<vmem>>, vector<16x128xi32>,
    %get3A_37 = arith.constant 0 : index
    %get3A_38 = arith.constant 0 : index
    %get3A_39 = vector.load %arg6[%get3A_37, %get3A_38] : memref<16x20480xf32, #tpu.memory_space<vmem>>, vector<16x20480xf32>
    %reduce_min3A = arith.constant dense<0x7F800000> : vector<16xf32>
    %reduce_min3A_40 = vector.multi_reduction <minimumf>, %get3A_39, %reduce_min3A [1] : vector<16x20480xf32> to vector<16xf32>
    %broadcast_in_dim3A_41 = vector.shape_cast %reduce_min3A_40 : vector<16xf32> to vector<16x1xf32>
    %eq3A = vector.broadcast %broadcast_in_dim3A_41 : vector<16x1xf32> to vector<16x20480xf32>
    %eq3A_42 = arith.cmpf oeq, %get3A_39, %eq3A : vector<16x20480xf32>
    %jit3A_43 = arith.constant 1073741824 : i32
    %broadcast_in_dim3A_44 = vector.broadcast %jit3A_43 : i32 to vector<16x20480xi32>
    %select_n3A_45 = arith.select %eq3A_42, %iota3A, %broadcast_in_dim3A_44 : vector<16x20480xi1>, vector<16x20480xi32>
    %reduce_min3A_46 = arith.constant dense<2147483647> : vector<16xi32>
    %reduce_min3A_47 = vector.multi_reduction <minsi>, %select_n3A_45, %reduce_min3A_46 [1] : vector<16x20480xi32> to vector<16xi32>
    %broadcast_in_dim3A_48 = vector.shape_cast %reduce_min3A_47 : vector<16xi32> to vector<16x1xi32>
    %jit3A_49 = arith.constant 1.000000e+10 : f32
    %broadcast_in_dim3A_50 = vector.broadcast %jit3A_49 : f32 to vector<16x20480xf32>
    %select_n3A_51 = arith.select %eq3A_42, %broadcast_in_dim3A_50, %get3A_39 : vector<16x20480xi1>, vector<16x20480xf32>
    %swap3A_52 = arith.constant 0 : index
    %swap3A_53 = arith.constant 0 : index
    %swap3A_54 = vector.load %arg6[%swap3A_52, %swap3A_53] : memref<16x20480xf32, #tpu.memory_space<vmem>>, vector<16x20480xf32>
    tpu.vector_store %arg6[%swap3A_52, %swap3A_53], %select_n3A_51 {strides = array<i32>} : memref<16x20480xf32, #tpu.memory_space<vmem>>, vector<16x20480xf32>,
    %swap3A_55 = arith.constant 0 : index
    %swap3A_56 = arith.constant 0 : index
    %swap3A_57 = vector.load %arg5[%swap3A_55, %swap3A_56] : memref<16x128xi32, #tpu.memory_space<vmem>>, vector<16x1xi32>
    tpu.vector_store %arg5[%swap3A_55, %swap3A_56], %broadcast_in_dim3A_48 {strides = array<i32>} : memref<16x128xi32, #tpu.memory_space<vmem>>, vector<16x1xi32>,
    %get3A_58 = arith.constant 0 : index
    %get3A_59 = arith.constant 0 : index
    %get3A_60 = vector.load %arg6[%get3A_58, %get3A_59] : memref<16x20480xf32, #tpu.memory_space<vmem>>, vector<16x20480xf32>
    %reduce_min3A_61 = arith.constant dense<0x7F800000> : vector<16xf32>
    %reduce_min3A_62 = vector.multi_reduction <minimumf>, %get3A_60, %reduce_min3A_61 [1] : vector<16x20480xf32> to vector<16xf32>
    %broadcast_in_dim3A_63 = vector.shape_cast %reduce_min3A_62 : vector<16xf32> to vector<16x1xf32>
    %eq3A_64 = vector.broadcast %broadcast_in_dim3A_63 : vector<16x1xf32> to vector<16x20480xf32>
    %eq3A_65 = arith.cmpf oeq, %get3A_60, %eq3A_64 : vector<16x20480xf32>
    %jit3A_66 = arith.constant 1073741824 : i32
    %broadcast_in_dim3A_67 = vector.broadcast %jit3A_66 : i32 to vector<16x20480xi32>
    %select_n3A_68 = arith.select %eq3A_65, %iota3A, %broadcast_in_dim3A_67 : vector<16x20480xi1>, vector<16x20480xi32>
    %reduce_min3A_69 = arith.constant dense<2147483647> : vector<16xi32>
    %reduce_min3A_70 = vector.multi_reduction <minsi>, %select_n3A_68, %reduce_min3A_69 [1] : vector<16x20480xi32> to vector<16xi32>
    %broadcast_in_dim3A_71 = vector.shape_cast %reduce_min3A_70 : vector<16xi32> to vector<16x1xi32>
    %jit3A_72 = arith.constant 1.000000e+10 : f32
    %broadcast_in_dim3A_73 = vector.broadcast %jit3A_72 : f32 to vector<16x20480xf32>
    %select_n3A_74 = arith.select %eq3A_65, %broadcast_in_dim3A_73, %get3A_60 : vector<16x20480xi1>, vector<16x20480xf32>
    %swap3A_75 = arith.constant 0 : index
    %swap3A_76 = arith.constant 0 : index
    %swap3A_77 = vector.load %arg6[%swap3A_75, %swap3A_76] : memref<16x20480xf32, #tpu.memory_space<vmem>>, vector<16x20480xf32>
    tpu.vector_store %arg6[%swap3A_75, %swap3A_76], %select_n3A_74 {strides = array<i32>} : memref<16x20480xf32, #tpu.memory_space<vmem>>, vector<16x20480xf32>,
    %lt3A = arith.constant 1.000000e+09 : f32
    %lt3A_78 = vector.broadcast %lt3A : f32 to vector<16x1xf32>
    %lt3A_79 = arith.cmpf olt, %broadcast_in_dim3A_63, %lt3A_78 : vector<16x1xf32>
    %select_n3A_80 = arith.select %lt3A_79, %broadcast_in_dim3A_71, %broadcast_in_dim3A_48 : vector<16x1xi1>, vector<16x1xi32>
    %swap3A_81 = arith.constant 0 : index
    %swap3A_82 = arith.constant 1 : index
    %swap3A_83 = vector.load %arg5[%swap3A_81, %swap3A_82] : memref<16x128xi32, #tpu.memory_space<vmem>>, vector<16x1xi32>
    tpu.vector_store %arg5[%swap3A_81, %swap3A_82], %select_n3A_80 {strides = array<i32>} : memref<16x128xi32, #tpu.memory_space<vmem>>, vector<16x1xi32>,
    %get3A_84 = arith.constant 0 : index
    %get3A_85 = arith.constant 0 : index
    %get3A_86 = vector.load %arg6[%get3A_84, %get3A_85] : memref<16x20480xf32, #tpu.memory_space<vmem>>, vector<16x20480xf32>
    %reduce_min3A_87 = arith.constant dense<0x7F800000> : vector<16xf32>
    %reduce_min3A_88 = vector.multi_reduction <minimumf>, %get3A_86, %reduce_min3A_87 [1] : vector<16x20480xf32> to vector<16xf32>
    %broadcast_in_dim3A_89 = vector.shape_cast %reduce_min3A_88 : vector<16xf32> to vector<16x1xf32>
    %eq3A_90 = vector.broadcast %broadcast_in_dim3A_89 : vector<16x1xf32> to vector<16x20480xf32>
    %eq3A_91 = arith.cmpf oeq, %get3A_86, %eq3A_90 : vector<16x20480xf32>
    %jit3A_92 = arith.constant 1073741824 : i32
    %broadcast_in_dim3A_93 = vector.broadcast %jit3A_92 : i32 to vector<16x20480xi32>
    %select_n3A_94 = arith.select %eq3A_91, %iota3A, %broadcast_in_dim3A_93 : vector<16x20480xi1>, vector<16x20480xi32>
    %reduce_min3A_95 = arith.constant dense<2147483647> : vector<16xi32>
    %reduce_min3A_96 = vector.multi_reduction <minsi>, %select_n3A_94, %reduce_min3A_95 [1] : vector<16x20480xi32> to vector<16xi32>
    %broadcast_in_dim3A_97 = vector.shape_cast %reduce_min3A_96 : vector<16xi32> to vector<16x1xi32>
    %jit3A_98 = arith.constant 1.000000e+10 : f32
    %broadcast_in_dim3A_99 = vector.broadcast %jit3A_98 : f32 to vector<16x20480xf32>
    %select_n3A_100 = arith.select %eq3A_91, %broadcast_in_dim3A_99, %get3A_86 : vector<16x20480xi1>, vector<16x20480xf32>
    %swap3A_101 = arith.constant 0 : index
    %swap3A_102 = arith.constant 0 : index
    %swap3A_103 = vector.load %arg6[%swap3A_101, %swap3A_102] : memref<16x20480xf32, #tpu.memory_space<vmem>>, vector<16x20480xf32>
    tpu.vector_store %arg6[%swap3A_101, %swap3A_102], %select_n3A_100 {strides = array<i32>} : memref<16x20480xf32, #tpu.memory_space<vmem>>, vector<16x20480xf32>,
    %lt3A_104 = arith.constant 1.000000e+09 : f32
    %lt3A_105 = vector.broadcast %lt3A_104 : f32 to vector<16x1xf32>
    %lt3A_106 = arith.cmpf olt, %broadcast_in_dim3A_89, %lt3A_105 : vector<16x1xf32>
    %select_n3A_107 = arith.select %lt3A_106, %broadcast_in_dim3A_97, %broadcast_in_dim3A_48 : vector<16x1xi1>, vector<16x1xi32>
    %swap3A_108 = arith.constant 0 : index
    %swap3A_109 = arith.constant 2 : index
    %swap3A_110 = vector.load %arg5[%swap3A_108, %swap3A_109] : memref<16x128xi32, #tpu.memory_space<vmem>>, vector<16x1xi32>
    tpu.vector_store %arg5[%swap3A_108, %swap3A_109], %select_n3A_107 {strides = array<i32>} : memref<16x128xi32, #tpu.memory_space<vmem>>, vector<16x1xi32>,
    %get3A_111 = arith.constant 0 : index
    %get3A_112 = arith.constant 0 : index
    %get3A_113 = vector.load %arg6[%get3A_111, %get3A_112] : memref<16x20480xf32, #tpu.memory_space<vmem>>, vector<16x20480xf32>
    %reduce_min3A_114 = arith.constant dense<0x7F800000> : vector<16xf32>
    %reduce_min3A_115 = vector.multi_reduction <minimumf>, %get3A_113, %reduce_min3A_114 [1] : vector<16x20480xf32> to vector<16xf32>
    %broadcast_in_dim3A_116 = vector.shape_cast %reduce_min3A_115 : vector<16xf32> to vector<16x1xf32>
    %eq3A_117 = vector.broadcast %broadcast_in_dim3A_116 : vector<16x1xf32> to vector<16x20480xf32>
    %eq3A_118 = arith.cmpf oeq, %get3A_113, %eq3A_117 : vector<16x20480xf32>
    %jit3A_119 = arith.constant 1073741824 : i32
    %broadcast_in_dim3A_120 = vector.broadcast %jit3A_119 : i32 to vector<16x20480xi32>
    %select_n3A_121 = arith.select %eq3A_118, %iota3A, %broadcast_in_dim3A_120 : vector<16x20480xi1>, vector<16x20480xi32>
    %reduce_min3A_122 = arith.constant dense<2147483647> : vector<16xi32>
    %reduce_min3A_123 = vector.multi_reduction <minsi>, %select_n3A_121, %reduce_min3A_122 [1] : vector<16x20480xi32> to vector<16xi32>
    %broadcast_in_dim3A_124 = vector.shape_cast %reduce_min3A_123 : vector<16xi32> to vector<16x1xi32>
    %jit3A_125 = arith.constant 1.000000e+10 : f32
    %broadcast_in_dim3A_126 = vector.broadcast %jit3A_125 : f32 to vector<16x20480xf32>
    %select_n3A_127 = arith.select %eq3A_118, %broadcast_in_dim3A_126, %get3A_113 : vector<16x20480xi1>, vector<16x20480xf32>
    %swap3A_128 = arith.constant 0 : index
    %swap3A_129 = arith.constant 0 : index
    %swap3A_130 = vector.load %arg6[%swap3A_128, %swap3A_129] : memref<16x20480xf32, #tpu.memory_space<vmem>>, vector<16x20480xf32>
    tpu.vector_store %arg6[%swap3A_128, %swap3A_129], %select_n3A_127 {strides = array<i32>} : memref<16x20480xf32, #tpu.memory_space<vmem>>, vector<16x20480xf32>,
    %lt3A_131 = arith.constant 1.000000e+09 : f32
    %lt3A_132 = vector.broadcast %lt3A_131 : f32 to vector<16x1xf32>
    %lt3A_133 = arith.cmpf olt, %broadcast_in_dim3A_116, %lt3A_132 : vector<16x1xf32>
    %select_n3A_134 = arith.select %lt3A_133, %broadcast_in_dim3A_124, %broadcast_in_dim3A_48 : vector<16x1xi1>, vector<16x1xi32>
    %swap3A_135 = arith.constant 0 : index
    %swap3A_136 = arith.constant 3 : index
    %swap3A_137 = vector.load %arg5[%swap3A_135, %swap3A_136] : memref<16x128xi32, #tpu.memory_space<vmem>>, vector<16x1xi32>
    tpu.vector_store %arg5[%swap3A_135, %swap3A_136], %select_n3A_134 {strides = array<i32>} : memref<16x128xi32, #tpu.memory_space<vmem>>, vector<16x1xi32>,
    %get3A_138 = arith.constant 0 : index
    %get3A_139 = arith.constant 0 : index
    %get3A_140 = vector.load %arg6[%get3A_138, %get3A_139] : memref<16x20480xf32, #tpu.memory_space<vmem>>, vector<16x20480xf32>
    %reduce_min3A_141 = arith.constant dense<0x7F800000> : vector<16xf32>
    %reduce_min3A_142 = vector.multi_reduction <minimumf>, %get3A_140, %reduce_min3A_141 [1] : vector<16x20480xf32> to vector<16xf32>
    %broadcast_in_dim3A_143 = vector.shape_cast %reduce_min3A_142 : vector<16xf32> to vector<16x1xf32>
    %eq3A_144 = vector.broadcast %broadcast_in_dim3A_143 : vector<16x1xf32> to vector<16x20480xf32>
    %eq3A_145 = arith.cmpf oeq, %get3A_140, %eq3A_144 : vector<16x20480xf32>
    %jit3A_146 = arith.constant 1073741824 : i32
    %broadcast_in_dim3A_147 = vector.broadcast %jit3A_146 : i32 to vector<16x20480xi32>
    %select_n3A_148 = arith.select %eq3A_145, %iota3A, %broadcast_in_dim3A_147 : vector<16x20480xi1>, vector<16x20480xi32>
    %reduce_min3A_149 = arith.constant dense<2147483647> : vector<16xi32>
    %reduce_min3A_150 = vector.multi_reduction <minsi>, %select_n3A_148, %reduce_min3A_149 [1] : vector<16x20480xi32> to vector<16xi32>
    %broadcast_in_dim3A_151 = vector.shape_cast %reduce_min3A_150 : vector<16xi32> to vector<16x1xi32>
    %jit3A_152 = arith.constant 1.000000e+10 : f32
    %broadcast_in_dim3A_153 = vector.broadcast %jit3A_152 : f32 to vector<16x20480xf32>
    %select_n3A_154 = arith.select %eq3A_145, %broadcast_in_dim3A_153, %get3A_140 : vector<16x20480xi1>, vector<16x20480xf32>
    %swap3A_155 = arith.constant 0 : index
    %swap3A_156 = arith.constant 0 : index
    %swap3A_157 = vector.load %arg6[%swap3A_155, %swap3A_156] : memref<16x20480xf32, #tpu.memory_space<vmem>>, vector<16x20480xf32>
    tpu.vector_store %arg6[%swap3A_155, %swap3A_156], %select_n3A_154 {strides = array<i32>} : memref<16x20480xf32, #tpu.memory_space<vmem>>, vector<16x20480xf32>,
    %lt3A_158 = arith.constant 1.000000e+09 : f32
    %lt3A_159 = vector.broadcast %lt3A_158 : f32 to vector<16x1xf32>
    %lt3A_160 = arith.cmpf olt, %broadcast_in_dim3A_143, %lt3A_159 : vector<16x1xf32>
    %select_n3A_161 = arith.select %lt3A_160, %broadcast_in_dim3A_151, %broadcast_in_dim3A_48 : vector<16x1xi1>, vector<16x1xi32>
    %swap3A_162 = arith.constant 0 : index
    %swap3A_163 = arith.constant 4 : index
    %swap3A_164 = vector.load %arg5[%swap3A_162, %swap3A_163] : memref<16x128xi32, #tpu.memory_space<vmem>>, vector<16x1xi32>
    tpu.vector_store %arg5[%swap3A_162, %swap3A_163], %select_n3A_161 {strides = array<i32>} : memref<16x128xi32, #tpu.memory_space<vmem>>, vector<16x1xi32>,
    %get3A_165 = arith.constant 0 : index
    %get3A_166 = arith.constant 0 : index
    %get3A_167 = vector.load %arg6[%get3A_165, %get3A_166] : memref<16x20480xf32, #tpu.memory_space<vmem>>, vector<16x20480xf32>
    %reduce_min3A_168 = arith.constant dense<0x7F800000> : vector<16xf32>
    %reduce_min3A_169 = vector.multi_reduction <minimumf>, %get3A_167, %reduce_min3A_168 [1] : vector<16x20480xf32> to vector<16xf32>
    %broadcast_in_dim3A_170 = vector.shape_cast %reduce_min3A_169 : vector<16xf32> to vector<16x1xf32>
    %eq3A_171 = vector.broadcast %broadcast_in_dim3A_170 : vector<16x1xf32> to vector<16x20480xf32>
    %eq3A_172 = arith.cmpf oeq, %get3A_167, %eq3A_171 : vector<16x20480xf32>
    %jit3A_173 = arith.constant 1073741824 : i32
    %broadcast_in_dim3A_174 = vector.broadcast %jit3A_173 : i32 to vector<16x20480xi32>
    %select_n3A_175 = arith.select %eq3A_172, %iota3A, %broadcast_in_dim3A_174 : vector<16x20480xi1>, vector<16x20480xi32>
    %reduce_min3A_176 = arith.constant dense<2147483647> : vector<16xi32>
    %reduce_min3A_177 = vector.multi_reduction <minsi>, %select_n3A_175, %reduce_min3A_176 [1] : vector<16x20480xi32> to vector<16xi32>
    %broadcast_in_dim3A_178 = vector.shape_cast %reduce_min3A_177 : vector<16xi32> to vector<16x1xi32>
    %jit3A_179 = arith.constant 1.000000e+10 : f32
    %broadcast_in_dim3A_180 = vector.broadcast %jit3A_179 : f32 to vector<16x20480xf32>
    %select_n3A_181 = arith.select %eq3A_172, %broadcast_in_dim3A_180, %get3A_167 : vector<16x20480xi1>, vector<16x20480xf32>
    %swap3A_182 = arith.constant 0 : index
    %swap3A_183 = arith.constant 0 : index
    %swap3A_184 = vector.load %arg6[%swap3A_182, %swap3A_183] : memref<16x20480xf32, #tpu.memory_space<vmem>>, vector<16x20480xf32>
    tpu.vector_store %arg6[%swap3A_182, %swap3A_183], %select_n3A_181 {strides = array<i32>} : memref<16x20480xf32, #tpu.memory_space<vmem>>, vector<16x20480xf32>,
    %lt3A_185 = arith.constant 1.000000e+09 : f32
    %lt3A_186 = vector.broadcast %lt3A_185 : f32 to vector<16x1xf32>
    %lt3A_187 = arith.cmpf olt, %broadcast_in_dim3A_170, %lt3A_186 : vector<16x1xf32>
    %select_n3A_188 = arith.select %lt3A_187, %broadcast_in_dim3A_178, %broadcast_in_dim3A_48 : vector<16x1xi1>, vector<16x1xi32>
    %swap3A_189 = arith.constant 0 : index
    %swap3A_190 = arith.constant 5 : index
    %swap3A_191 = vector.load %arg5[%swap3A_189, %swap3A_190] : memref<16x128xi32, #tpu.memory_space<vmem>>, vector<16x1xi32>
    tpu.vector_store %arg5[%swap3A_189, %swap3A_190], %select_n3A_188 {strides = array<i32>} : memref<16x128xi32, #tpu.memory_space<vmem>>, vector<16x1xi32>,
    %get3A_192 = arith.constant 0 : index
    %get3A_193 = arith.constant 0 : index
    %get3A_194 = vector.load %arg6[%get3A_192, %get3A_193] : memref<16x20480xf32, #tpu.memory_space<vmem>>, vector<16x20480xf32>
    %reduce_min3A_195 = arith.constant dense<0x7F800000> : vector<16xf32>
    %reduce_min3A_196 = vector.multi_reduction <minimumf>, %get3A_194, %reduce_min3A_195 [1] : vector<16x20480xf32> to vector<16xf32>
    %broadcast_in_dim3A_197 = vector.shape_cast %reduce_min3A_196 : vector<16xf32> to vector<16x1xf32>
    %eq3A_198 = vector.broadcast %broadcast_in_dim3A_197 : vector<16x1xf32> to vector<16x20480xf32>
    %eq3A_199 = arith.cmpf oeq, %get3A_194, %eq3A_198 : vector<16x20480xf32>
    %jit3A_200 = arith.constant 1073741824 : i32
    %broadcast_in_dim3A_201 = vector.broadcast %jit3A_200 : i32 to vector<16x20480xi32>
    %select_n3A_202 = arith.select %eq3A_199, %iota3A, %broadcast_in_dim3A_201 : vector<16x20480xi1>, vector<16x20480xi32>
    %reduce_min3A_203 = arith.constant dense<2147483647> : vector<16xi32>
    %reduce_min3A_204 = vector.multi_reduction <minsi>, %select_n3A_202, %reduce_min3A_203 [1] : vector<16x20480xi32> to vector<16xi32>
    %broadcast_in_dim3A_205 = vector.shape_cast %reduce_min3A_204 : vector<16xi32> to vector<16x1xi32>
    %jit3A_206 = arith.constant 1.000000e+10 : f32
    %broadcast_in_dim3A_207 = vector.broadcast %jit3A_206 : f32 to vector<16x20480xf32>
    %select_n3A_208 = arith.select %eq3A_199, %broadcast_in_dim3A_207, %get3A_194 : vector<16x20480xi1>, vector<16x20480xf32>
    %swap3A_209 = arith.constant 0 : index
    %swap3A_210 = arith.constant 0 : index
    %swap3A_211 = vector.load %arg6[%swap3A_209, %swap3A_210] : memref<16x20480xf32, #tpu.memory_space<vmem>>, vector<16x20480xf32>
    tpu.vector_store %arg6[%swap3A_209, %swap3A_210], %select_n3A_208 {strides = array<i32>} : memref<16x20480xf32, #tpu.memory_space<vmem>>, vector<16x20480xf32>,
    %lt3A_212 = arith.constant 1.000000e+09 : f32
    %lt3A_213 = vector.broadcast %lt3A_212 : f32 to vector<16x1xf32>
    %lt3A_214 = arith.cmpf olt, %broadcast_in_dim3A_197, %lt3A_213 : vector<16x1xf32>
    %select_n3A_215 = arith.select %lt3A_214, %broadcast_in_dim3A_205, %broadcast_in_dim3A_48 : vector<16x1xi1>, vector<16x1xi32>
    %swap3A_216 = arith.constant 0 : index
    %swap3A_217 = arith.constant 6 : index
    %swap3A_218 = vector.load %arg5[%swap3A_216, %swap3A_217] : memref<16x128xi32, #tpu.memory_space<vmem>>, vector<16x1xi32>
    tpu.vector_store %arg5[%swap3A_216, %swap3A_217], %select_n3A_215 {strides = array<i32>} : memref<16x128xi32, #tpu.memory_space<vmem>>, vector<16x1xi32>,
    %get3A_219 = arith.constant 0 : index
    %get3A_220 = arith.constant 0 : index
    %get3A_221 = vector.load %arg6[%get3A_219, %get3A_220] : memref<16x20480xf32, #tpu.memory_space<vmem>>, vector<16x20480xf32>
    %reduce_min3A_222 = arith.constant dense<0x7F800000> : vector<16xf32>
    %reduce_min3A_223 = vector.multi_reduction <minimumf>, %get3A_221, %reduce_min3A_222 [1] : vector<16x20480xf32> to vector<16xf32>
    %broadcast_in_dim3A_224 = vector.shape_cast %reduce_min3A_223 : vector<16xf32> to vector<16x1xf32>
    %eq3A_225 = vector.broadcast %broadcast_in_dim3A_224 : vector<16x1xf32> to vector<16x20480xf32>
    %eq3A_226 = arith.cmpf oeq, %get3A_221, %eq3A_225 : vector<16x20480xf32>
    %jit3A_227 = arith.constant 1073741824 : i32
    %broadcast_in_dim3A_228 = vector.broadcast %jit3A_227 : i32 to vector<16x20480xi32>
    %select_n3A_229 = arith.select %eq3A_226, %iota3A, %broadcast_in_dim3A_228 : vector<16x20480xi1>, vector<16x20480xi32>
    %reduce_min3A_230 = arith.constant dense<2147483647> : vector<16xi32>
    %reduce_min3A_231 = vector.multi_reduction <minsi>, %select_n3A_229, %reduce_min3A_230 [1] : vector<16x20480xi32> to vector<16xi32>
    %broadcast_in_dim3A_232 = vector.shape_cast %reduce_min3A_231 : vector<16xi32> to vector<16x1xi32>
    %jit3A_233 = arith.constant 1.000000e+10 : f32
    %broadcast_in_dim3A_234 = vector.broadcast %jit3A_233 : f32 to vector<16x20480xf32>
    %select_n3A_235 = arith.select %eq3A_226, %broadcast_in_dim3A_234, %get3A_221 : vector<16x20480xi1>, vector<16x20480xf32>
    %swap3A_236 = arith.constant 0 : index
    %swap3A_237 = arith.constant 0 : index
    %swap3A_238 = vector.load %arg6[%swap3A_236, %swap3A_237] : memref<16x20480xf32, #tpu.memory_space<vmem>>, vector<16x20480xf32>
    tpu.vector_store %arg6[%swap3A_236, %swap3A_237], %select_n3A_235 {strides = array<i32>} : memref<16x20480xf32, #tpu.memory_space<vmem>>, vector<16x20480xf32>,
    %lt3A_239 = arith.constant 1.000000e+09 : f32
    %lt3A_240 = vector.broadcast %lt3A_239 : f32 to vector<16x1xf32>
    %lt3A_241 = arith.cmpf olt, %broadcast_in_dim3A_224, %lt3A_240 : vector<16x1xf32>
    %select_n3A_242 = arith.select %lt3A_241, %broadcast_in_dim3A_232, %broadcast_in_dim3A_48 : vector<16x1xi1>, vector<16x1xi32>
    %swap3A_243 = arith.constant 0 : index
    %swap3A_244 = arith.constant 7 : index
    %swap3A_245 = vector.load %arg5[%swap3A_243, %swap3A_244] : memref<16x128xi32, #tpu.memory_space<vmem>>, vector<16x1xi32>
    tpu.vector_store %arg5[%swap3A_243, %swap3A_244], %select_n3A_242 {strides = array<i32>} : memref<16x128xi32, #tpu.memory_space<vmem>>, vector<16x1xi32>,
    %get3A_246 = arith.constant 0 : index
    %get3A_247 = arith.constant 0 : index
    %get3A_248 = vector.load %arg6[%get3A_246, %get3A_247] : memref<16x20480xf32, #tpu.memory_space<vmem>>, vector<16x20480xf32>
    %reduce_min3A_249 = arith.constant dense<0x7F800000> : vector<16xf32>
    %reduce_min3A_250 = vector.multi_reduction <minimumf>, %get3A_248, %reduce_min3A_249 [1] : vector<16x20480xf32> to vector<16xf32>
    %broadcast_in_dim3A_251 = vector.shape_cast %reduce_min3A_250 : vector<16xf32> to vector<16x1xf32>
    %eq3A_252 = vector.broadcast %broadcast_in_dim3A_251 : vector<16x1xf32> to vector<16x20480xf32>
    %eq3A_253 = arith.cmpf oeq, %get3A_248, %eq3A_252 : vector<16x20480xf32>
    %jit3A_254 = arith.constant 1073741824 : i32
    %broadcast_in_dim3A_255 = vector.broadcast %jit3A_254 : i32 to vector<16x20480xi32>
    %select_n3A_256 = arith.select %eq3A_253, %iota3A, %broadcast_in_dim3A_255 : vector<16x20480xi1>, vector<16x20480xi32>
    %reduce_min3A_257 = arith.constant dense<2147483647> : vector<16xi32>
    %reduce_min3A_258 = vector.multi_reduction <minsi>, %select_n3A_256, %reduce_min3A_257 [1] : vector<16x20480xi32> to vector<16xi32>
    %broadcast_in_dim3A_259 = vector.shape_cast %reduce_min3A_258 : vector<16xi32> to vector<16x1xi32>
    %jit3A_260 = arith.constant 1.000000e+10 : f32
    %broadcast_in_dim3A_261 = vector.broadcast %jit3A_260 : f32 to vector<16x20480xf32>
    %select_n3A_262 = arith.select %eq3A_253, %broadcast_in_dim3A_261, %get3A_248 : vector<16x20480xi1>, vector<16x20480xf32>
    %swap3A_263 = arith.constant 0 : index
    %swap3A_264 = arith.constant 0 : index
    %swap3A_265 = vector.load %arg6[%swap3A_263, %swap3A_264] : memref<16x20480xf32, #tpu.memory_space<vmem>>, vector<16x20480xf32>
    tpu.vector_store %arg6[%swap3A_263, %swap3A_264], %select_n3A_262 {strides = array<i32>} : memref<16x20480xf32, #tpu.memory_space<vmem>>, vector<16x20480xf32>,
    %lt3A_266 = arith.constant 1.000000e+09 : f32
    %lt3A_267 = vector.broadcast %lt3A_266 : f32 to vector<16x1xf32>
    %lt3A_268 = arith.cmpf olt, %broadcast_in_dim3A_251, %lt3A_267 : vector<16x1xf32>
    %select_n3A_269 = arith.select %lt3A_268, %broadcast_in_dim3A_259, %broadcast_in_dim3A_48 : vector<16x1xi1>, vector<16x1xi32>
    %swap3A_270 = arith.constant 0 : index
    %swap3A_271 = arith.constant 8 : index
    %swap3A_272 = vector.load %arg5[%swap3A_270, %swap3A_271] : memref<16x128xi32, #tpu.memory_space<vmem>>, vector<16x1xi32>
    tpu.vector_store %arg5[%swap3A_270, %swap3A_271], %select_n3A_269 {strides = array<i32>} : memref<16x128xi32, #tpu.memory_space<vmem>>, vector<16x1xi32>,
    %get3A_273 = arith.constant 0 : index
    %get3A_274 = arith.constant 0 : index
    %get3A_275 = vector.load %arg6[%get3A_273, %get3A_274] : memref<16x20480xf32, #tpu.memory_space<vmem>>, vector<16x20480xf32>
    %reduce_min3A_276 = arith.constant dense<0x7F800000> : vector<16xf32>
    %reduce_min3A_277 = vector.multi_reduction <minimumf>, %get3A_275, %reduce_min3A_276 [1] : vector<16x20480xf32> to vector<16xf32>
    %broadcast_in_dim3A_278 = vector.shape_cast %reduce_min3A_277 : vector<16xf32> to vector<16x1xf32>
    %eq3A_279 = vector.broadcast %broadcast_in_dim3A_278 : vector<16x1xf32> to vector<16x20480xf32>
    %eq3A_280 = arith.cmpf oeq, %get3A_275, %eq3A_279 : vector<16x20480xf32>
    %jit3A_281 = arith.constant 1073741824 : i32
    %broadcast_in_dim3A_282 = vector.broadcast %jit3A_281 : i32 to vector<16x20480xi32>
    %select_n3A_283 = arith.select %eq3A_280, %iota3A, %broadcast_in_dim3A_282 : vector<16x20480xi1>, vector<16x20480xi32>
    %reduce_min3A_284 = arith.constant dense<2147483647> : vector<16xi32>
    %reduce_min3A_285 = vector.multi_reduction <minsi>, %select_n3A_283, %reduce_min3A_284 [1] : vector<16x20480xi32> to vector<16xi32>
    %broadcast_in_dim3A_286 = vector.shape_cast %reduce_min3A_285 : vector<16xi32> to vector<16x1xi32>
    %jit3A_287 = arith.constant 1.000000e+10 : f32
    %broadcast_in_dim3A_288 = vector.broadcast %jit3A_287 : f32 to vector<16x20480xf32>
    %select_n3A_289 = arith.select %eq3A_280, %broadcast_in_dim3A_288, %get3A_275 : vector<16x20480xi1>, vector<16x20480xf32>
    %swap3A_290 = arith.constant 0 : index
    %swap3A_291 = arith.constant 0 : index
    %swap3A_292 = vector.load %arg6[%swap3A_290, %swap3A_291] : memref<16x20480xf32, #tpu.memory_space<vmem>>, vector<16x20480xf32>
    tpu.vector_store %arg6[%swap3A_290, %swap3A_291], %select_n3A_289 {strides = array<i32>} : memref<16x20480xf32, #tpu.memory_space<vmem>>, vector<16x20480xf32>,
    %lt3A_293 = arith.constant 1.000000e+09 : f32
    %lt3A_294 = vector.broadcast %lt3A_293 : f32 to vector<16x1xf32>
    %lt3A_295 = arith.cmpf olt, %broadcast_in_dim3A_278, %lt3A_294 : vector<16x1xf32>
    %select_n3A_296 = arith.select %lt3A_295, %broadcast_in_dim3A_286, %broadcast_in_dim3A_48 : vector<16x1xi1>, vector<16x1xi32>
    %swap3A_297 = arith.constant 0 : index
    %swap3A_298 = arith.constant 9 : index
    %swap3A_299 = vector.load %arg5[%swap3A_297, %swap3A_298] : memref<16x128xi32, #tpu.memory_space<vmem>>, vector<16x1xi32>
    tpu.vector_store %arg5[%swap3A_297, %swap3A_298], %select_n3A_296 {strides = array<i32>} : memref<16x128xi32, #tpu.memory_space<vmem>>, vector<16x1xi32>,
    %get3A_300 = arith.constant 0 : index
    %get3A_301 = arith.constant 0 : index
    %get3A_302 = vector.load %arg6[%get3A_300, %get3A_301] : memref<16x20480xf32, #tpu.memory_space<vmem>>, vector<16x20480xf32>
    %reduce_min3A_303 = arith.constant dense<0x7F800000> : vector<16xf32>
    %reduce_min3A_304 = vector.multi_reduction <minimumf>, %get3A_302, %reduce_min3A_303 [1] : vector<16x20480xf32> to vector<16xf32>
    %broadcast_in_dim3A_305 = vector.shape_cast %reduce_min3A_304 : vector<16xf32> to vector<16x1xf32>
    %eq3A_306 = vector.broadcast %broadcast_in_dim3A_305 : vector<16x1xf32> to vector<16x20480xf32>
    %eq3A_307 = arith.cmpf oeq, %get3A_302, %eq3A_306 : vector<16x20480xf32>
    %jit3A_308 = arith.constant 1073741824 : i32
    %broadcast_in_dim3A_309 = vector.broadcast %jit3A_308 : i32 to vector<16x20480xi32>
    %select_n3A_310 = arith.select %eq3A_307, %iota3A, %broadcast_in_dim3A_309 : vector<16x20480xi1>, vector<16x20480xi32>
    %reduce_min3A_311 = arith.constant dense<2147483647> : vector<16xi32>
    %reduce_min3A_312 = vector.multi_reduction <minsi>, %select_n3A_310, %reduce_min3A_311 [1] : vector<16x20480xi32> to vector<16xi32>
    %broadcast_in_dim3A_313 = vector.shape_cast %reduce_min3A_312 : vector<16xi32> to vector<16x1xi32>
    %jit3A_314 = arith.constant 1.000000e+10 : f32
    %broadcast_in_dim3A_315 = vector.broadcast %jit3A_314 : f32 to vector<16x20480xf32>
    %select_n3A_316 = arith.select %eq3A_307, %broadcast_in_dim3A_315, %get3A_302 : vector<16x20480xi1>, vector<16x20480xf32>
    %swap3A_317 = arith.constant 0 : index
    %swap3A_318 = arith.constant 0 : index
    %swap3A_319 = vector.load %arg6[%swap3A_317, %swap3A_318] : memref<16x20480xf32, #tpu.memory_space<vmem>>, vector<16x20480xf32>
    tpu.vector_store %arg6[%swap3A_317, %swap3A_318], %select_n3A_316 {strides = array<i32>} : memref<16x20480xf32, #tpu.memory_space<vmem>>, vector<16x20480xf32>,
    %lt3A_320 = arith.constant 1.000000e+09 : f32
    %lt3A_321 = vector.broadcast %lt3A_320 : f32 to vector<16x1xf32>
    %lt3A_322 = arith.cmpf olt, %broadcast_in_dim3A_305, %lt3A_321 : vector<16x1xf32>
    %select_n3A_323 = arith.select %lt3A_322, %broadcast_in_dim3A_313, %broadcast_in_dim3A_48 : vector<16x1xi1>, vector<16x1xi32>
    %swap3A_324 = arith.constant 0 : index
    %swap3A_325 = arith.constant 10 : index
    %swap3A_326 = vector.load %arg5[%swap3A_324, %swap3A_325] : memref<16x128xi32, #tpu.memory_space<vmem>>, vector<16x1xi32>
    tpu.vector_store %arg5[%swap3A_324, %swap3A_325], %select_n3A_323 {strides = array<i32>} : memref<16x128xi32, #tpu.memory_space<vmem>>, vector<16x1xi32>,
    %get3A_327 = arith.constant 0 : index
    %get3A_328 = arith.constant 0 : index
    %get3A_329 = vector.load %arg6[%get3A_327, %get3A_328] : memref<16x20480xf32, #tpu.memory_space<vmem>>, vector<16x20480xf32>
    %reduce_min3A_330 = arith.constant dense<0x7F800000> : vector<16xf32>
    %reduce_min3A_331 = vector.multi_reduction <minimumf>, %get3A_329, %reduce_min3A_330 [1] : vector<16x20480xf32> to vector<16xf32>
    %broadcast_in_dim3A_332 = vector.shape_cast %reduce_min3A_331 : vector<16xf32> to vector<16x1xf32>
    %eq3A_333 = vector.broadcast %broadcast_in_dim3A_332 : vector<16x1xf32> to vector<16x20480xf32>
    %eq3A_334 = arith.cmpf oeq, %get3A_329, %eq3A_333 : vector<16x20480xf32>
    %jit3A_335 = arith.constant 1073741824 : i32
    %broadcast_in_dim3A_336 = vector.broadcast %jit3A_335 : i32 to vector<16x20480xi32>
    %select_n3A_337 = arith.select %eq3A_334, %iota3A, %broadcast_in_dim3A_336 : vector<16x20480xi1>, vector<16x20480xi32>
    %reduce_min3A_338 = arith.constant dense<2147483647> : vector<16xi32>
    %reduce_min3A_339 = vector.multi_reduction <minsi>, %select_n3A_337, %reduce_min3A_338 [1] : vector<16x20480xi32> to vector<16xi32>
    %broadcast_in_dim3A_340 = vector.shape_cast %reduce_min3A_339 : vector<16xi32> to vector<16x1xi32>
    %jit3A_341 = arith.constant 1.000000e+10 : f32
    %broadcast_in_dim3A_342 = vector.broadcast %jit3A_341 : f32 to vector<16x20480xf32>
    %select_n3A_343 = arith.select %eq3A_334, %broadcast_in_dim3A_342, %get3A_329 : vector<16x20480xi1>, vector<16x20480xf32>
    %swap3A_344 = arith.constant 0 : index
    %swap3A_345 = arith.constant 0 : index
    %swap3A_346 = vector.load %arg6[%swap3A_344, %swap3A_345] : memref<16x20480xf32, #tpu.memory_space<vmem>>, vector<16x20480xf32>
    tpu.vector_store %arg6[%swap3A_344, %swap3A_345], %select_n3A_343 {strides = array<i32>} : memref<16x20480xf32, #tpu.memory_space<vmem>>, vector<16x20480xf32>,
    %lt3A_347 = arith.constant 1.000000e+09 : f32
    %lt3A_348 = vector.broadcast %lt3A_347 : f32 to vector<16x1xf32>
    %lt3A_349 = arith.cmpf olt, %broadcast_in_dim3A_332, %lt3A_348 : vector<16x1xf32>
    %select_n3A_350 = arith.select %lt3A_349, %broadcast_in_dim3A_340, %broadcast_in_dim3A_48 : vector<16x1xi1>, vector<16x1xi32>
    %swap3A_351 = arith.constant 0 : index
    %swap3A_352 = arith.constant 11 : index
    %swap3A_353 = vector.load %arg5[%swap3A_351, %swap3A_352] : memref<16x128xi32, #tpu.memory_space<vmem>>, vector<16x1xi32>
    tpu.vector_store %arg5[%swap3A_351, %swap3A_352], %select_n3A_350 {strides = array<i32>} : memref<16x128xi32, #tpu.memory_space<vmem>>, vector<16x1xi32>,
    %get3A_354 = arith.constant 0 : index
    %get3A_355 = arith.constant 0 : index
    %get3A_356 = vector.load %arg6[%get3A_354, %get3A_355] : memref<16x20480xf32, #tpu.memory_space<vmem>>, vector<16x20480xf32>
    %reduce_min3A_357 = arith.constant dense<0x7F800000> : vector<16xf32>
    %reduce_min3A_358 = vector.multi_reduction <minimumf>, %get3A_356, %reduce_min3A_357 [1] : vector<16x20480xf32> to vector<16xf32>
    %broadcast_in_dim3A_359 = vector.shape_cast %reduce_min3A_358 : vector<16xf32> to vector<16x1xf32>
    %eq3A_360 = vector.broadcast %broadcast_in_dim3A_359 : vector<16x1xf32> to vector<16x20480xf32>
    %eq3A_361 = arith.cmpf oeq, %get3A_356, %eq3A_360 : vector<16x20480xf32>
    %jit3A_362 = arith.constant 1073741824 : i32
    %broadcast_in_dim3A_363 = vector.broadcast %jit3A_362 : i32 to vector<16x20480xi32>
    %select_n3A_364 = arith.select %eq3A_361, %iota3A, %broadcast_in_dim3A_363 : vector<16x20480xi1>, vector<16x20480xi32>
    %reduce_min3A_365 = arith.constant dense<2147483647> : vector<16xi32>
    %reduce_min3A_366 = vector.multi_reduction <minsi>, %select_n3A_364, %reduce_min3A_365 [1] : vector<16x20480xi32> to vector<16xi32>
    %broadcast_in_dim3A_367 = vector.shape_cast %reduce_min3A_366 : vector<16xi32> to vector<16x1xi32>
    %jit3A_368 = arith.constant 1.000000e+10 : f32
    %broadcast_in_dim3A_369 = vector.broadcast %jit3A_368 : f32 to vector<16x20480xf32>
    %select_n3A_370 = arith.select %eq3A_361, %broadcast_in_dim3A_369, %get3A_356 : vector<16x20480xi1>, vector<16x20480xf32>
    %swap3A_371 = arith.constant 0 : index
    %swap3A_372 = arith.constant 0 : index
    %swap3A_373 = vector.load %arg6[%swap3A_371, %swap3A_372] : memref<16x20480xf32, #tpu.memory_space<vmem>>, vector<16x20480xf32>
    tpu.vector_store %arg6[%swap3A_371, %swap3A_372], %select_n3A_370 {strides = array<i32>} : memref<16x20480xf32, #tpu.memory_space<vmem>>, vector<16x20480xf32>,
    %lt3A_374 = arith.constant 1.000000e+09 : f32
    %lt3A_375 = vector.broadcast %lt3A_374 : f32 to vector<16x1xf32>
    %lt3A_376 = arith.cmpf olt, %broadcast_in_dim3A_359, %lt3A_375 : vector<16x1xf32>
    %select_n3A_377 = arith.select %lt3A_376, %broadcast_in_dim3A_367, %broadcast_in_dim3A_48 : vector<16x1xi1>, vector<16x1xi32>
    %swap3A_378 = arith.constant 0 : index
    %swap3A_379 = arith.constant 12 : index
    %swap3A_380 = vector.load %arg5[%swap3A_378, %swap3A_379] : memref<16x128xi32, #tpu.memory_space<vmem>>, vector<16x1xi32>
    tpu.vector_store %arg5[%swap3A_378, %swap3A_379], %select_n3A_377 {strides = array<i32>} : memref<16x128xi32, #tpu.memory_space<vmem>>, vector<16x1xi32>,
    %get3A_381 = arith.constant 0 : index
    %get3A_382 = arith.constant 0 : index
    %get3A_383 = vector.load %arg6[%get3A_381, %get3A_382] : memref<16x20480xf32, #tpu.memory_space<vmem>>, vector<16x20480xf32>
    %reduce_min3A_384 = arith.constant dense<0x7F800000> : vector<16xf32>
    %reduce_min3A_385 = vector.multi_reduction <minimumf>, %get3A_383, %reduce_min3A_384 [1] : vector<16x20480xf32> to vector<16xf32>
    %broadcast_in_dim3A_386 = vector.shape_cast %reduce_min3A_385 : vector<16xf32> to vector<16x1xf32>
    %eq3A_387 = vector.broadcast %broadcast_in_dim3A_386 : vector<16x1xf32> to vector<16x20480xf32>
    %eq3A_388 = arith.cmpf oeq, %get3A_383, %eq3A_387 : vector<16x20480xf32>
    %jit3A_389 = arith.constant 1073741824 : i32
    %broadcast_in_dim3A_390 = vector.broadcast %jit3A_389 : i32 to vector<16x20480xi32>
    %select_n3A_391 = arith.select %eq3A_388, %iota3A, %broadcast_in_dim3A_390 : vector<16x20480xi1>, vector<16x20480xi32>
    %reduce_min3A_392 = arith.constant dense<2147483647> : vector<16xi32>
    %reduce_min3A_393 = vector.multi_reduction <minsi>, %select_n3A_391, %reduce_min3A_392 [1] : vector<16x20480xi32> to vector<16xi32>
    %broadcast_in_dim3A_394 = vector.shape_cast %reduce_min3A_393 : vector<16xi32> to vector<16x1xi32>
    %jit3A_395 = arith.constant 1.000000e+10 : f32
    %broadcast_in_dim3A_396 = vector.broadcast %jit3A_395 : f32 to vector<16x20480xf32>
    %select_n3A_397 = arith.select %eq3A_388, %broadcast_in_dim3A_396, %get3A_383 : vector<16x20480xi1>, vector<16x20480xf32>
    %swap3A_398 = arith.constant 0 : index
    %swap3A_399 = arith.constant 0 : index
    %swap3A_400 = vector.load %arg6[%swap3A_398, %swap3A_399] : memref<16x20480xf32, #tpu.memory_space<vmem>>, vector<16x20480xf32>
    tpu.vector_store %arg6[%swap3A_398, %swap3A_399], %select_n3A_397 {strides = array<i32>} : memref<16x20480xf32, #tpu.memory_space<vmem>>, vector<16x20480xf32>,
    %lt3A_401 = arith.constant 1.000000e+09 : f32
    %lt3A_402 = vector.broadcast %lt3A_401 : f32 to vector<16x1xf32>
    %lt3A_403 = arith.cmpf olt, %broadcast_in_dim3A_386, %lt3A_402 : vector<16x1xf32>
    %select_n3A_404 = arith.select %lt3A_403, %broadcast_in_dim3A_394, %broadcast_in_dim3A_48 : vector<16x1xi1>, vector<16x1xi32>
    %swap3A_405 = arith.constant 0 : index
    %swap3A_406 = arith.constant 13 : index
    %swap3A_407 = vector.load %arg5[%swap3A_405, %swap3A_406] : memref<16x128xi32, #tpu.memory_space<vmem>>, vector<16x1xi32>
    tpu.vector_store %arg5[%swap3A_405, %swap3A_406], %select_n3A_404 {strides = array<i32>} : memref<16x128xi32, #tpu.memory_space<vmem>>, vector<16x1xi32>,
    %get3A_408 = arith.constant 0 : index
    %get3A_409 = arith.constant 0 : index
    %get3A_410 = vector.load %arg6[%get3A_408, %get3A_409] : memref<16x20480xf32, #tpu.memory_space<vmem>>, vector<16x20480xf32>
    %reduce_min3A_411 = arith.constant dense<0x7F800000> : vector<16xf32>
    %reduce_min3A_412 = vector.multi_reduction <minimumf>, %get3A_410, %reduce_min3A_411 [1] : vector<16x20480xf32> to vector<16xf32>
    %broadcast_in_dim3A_413 = vector.shape_cast %reduce_min3A_412 : vector<16xf32> to vector<16x1xf32>
    %eq3A_414 = vector.broadcast %broadcast_in_dim3A_413 : vector<16x1xf32> to vector<16x20480xf32>
    %eq3A_415 = arith.cmpf oeq, %get3A_410, %eq3A_414 : vector<16x20480xf32>
    %jit3A_416 = arith.constant 1073741824 : i32
    %broadcast_in_dim3A_417 = vector.broadcast %jit3A_416 : i32 to vector<16x20480xi32>
    %select_n3A_418 = arith.select %eq3A_415, %iota3A, %broadcast_in_dim3A_417 : vector<16x20480xi1>, vector<16x20480xi32>
    %reduce_min3A_419 = arith.constant dense<2147483647> : vector<16xi32>
    %reduce_min3A_420 = vector.multi_reduction <minsi>, %select_n3A_418, %reduce_min3A_419 [1] : vector<16x20480xi32> to vector<16xi32>
    %broadcast_in_dim3A_421 = vector.shape_cast %reduce_min3A_420 : vector<16xi32> to vector<16x1xi32>
    %jit3A_422 = arith.constant 1.000000e+10 : f32
    %broadcast_in_dim3A_423 = vector.broadcast %jit3A_422 : f32 to vector<16x20480xf32>
    %select_n3A_424 = arith.select %eq3A_415, %broadcast_in_dim3A_423, %get3A_410 : vector<16x20480xi1>, vector<16x20480xf32>
    %swap3A_425 = arith.constant 0 : index
    %swap3A_426 = arith.constant 0 : index
    %swap3A_427 = vector.load %arg6[%swap3A_425, %swap3A_426] : memref<16x20480xf32, #tpu.memory_space<vmem>>, vector<16x20480xf32>
    tpu.vector_store %arg6[%swap3A_425, %swap3A_426], %select_n3A_424 {strides = array<i32>} : memref<16x20480xf32, #tpu.memory_space<vmem>>, vector<16x20480xf32>,
    %lt3A_428 = arith.constant 1.000000e+09 : f32
    %lt3A_429 = vector.broadcast %lt3A_428 : f32 to vector<16x1xf32>
    %lt3A_430 = arith.cmpf olt, %broadcast_in_dim3A_413, %lt3A_429 : vector<16x1xf32>
    %select_n3A_431 = arith.select %lt3A_430, %broadcast_in_dim3A_421, %broadcast_in_dim3A_48 : vector<16x1xi1>, vector<16x1xi32>
    %swap3A_432 = arith.constant 0 : index
    %swap3A_433 = arith.constant 14 : index
    %swap3A_434 = vector.load %arg5[%swap3A_432, %swap3A_433] : memref<16x128xi32, #tpu.memory_space<vmem>>, vector<16x1xi32>
    tpu.vector_store %arg5[%swap3A_432, %swap3A_433], %select_n3A_431 {strides = array<i32>} : memref<16x128xi32, #tpu.memory_space<vmem>>, vector<16x1xi32>,
    %get3A_435 = arith.constant 0 : index
    %get3A_436 = arith.constant 0 : index
    %get3A_437 = vector.load %arg6[%get3A_435, %get3A_436] : memref<16x20480xf32, #tpu.memory_space<vmem>>, vector<16x20480xf32>
    %reduce_min3A_438 = arith.constant dense<0x7F800000> : vector<16xf32>
    %reduce_min3A_439 = vector.multi_reduction <minimumf>, %get3A_437, %reduce_min3A_438 [1] : vector<16x20480xf32> to vector<16xf32>
    %broadcast_in_dim3A_440 = vector.shape_cast %reduce_min3A_439 : vector<16xf32> to vector<16x1xf32>
    %eq3A_441 = vector.broadcast %broadcast_in_dim3A_440 : vector<16x1xf32> to vector<16x20480xf32>
    %eq3A_442 = arith.cmpf oeq, %get3A_437, %eq3A_441 : vector<16x20480xf32>
    %jit3A_443 = arith.constant 1073741824 : i32
    %broadcast_in_dim3A_444 = vector.broadcast %jit3A_443 : i32 to vector<16x20480xi32>
    %select_n3A_445 = arith.select %eq3A_442, %iota3A, %broadcast_in_dim3A_444 : vector<16x20480xi1>, vector<16x20480xi32>
    %reduce_min3A_446 = arith.constant dense<2147483647> : vector<16xi32>
    %reduce_min3A_447 = vector.multi_reduction <minsi>, %select_n3A_445, %reduce_min3A_446 [1] : vector<16x20480xi32> to vector<16xi32>
    %broadcast_in_dim3A_448 = vector.shape_cast %reduce_min3A_447 : vector<16xi32> to vector<16x1xi32>
    %jit3A_449 = arith.constant 1.000000e+10 : f32
    %broadcast_in_dim3A_450 = vector.broadcast %jit3A_449 : f32 to vector<16x20480xf32>
    %select_n3A_451 = arith.select %eq3A_442, %broadcast_in_dim3A_450, %get3A_437 : vector<16x20480xi1>, vector<16x20480xf32>
    %swap3A_452 = arith.constant 0 : index
    %swap3A_453 = arith.constant 0 : index
    %swap3A_454 = vector.load %arg6[%swap3A_452, %swap3A_453] : memref<16x20480xf32, #tpu.memory_space<vmem>>, vector<16x20480xf32>
    tpu.vector_store %arg6[%swap3A_452, %swap3A_453], %select_n3A_451 {strides = array<i32>} : memref<16x20480xf32, #tpu.memory_space<vmem>>, vector<16x20480xf32>,
    %lt3A_455 = arith.constant 1.000000e+09 : f32
    %lt3A_456 = vector.broadcast %lt3A_455 : f32 to vector<16x1xf32>
    %lt3A_457 = arith.cmpf olt, %broadcast_in_dim3A_440, %lt3A_456 : vector<16x1xf32>
    %select_n3A_458 = arith.select %lt3A_457, %broadcast_in_dim3A_448, %broadcast_in_dim3A_48 : vector<16x1xi1>, vector<16x1xi32>
    %swap3A_459 = arith.constant 0 : index
    %swap3A_460 = arith.constant 15 : index
    %swap3A_461 = vector.load %arg5[%swap3A_459, %swap3A_460] : memref<16x128xi32, #tpu.memory_space<vmem>>, vector<16x1xi32>
    tpu.vector_store %arg5[%swap3A_459, %swap3A_460], %select_n3A_458 {strides = array<i32>} : memref<16x128xi32, #tpu.memory_space<vmem>>, vector<16x1xi32>,
    %get3A_462 = arith.constant 0 : index
    %get3A_463 = arith.constant 0 : index
    %get3A_464 = vector.load %arg6[%get3A_462, %get3A_463] : memref<16x20480xf32, #tpu.memory_space<vmem>>, vector<16x20480xf32>
    %reduce_min3A_465 = arith.constant dense<0x7F800000> : vector<16xf32>
    %reduce_min3A_466 = vector.multi_reduction <minimumf>, %get3A_464, %reduce_min3A_465 [1] : vector<16x20480xf32> to vector<16xf32>
    %broadcast_in_dim3A_467 = vector.shape_cast %reduce_min3A_466 : vector<16xf32> to vector<16x1xf32>
    %eq3A_468 = vector.broadcast %broadcast_in_dim3A_467 : vector<16x1xf32> to vector<16x20480xf32>
    %eq3A_469 = arith.cmpf oeq, %get3A_464, %eq3A_468 : vector<16x20480xf32>
    %jit3A_470 = arith.constant 1073741824 : i32
    %broadcast_in_dim3A_471 = vector.broadcast %jit3A_470 : i32 to vector<16x20480xi32>
    %select_n3A_472 = arith.select %eq3A_469, %iota3A, %broadcast_in_dim3A_471 : vector<16x20480xi1>, vector<16x20480xi32>
    %reduce_min3A_473 = arith.constant dense<2147483647> : vector<16xi32>
    %reduce_min3A_474 = vector.multi_reduction <minsi>, %select_n3A_472, %reduce_min3A_473 [1] : vector<16x20480xi32> to vector<16xi32>
    %broadcast_in_dim3A_475 = vector.shape_cast %reduce_min3A_474 : vector<16xi32> to vector<16x1xi32>
    %jit3A_476 = arith.constant 1.000000e+10 : f32
    %broadcast_in_dim3A_477 = vector.broadcast %jit3A_476 : f32 to vector<16x20480xf32>
    %select_n3A_478 = arith.select %eq3A_469, %broadcast_in_dim3A_477, %get3A_464 : vector<16x20480xi1>, vector<16x20480xf32>
    %swap3A_479 = arith.constant 0 : index
    %swap3A_480 = arith.constant 0 : index
    %swap3A_481 = vector.load %arg6[%swap3A_479, %swap3A_480] : memref<16x20480xf32, #tpu.memory_space<vmem>>, vector<16x20480xf32>
    tpu.vector_store %arg6[%swap3A_479, %swap3A_480], %select_n3A_478 {strides = array<i32>} : memref<16x20480xf32, #tpu.memory_space<vmem>>, vector<16x20480xf32>,
    %lt3A_482 = arith.constant 1.000000e+09 : f32
    %lt3A_483 = vector.broadcast %lt3A_482 : f32 to vector<16x1xf32>
    %lt3A_484 = arith.cmpf olt, %broadcast_in_dim3A_467, %lt3A_483 : vector<16x1xf32>
    %select_n3A_485 = arith.select %lt3A_484, %broadcast_in_dim3A_475, %broadcast_in_dim3A_48 : vector<16x1xi1>, vector<16x1xi32>
    %swap3A_486 = arith.constant 0 : index
    %swap3A_487 = arith.constant 16 : index
    %swap3A_488 = vector.load %arg5[%swap3A_486, %swap3A_487] : memref<16x128xi32, #tpu.memory_space<vmem>>, vector<16x1xi32>
    tpu.vector_store %arg5[%swap3A_486, %swap3A_487], %select_n3A_485 {strides = array<i32>} : memref<16x128xi32, #tpu.memory_space<vmem>>, vector<16x1xi32>,
    %get3A_489 = arith.constant 0 : index
    %get3A_490 = arith.constant 0 : index
    %get3A_491 = vector.load %arg6[%get3A_489, %get3A_490] : memref<16x20480xf32, #tpu.memory_space<vmem>>, vector<16x20480xf32>
    %reduce_min3A_492 = arith.constant dense<0x7F800000> : vector<16xf32>
    %reduce_min3A_493 = vector.multi_reduction <minimumf>, %get3A_491, %reduce_min3A_492 [1] : vector<16x20480xf32> to vector<16xf32>
    %broadcast_in_dim3A_494 = vector.shape_cast %reduce_min3A_493 : vector<16xf32> to vector<16x1xf32>
    %eq3A_495 = vector.broadcast %broadcast_in_dim3A_494 : vector<16x1xf32> to vector<16x20480xf32>
    %eq3A_496 = arith.cmpf oeq, %get3A_491, %eq3A_495 : vector<16x20480xf32>
    %jit3A_497 = arith.constant 1073741824 : i32
    %broadcast_in_dim3A_498 = vector.broadcast %jit3A_497 : i32 to vector<16x20480xi32>
    %select_n3A_499 = arith.select %eq3A_496, %iota3A, %broadcast_in_dim3A_498 : vector<16x20480xi1>, vector<16x20480xi32>
    %reduce_min3A_500 = arith.constant dense<2147483647> : vector<16xi32>
    %reduce_min3A_501 = vector.multi_reduction <minsi>, %select_n3A_499, %reduce_min3A_500 [1] : vector<16x20480xi32> to vector<16xi32>
    %broadcast_in_dim3A_502 = vector.shape_cast %reduce_min3A_501 : vector<16xi32> to vector<16x1xi32>
    %jit3A_503 = arith.constant 1.000000e+10 : f32
    %broadcast_in_dim3A_504 = vector.broadcast %jit3A_503 : f32 to vector<16x20480xf32>
    %select_n3A_505 = arith.select %eq3A_496, %broadcast_in_dim3A_504, %get3A_491 : vector<16x20480xi1>, vector<16x20480xf32>
    %swap3A_506 = arith.constant 0 : index
    %swap3A_507 = arith.constant 0 : index
    %swap3A_508 = vector.load %arg6[%swap3A_506, %swap3A_507] : memref<16x20480xf32, #tpu.memory_space<vmem>>, vector<16x20480xf32>
    tpu.vector_store %arg6[%swap3A_506, %swap3A_507], %select_n3A_505 {strides = array<i32>} : memref<16x20480xf32, #tpu.memory_space<vmem>>, vector<16x20480xf32>,
    %lt3A_509 = arith.constant 1.000000e+09 : f32
    %lt3A_510 = vector.broadcast %lt3A_509 : f32 to vector<16x1xf32>
    %lt3A_511 = arith.cmpf olt, %broadcast_in_dim3A_494, %lt3A_510 : vector<16x1xf32>
    %select_n3A_512 = arith.select %lt3A_511, %broadcast_in_dim3A_502, %broadcast_in_dim3A_48 : vector<16x1xi1>, vector<16x1xi32>
    %swap3A_513 = arith.constant 0 : index
    %swap3A_514 = arith.constant 17 : index
    %swap3A_515 = vector.load %arg5[%swap3A_513, %swap3A_514] : memref<16x128xi32, #tpu.memory_space<vmem>>, vector<16x1xi32>
    tpu.vector_store %arg5[%swap3A_513, %swap3A_514], %select_n3A_512 {strides = array<i32>} : memref<16x128xi32, #tpu.memory_space<vmem>>, vector<16x1xi32>,
    %get3A_516 = arith.constant 0 : index
    %get3A_517 = arith.constant 0 : index
    %get3A_518 = vector.load %arg6[%get3A_516, %get3A_517] : memref<16x20480xf32, #tpu.memory_space<vmem>>, vector<16x20480xf32>
    %reduce_min3A_519 = arith.constant dense<0x7F800000> : vector<16xf32>
    %reduce_min3A_520 = vector.multi_reduction <minimumf>, %get3A_518, %reduce_min3A_519 [1] : vector<16x20480xf32> to vector<16xf32>
    %broadcast_in_dim3A_521 = vector.shape_cast %reduce_min3A_520 : vector<16xf32> to vector<16x1xf32>
    %eq3A_522 = vector.broadcast %broadcast_in_dim3A_521 : vector<16x1xf32> to vector<16x20480xf32>
    %eq3A_523 = arith.cmpf oeq, %get3A_518, %eq3A_522 : vector<16x20480xf32>
    %jit3A_524 = arith.constant 1073741824 : i32
    %broadcast_in_dim3A_525 = vector.broadcast %jit3A_524 : i32 to vector<16x20480xi32>
    %select_n3A_526 = arith.select %eq3A_523, %iota3A, %broadcast_in_dim3A_525 : vector<16x20480xi1>, vector<16x20480xi32>
    %reduce_min3A_527 = arith.constant dense<2147483647> : vector<16xi32>
    %reduce_min3A_528 = vector.multi_reduction <minsi>, %select_n3A_526, %reduce_min3A_527 [1] : vector<16x20480xi32> to vector<16xi32>
    %broadcast_in_dim3A_529 = vector.shape_cast %reduce_min3A_528 : vector<16xi32> to vector<16x1xi32>
    %jit3A_530 = arith.constant 1.000000e+10 : f32
    %broadcast_in_dim3A_531 = vector.broadcast %jit3A_530 : f32 to vector<16x20480xf32>
    %select_n3A_532 = arith.select %eq3A_523, %broadcast_in_dim3A_531, %get3A_518 : vector<16x20480xi1>, vector<16x20480xf32>
    %swap3A_533 = arith.constant 0 : index
    %swap3A_534 = arith.constant 0 : index
    %swap3A_535 = vector.load %arg6[%swap3A_533, %swap3A_534] : memref<16x20480xf32, #tpu.memory_space<vmem>>, vector<16x20480xf32>
    tpu.vector_store %arg6[%swap3A_533, %swap3A_534], %select_n3A_532 {strides = array<i32>} : memref<16x20480xf32, #tpu.memory_space<vmem>>, vector<16x20480xf32>,
    %lt3A_536 = arith.constant 1.000000e+09 : f32
    %lt3A_537 = vector.broadcast %lt3A_536 : f32 to vector<16x1xf32>
    %lt3A_538 = arith.cmpf olt, %broadcast_in_dim3A_521, %lt3A_537 : vector<16x1xf32>
    %select_n3A_539 = arith.select %lt3A_538, %broadcast_in_dim3A_529, %broadcast_in_dim3A_48 : vector<16x1xi1>, vector<16x1xi32>
    %swap3A_540 = arith.constant 0 : index
    %swap3A_541 = arith.constant 18 : index
    %swap3A_542 = vector.load %arg5[%swap3A_540, %swap3A_541] : memref<16x128xi32, #tpu.memory_space<vmem>>, vector<16x1xi32>
    tpu.vector_store %arg5[%swap3A_540, %swap3A_541], %select_n3A_539 {strides = array<i32>} : memref<16x128xi32, #tpu.memory_space<vmem>>, vector<16x1xi32>,
    %get3A_543 = arith.constant 0 : index
    %get3A_544 = arith.constant 0 : index
    %get3A_545 = vector.load %arg6[%get3A_543, %get3A_544] : memref<16x20480xf32, #tpu.memory_space<vmem>>, vector<16x20480xf32>
    %reduce_min3A_546 = arith.constant dense<0x7F800000> : vector<16xf32>
    %reduce_min3A_547 = vector.multi_reduction <minimumf>, %get3A_545, %reduce_min3A_546 [1] : vector<16x20480xf32> to vector<16xf32>
    %broadcast_in_dim3A_548 = vector.shape_cast %reduce_min3A_547 : vector<16xf32> to vector<16x1xf32>
    %eq3A_549 = vector.broadcast %broadcast_in_dim3A_548 : vector<16x1xf32> to vector<16x20480xf32>
    %eq3A_550 = arith.cmpf oeq, %get3A_545, %eq3A_549 : vector<16x20480xf32>
    %jit3A_551 = arith.constant 1073741824 : i32
    %broadcast_in_dim3A_552 = vector.broadcast %jit3A_551 : i32 to vector<16x20480xi32>
    %select_n3A_553 = arith.select %eq3A_550, %iota3A, %broadcast_in_dim3A_552 : vector<16x20480xi1>, vector<16x20480xi32>
    %reduce_min3A_554 = arith.constant dense<2147483647> : vector<16xi32>
    %reduce_min3A_555 = vector.multi_reduction <minsi>, %select_n3A_553, %reduce_min3A_554 [1] : vector<16x20480xi32> to vector<16xi32>
    %broadcast_in_dim3A_556 = vector.shape_cast %reduce_min3A_555 : vector<16xi32> to vector<16x1xi32>
    %jit3A_557 = arith.constant 1.000000e+10 : f32
    %broadcast_in_dim3A_558 = vector.broadcast %jit3A_557 : f32 to vector<16x20480xf32>
    %select_n3A_559 = arith.select %eq3A_550, %broadcast_in_dim3A_558, %get3A_545 : vector<16x20480xi1>, vector<16x20480xf32>
    %swap3A_560 = arith.constant 0 : index
    %swap3A_561 = arith.constant 0 : index
    %swap3A_562 = vector.load %arg6[%swap3A_560, %swap3A_561] : memref<16x20480xf32, #tpu.memory_space<vmem>>, vector<16x20480xf32>
    tpu.vector_store %arg6[%swap3A_560, %swap3A_561], %select_n3A_559 {strides = array<i32>} : memref<16x20480xf32, #tpu.memory_space<vmem>>, vector<16x20480xf32>,
    %lt3A_563 = arith.constant 1.000000e+09 : f32
    %lt3A_564 = vector.broadcast %lt3A_563 : f32 to vector<16x1xf32>
    %lt3A_565 = arith.cmpf olt, %broadcast_in_dim3A_548, %lt3A_564 : vector<16x1xf32>
    %select_n3A_566 = arith.select %lt3A_565, %broadcast_in_dim3A_556, %broadcast_in_dim3A_48 : vector<16x1xi1>, vector<16x1xi32>
    %swap3A_567 = arith.constant 0 : index
    %swap3A_568 = arith.constant 19 : index
    %swap3A_569 = vector.load %arg5[%swap3A_567, %swap3A_568] : memref<16x128xi32, #tpu.memory_space<vmem>>, vector<16x1xi32>
    tpu.vector_store %arg5[%swap3A_567, %swap3A_568], %select_n3A_566 {strides = array<i32>} : memref<16x128xi32, #tpu.memory_space<vmem>>, vector<16x1xi32>,
    %get3A_570 = arith.constant 0 : index
    %get3A_571 = arith.constant 0 : index
    %get3A_572 = vector.load %arg6[%get3A_570, %get3A_571] : memref<16x20480xf32, #tpu.memory_space<vmem>>, vector<16x20480xf32>
    %reduce_min3A_573 = arith.constant dense<0x7F800000> : vector<16xf32>
    %reduce_min3A_574 = vector.multi_reduction <minimumf>, %get3A_572, %reduce_min3A_573 [1] : vector<16x20480xf32> to vector<16xf32>
    %broadcast_in_dim3A_575 = vector.shape_cast %reduce_min3A_574 : vector<16xf32> to vector<16x1xf32>
    %eq3A_576 = vector.broadcast %broadcast_in_dim3A_575 : vector<16x1xf32> to vector<16x20480xf32>
    %eq3A_577 = arith.cmpf oeq, %get3A_572, %eq3A_576 : vector<16x20480xf32>
    %jit3A_578 = arith.constant 1073741824 : i32
    %broadcast_in_dim3A_579 = vector.broadcast %jit3A_578 : i32 to vector<16x20480xi32>
    %select_n3A_580 = arith.select %eq3A_577, %iota3A, %broadcast_in_dim3A_579 : vector<16x20480xi1>, vector<16x20480xi32>
    %reduce_min3A_581 = arith.constant dense<2147483647> : vector<16xi32>
    %reduce_min3A_582 = vector.multi_reduction <minsi>, %select_n3A_580, %reduce_min3A_581 [1] : vector<16x20480xi32> to vector<16xi32>
    %broadcast_in_dim3A_583 = vector.shape_cast %reduce_min3A_582 : vector<16xi32> to vector<16x1xi32>
    %jit3A_584 = arith.constant 1.000000e+10 : f32
    %broadcast_in_dim3A_585 = vector.broadcast %jit3A_584 : f32 to vector<16x20480xf32>
    %select_n3A_586 = arith.select %eq3A_577, %broadcast_in_dim3A_585, %get3A_572 : vector<16x20480xi1>, vector<16x20480xf32>
    %swap3A_587 = arith.constant 0 : index
    %swap3A_588 = arith.constant 0 : index
    %swap3A_589 = vector.load %arg6[%swap3A_587, %swap3A_588] : memref<16x20480xf32, #tpu.memory_space<vmem>>, vector<16x20480xf32>
    tpu.vector_store %arg6[%swap3A_587, %swap3A_588], %select_n3A_586 {strides = array<i32>} : memref<16x20480xf32, #tpu.memory_space<vmem>>, vector<16x20480xf32>,
    %lt3A_590 = arith.constant 1.000000e+09 : f32
    %lt3A_591 = vector.broadcast %lt3A_590 : f32 to vector<16x1xf32>
    %lt3A_592 = arith.cmpf olt, %broadcast_in_dim3A_575, %lt3A_591 : vector<16x1xf32>
    %select_n3A_593 = arith.select %lt3A_592, %broadcast_in_dim3A_583, %broadcast_in_dim3A_48 : vector<16x1xi1>, vector<16x1xi32>
    %swap3A_594 = arith.constant 0 : index
    %swap3A_595 = arith.constant 20 : index
    %swap3A_596 = vector.load %arg5[%swap3A_594, %swap3A_595] : memref<16x128xi32, #tpu.memory_space<vmem>>, vector<16x1xi32>
    tpu.vector_store %arg5[%swap3A_594, %swap3A_595], %select_n3A_593 {strides = array<i32>} : memref<16x128xi32, #tpu.memory_space<vmem>>, vector<16x1xi32>,
    %get3A_597 = arith.constant 0 : index
    %get3A_598 = arith.constant 0 : index
    %get3A_599 = vector.load %arg6[%get3A_597, %get3A_598] : memref<16x20480xf32, #tpu.memory_space<vmem>>, vector<16x20480xf32>
    %reduce_min3A_600 = arith.constant dense<0x7F800000> : vector<16xf32>
    %reduce_min3A_601 = vector.multi_reduction <minimumf>, %get3A_599, %reduce_min3A_600 [1] : vector<16x20480xf32> to vector<16xf32>
    %broadcast_in_dim3A_602 = vector.shape_cast %reduce_min3A_601 : vector<16xf32> to vector<16x1xf32>
    %eq3A_603 = vector.broadcast %broadcast_in_dim3A_602 : vector<16x1xf32> to vector<16x20480xf32>
    %eq3A_604 = arith.cmpf oeq, %get3A_599, %eq3A_603 : vector<16x20480xf32>
    %jit3A_605 = arith.constant 1073741824 : i32
    %broadcast_in_dim3A_606 = vector.broadcast %jit3A_605 : i32 to vector<16x20480xi32>
    %select_n3A_607 = arith.select %eq3A_604, %iota3A, %broadcast_in_dim3A_606 : vector<16x20480xi1>, vector<16x20480xi32>
    %reduce_min3A_608 = arith.constant dense<2147483647> : vector<16xi32>
    %reduce_min3A_609 = vector.multi_reduction <minsi>, %select_n3A_607, %reduce_min3A_608 [1] : vector<16x20480xi32> to vector<16xi32>
    %broadcast_in_dim3A_610 = vector.shape_cast %reduce_min3A_609 : vector<16xi32> to vector<16x1xi32>
    %jit3A_611 = arith.constant 1.000000e+10 : f32
    %broadcast_in_dim3A_612 = vector.broadcast %jit3A_611 : f32 to vector<16x20480xf32>
    %select_n3A_613 = arith.select %eq3A_604, %broadcast_in_dim3A_612, %get3A_599 : vector<16x20480xi1>, vector<16x20480xf32>
    %swap3A_614 = arith.constant 0 : index
    %swap3A_615 = arith.constant 0 : index
    %swap3A_616 = vector.load %arg6[%swap3A_614, %swap3A_615] : memref<16x20480xf32, #tpu.memory_space<vmem>>, vector<16x20480xf32>
    tpu.vector_store %arg6[%swap3A_614, %swap3A_615], %select_n3A_613 {strides = array<i32>} : memref<16x20480xf32, #tpu.memory_space<vmem>>, vector<16x20480xf32>,
    %lt3A_617 = arith.constant 1.000000e+09 : f32
    %lt3A_618 = vector.broadcast %lt3A_617 : f32 to vector<16x1xf32>
    %lt3A_619 = arith.cmpf olt, %broadcast_in_dim3A_602, %lt3A_618 : vector<16x1xf32>
    %select_n3A_620 = arith.select %lt3A_619, %broadcast_in_dim3A_610, %broadcast_in_dim3A_48 : vector<16x1xi1>, vector<16x1xi32>
    %swap3A_621 = arith.constant 0 : index
    %swap3A_622 = arith.constant 21 : index
    %swap3A_623 = vector.load %arg5[%swap3A_621, %swap3A_622] : memref<16x128xi32, #tpu.memory_space<vmem>>, vector<16x1xi32>
    tpu.vector_store %arg5[%swap3A_621, %swap3A_622], %select_n3A_620 {strides = array<i32>} : memref<16x128xi32, #tpu.memory_space<vmem>>, vector<16x1xi32>,
    %get3A_624 = arith.constant 0 : index
    %get3A_625 = arith.constant 0 : index
    %get3A_626 = vector.load %arg6[%get3A_624, %get3A_625] : memref<16x20480xf32, #tpu.memory_space<vmem>>, vector<16x20480xf32>
    %reduce_min3A_627 = arith.constant dense<0x7F800000> : vector<16xf32>
    %reduce_min3A_628 = vector.multi_reduction <minimumf>, %get3A_626, %reduce_min3A_627 [1] : vector<16x20480xf32> to vector<16xf32>
    %broadcast_in_dim3A_629 = vector.shape_cast %reduce_min3A_628 : vector<16xf32> to vector<16x1xf32>
    %eq3A_630 = vector.broadcast %broadcast_in_dim3A_629 : vector<16x1xf32> to vector<16x20480xf32>
    %eq3A_631 = arith.cmpf oeq, %get3A_626, %eq3A_630 : vector<16x20480xf32>
    %jit3A_632 = arith.constant 1073741824 : i32
    %broadcast_in_dim3A_633 = vector.broadcast %jit3A_632 : i32 to vector<16x20480xi32>
    %select_n3A_634 = arith.select %eq3A_631, %iota3A, %broadcast_in_dim3A_633 : vector<16x20480xi1>, vector<16x20480xi32>
    %reduce_min3A_635 = arith.constant dense<2147483647> : vector<16xi32>
    %reduce_min3A_636 = vector.multi_reduction <minsi>, %select_n3A_634, %reduce_min3A_635 [1] : vector<16x20480xi32> to vector<16xi32>
    %broadcast_in_dim3A_637 = vector.shape_cast %reduce_min3A_636 : vector<16xi32> to vector<16x1xi32>
    %jit3A_638 = arith.constant 1.000000e+10 : f32
    %broadcast_in_dim3A_639 = vector.broadcast %jit3A_638 : f32 to vector<16x20480xf32>
    %select_n3A_640 = arith.select %eq3A_631, %broadcast_in_dim3A_639, %get3A_626 : vector<16x20480xi1>, vector<16x20480xf32>
    %swap3A_641 = arith.constant 0 : index
    %swap3A_642 = arith.constant 0 : index
    %swap3A_643 = vector.load %arg6[%swap3A_641, %swap3A_642] : memref<16x20480xf32, #tpu.memory_space<vmem>>, vector<16x20480xf32>
    tpu.vector_store %arg6[%swap3A_641, %swap3A_642], %select_n3A_640 {strides = array<i32>} : memref<16x20480xf32, #tpu.memory_space<vmem>>, vector<16x20480xf32>,
    %lt3A_644 = arith.constant 1.000000e+09 : f32
    %lt3A_645 = vector.broadcast %lt3A_644 : f32 to vector<16x1xf32>
    %lt3A_646 = arith.cmpf olt, %broadcast_in_dim3A_629, %lt3A_645 : vector<16x1xf32>
    %select_n3A_647 = arith.select %lt3A_646, %broadcast_in_dim3A_637, %broadcast_in_dim3A_48 : vector<16x1xi1>, vector<16x1xi32>
    %swap3A_648 = arith.constant 0 : index
    %swap3A_649 = arith.constant 22 : index
    %swap3A_650 = vector.load %arg5[%swap3A_648, %swap3A_649] : memref<16x128xi32, #tpu.memory_space<vmem>>, vector<16x1xi32>
    tpu.vector_store %arg5[%swap3A_648, %swap3A_649], %select_n3A_647 {strides = array<i32>} : memref<16x128xi32, #tpu.memory_space<vmem>>, vector<16x1xi32>,
    %get3A_651 = arith.constant 0 : index
    %get3A_652 = arith.constant 0 : index
    %get3A_653 = vector.load %arg6[%get3A_651, %get3A_652] : memref<16x20480xf32, #tpu.memory_space<vmem>>, vector<16x20480xf32>
    %reduce_min3A_654 = arith.constant dense<0x7F800000> : vector<16xf32>
    %reduce_min3A_655 = vector.multi_reduction <minimumf>, %get3A_653, %reduce_min3A_654 [1] : vector<16x20480xf32> to vector<16xf32>
    %broadcast_in_dim3A_656 = vector.shape_cast %reduce_min3A_655 : vector<16xf32> to vector<16x1xf32>
    %eq3A_657 = vector.broadcast %broadcast_in_dim3A_656 : vector<16x1xf32> to vector<16x20480xf32>
    %eq3A_658 = arith.cmpf oeq, %get3A_653, %eq3A_657 : vector<16x20480xf32>
    %jit3A_659 = arith.constant 1073741824 : i32
    %broadcast_in_dim3A_660 = vector.broadcast %jit3A_659 : i32 to vector<16x20480xi32>
    %select_n3A_661 = arith.select %eq3A_658, %iota3A, %broadcast_in_dim3A_660 : vector<16x20480xi1>, vector<16x20480xi32>
    %reduce_min3A_662 = arith.constant dense<2147483647> : vector<16xi32>
    %reduce_min3A_663 = vector.multi_reduction <minsi>, %select_n3A_661, %reduce_min3A_662 [1] : vector<16x20480xi32> to vector<16xi32>
    %broadcast_in_dim3A_664 = vector.shape_cast %reduce_min3A_663 : vector<16xi32> to vector<16x1xi32>
    %jit3A_665 = arith.constant 1.000000e+10 : f32
    %broadcast_in_dim3A_666 = vector.broadcast %jit3A_665 : f32 to vector<16x20480xf32>
    %select_n3A_667 = arith.select %eq3A_658, %broadcast_in_dim3A_666, %get3A_653 : vector<16x20480xi1>, vector<16x20480xf32>
    %swap3A_668 = arith.constant 0 : index
    %swap3A_669 = arith.constant 0 : index
    %swap3A_670 = vector.load %arg6[%swap3A_668, %swap3A_669] : memref<16x20480xf32, #tpu.memory_space<vmem>>, vector<16x20480xf32>
    tpu.vector_store %arg6[%swap3A_668, %swap3A_669], %select_n3A_667 {strides = array<i32>} : memref<16x20480xf32, #tpu.memory_space<vmem>>, vector<16x20480xf32>,
    %lt3A_671 = arith.constant 1.000000e+09 : f32
    %lt3A_672 = vector.broadcast %lt3A_671 : f32 to vector<16x1xf32>
    %lt3A_673 = arith.cmpf olt, %broadcast_in_dim3A_656, %lt3A_672 : vector<16x1xf32>
    %select_n3A_674 = arith.select %lt3A_673, %broadcast_in_dim3A_664, %broadcast_in_dim3A_48 : vector<16x1xi1>, vector<16x1xi32>
    %swap3A_675 = arith.constant 0 : index
    %swap3A_676 = arith.constant 23 : index
    %swap3A_677 = vector.load %arg5[%swap3A_675, %swap3A_676] : memref<16x128xi32, #tpu.memory_space<vmem>>, vector<16x1xi32>
    tpu.vector_store %arg5[%swap3A_675, %swap3A_676], %select_n3A_674 {strides = array<i32>} : memref<16x128xi32, #tpu.memory_space<vmem>>, vector<16x1xi32>,
    %get3A_678 = arith.constant 0 : index
    %get3A_679 = arith.constant 0 : index
    %get3A_680 = vector.load %arg6[%get3A_678, %get3A_679] : memref<16x20480xf32, #tpu.memory_space<vmem>>, vector<16x20480xf32>
    %reduce_min3A_681 = arith.constant dense<0x7F800000> : vector<16xf32>
    %reduce_min3A_682 = vector.multi_reduction <minimumf>, %get3A_680, %reduce_min3A_681 [1] : vector<16x20480xf32> to vector<16xf32>
    %broadcast_in_dim3A_683 = vector.shape_cast %reduce_min3A_682 : vector<16xf32> to vector<16x1xf32>
    %eq3A_684 = vector.broadcast %broadcast_in_dim3A_683 : vector<16x1xf32> to vector<16x20480xf32>
    %eq3A_685 = arith.cmpf oeq, %get3A_680, %eq3A_684 : vector<16x20480xf32>
    %jit3A_686 = arith.constant 1073741824 : i32
    %broadcast_in_dim3A_687 = vector.broadcast %jit3A_686 : i32 to vector<16x20480xi32>
    %select_n3A_688 = arith.select %eq3A_685, %iota3A, %broadcast_in_dim3A_687 : vector<16x20480xi1>, vector<16x20480xi32>
    %reduce_min3A_689 = arith.constant dense<2147483647> : vector<16xi32>
    %reduce_min3A_690 = vector.multi_reduction <minsi>, %select_n3A_688, %reduce_min3A_689 [1] : vector<16x20480xi32> to vector<16xi32>
    %broadcast_in_dim3A_691 = vector.shape_cast %reduce_min3A_690 : vector<16xi32> to vector<16x1xi32>
    %jit3A_692 = arith.constant 1.000000e+10 : f32
    %broadcast_in_dim3A_693 = vector.broadcast %jit3A_692 : f32 to vector<16x20480xf32>
    %select_n3A_694 = arith.select %eq3A_685, %broadcast_in_dim3A_693, %get3A_680 : vector<16x20480xi1>, vector<16x20480xf32>
    %swap3A_695 = arith.constant 0 : index
    %swap3A_696 = arith.constant 0 : index
    %swap3A_697 = vector.load %arg6[%swap3A_695, %swap3A_696] : memref<16x20480xf32, #tpu.memory_space<vmem>>, vector<16x20480xf32>
    tpu.vector_store %arg6[%swap3A_695, %swap3A_696], %select_n3A_694 {strides = array<i32>} : memref<16x20480xf32, #tpu.memory_space<vmem>>, vector<16x20480xf32>,
    %lt3A_698 = arith.constant 1.000000e+09 : f32
    %lt3A_699 = vector.broadcast %lt3A_698 : f32 to vector<16x1xf32>
    %lt3A_700 = arith.cmpf olt, %broadcast_in_dim3A_683, %lt3A_699 : vector<16x1xf32>
    %select_n3A_701 = arith.select %lt3A_700, %broadcast_in_dim3A_691, %broadcast_in_dim3A_48 : vector<16x1xi1>, vector<16x1xi32>
    %swap3A_702 = arith.constant 0 : index
    %swap3A_703 = arith.constant 24 : index
    %swap3A_704 = vector.load %arg5[%swap3A_702, %swap3A_703] : memref<16x128xi32, #tpu.memory_space<vmem>>, vector<16x1xi32>
    tpu.vector_store %arg5[%swap3A_702, %swap3A_703], %select_n3A_701 {strides = array<i32>} : memref<16x128xi32, #tpu.memory_space<vmem>>, vector<16x1xi32>,
    %get3A_705 = arith.constant 0 : index
    %get3A_706 = arith.constant 0 : index
    %get3A_707 = vector.load %arg6[%get3A_705, %get3A_706] : memref<16x20480xf32, #tpu.memory_space<vmem>>, vector<16x20480xf32>
    %reduce_min3A_708 = arith.constant dense<0x7F800000> : vector<16xf32>
    %reduce_min3A_709 = vector.multi_reduction <minimumf>, %get3A_707, %reduce_min3A_708 [1] : vector<16x20480xf32> to vector<16xf32>
    %broadcast_in_dim3A_710 = vector.shape_cast %reduce_min3A_709 : vector<16xf32> to vector<16x1xf32>
    %eq3A_711 = vector.broadcast %broadcast_in_dim3A_710 : vector<16x1xf32> to vector<16x20480xf32>
    %eq3A_712 = arith.cmpf oeq, %get3A_707, %eq3A_711 : vector<16x20480xf32>
    %jit3A_713 = arith.constant 1073741824 : i32
    %broadcast_in_dim3A_714 = vector.broadcast %jit3A_713 : i32 to vector<16x20480xi32>
    %select_n3A_715 = arith.select %eq3A_712, %iota3A, %broadcast_in_dim3A_714 : vector<16x20480xi1>, vector<16x20480xi32>
    %reduce_min3A_716 = arith.constant dense<2147483647> : vector<16xi32>
    %reduce_min3A_717 = vector.multi_reduction <minsi>, %select_n3A_715, %reduce_min3A_716 [1] : vector<16x20480xi32> to vector<16xi32>
    %broadcast_in_dim3A_718 = vector.shape_cast %reduce_min3A_717 : vector<16xi32> to vector<16x1xi32>
    %jit3A_719 = arith.constant 1.000000e+10 : f32
    %broadcast_in_dim3A_720 = vector.broadcast %jit3A_719 : f32 to vector<16x20480xf32>
    %select_n3A_721 = arith.select %eq3A_712, %broadcast_in_dim3A_720, %get3A_707 : vector<16x20480xi1>, vector<16x20480xf32>
    %swap3A_722 = arith.constant 0 : index
    %swap3A_723 = arith.constant 0 : index
    %swap3A_724 = vector.load %arg6[%swap3A_722, %swap3A_723] : memref<16x20480xf32, #tpu.memory_space<vmem>>, vector<16x20480xf32>
    tpu.vector_store %arg6[%swap3A_722, %swap3A_723], %select_n3A_721 {strides = array<i32>} : memref<16x20480xf32, #tpu.memory_space<vmem>>, vector<16x20480xf32>,
    %lt3A_725 = arith.constant 1.000000e+09 : f32
    %lt3A_726 = vector.broadcast %lt3A_725 : f32 to vector<16x1xf32>
    %lt3A_727 = arith.cmpf olt, %broadcast_in_dim3A_710, %lt3A_726 : vector<16x1xf32>
    %select_n3A_728 = arith.select %lt3A_727, %broadcast_in_dim3A_718, %broadcast_in_dim3A_48 : vector<16x1xi1>, vector<16x1xi32>
    %swap3A_729 = arith.constant 0 : index
    %swap3A_730 = arith.constant 25 : index
    %swap3A_731 = vector.load %arg5[%swap3A_729, %swap3A_730] : memref<16x128xi32, #tpu.memory_space<vmem>>, vector<16x1xi32>
    tpu.vector_store %arg5[%swap3A_729, %swap3A_730], %select_n3A_728 {strides = array<i32>} : memref<16x128xi32, #tpu.memory_space<vmem>>, vector<16x1xi32>,
    %get3A_732 = arith.constant 0 : index
    %get3A_733 = arith.constant 0 : index
    %get3A_734 = vector.load %arg6[%get3A_732, %get3A_733] : memref<16x20480xf32, #tpu.memory_space<vmem>>, vector<16x20480xf32>
    %reduce_min3A_735 = arith.constant dense<0x7F800000> : vector<16xf32>
    %reduce_min3A_736 = vector.multi_reduction <minimumf>, %get3A_734, %reduce_min3A_735 [1] : vector<16x20480xf32> to vector<16xf32>
    %broadcast_in_dim3A_737 = vector.shape_cast %reduce_min3A_736 : vector<16xf32> to vector<16x1xf32>
    %eq3A_738 = vector.broadcast %broadcast_in_dim3A_737 : vector<16x1xf32> to vector<16x20480xf32>
    %eq3A_739 = arith.cmpf oeq, %get3A_734, %eq3A_738 : vector<16x20480xf32>
    %jit3A_740 = arith.constant 1073741824 : i32
    %broadcast_in_dim3A_741 = vector.broadcast %jit3A_740 : i32 to vector<16x20480xi32>
    %select_n3A_742 = arith.select %eq3A_739, %iota3A, %broadcast_in_dim3A_741 : vector<16x20480xi1>, vector<16x20480xi32>
    %reduce_min3A_743 = arith.constant dense<2147483647> : vector<16xi32>
    %reduce_min3A_744 = vector.multi_reduction <minsi>, %select_n3A_742, %reduce_min3A_743 [1] : vector<16x20480xi32> to vector<16xi32>
    %broadcast_in_dim3A_745 = vector.shape_cast %reduce_min3A_744 : vector<16xi32> to vector<16x1xi32>
    %jit3A_746 = arith.constant 1.000000e+10 : f32
    %broadcast_in_dim3A_747 = vector.broadcast %jit3A_746 : f32 to vector<16x20480xf32>
    %select_n3A_748 = arith.select %eq3A_739, %broadcast_in_dim3A_747, %get3A_734 : vector<16x20480xi1>, vector<16x20480xf32>
    %swap3A_749 = arith.constant 0 : index
    %swap3A_750 = arith.constant 0 : index
    %swap3A_751 = vector.load %arg6[%swap3A_749, %swap3A_750] : memref<16x20480xf32, #tpu.memory_space<vmem>>, vector<16x20480xf32>
    tpu.vector_store %arg6[%swap3A_749, %swap3A_750], %select_n3A_748 {strides = array<i32>} : memref<16x20480xf32, #tpu.memory_space<vmem>>, vector<16x20480xf32>,
    %lt3A_752 = arith.constant 1.000000e+09 : f32
    %lt3A_753 = vector.broadcast %lt3A_752 : f32 to vector<16x1xf32>
    %lt3A_754 = arith.cmpf olt, %broadcast_in_dim3A_737, %lt3A_753 : vector<16x1xf32>
    %select_n3A_755 = arith.select %lt3A_754, %broadcast_in_dim3A_745, %broadcast_in_dim3A_48 : vector<16x1xi1>, vector<16x1xi32>
    %swap3A_756 = arith.constant 0 : index
    %swap3A_757 = arith.constant 26 : index
    %swap3A_758 = vector.load %arg5[%swap3A_756, %swap3A_757] : memref<16x128xi32, #tpu.memory_space<vmem>>, vector<16x1xi32>
    tpu.vector_store %arg5[%swap3A_756, %swap3A_757], %select_n3A_755 {strides = array<i32>} : memref<16x128xi32, #tpu.memory_space<vmem>>, vector<16x1xi32>,
    %get3A_759 = arith.constant 0 : index
    %get3A_760 = arith.constant 0 : index
    %get3A_761 = vector.load %arg6[%get3A_759, %get3A_760] : memref<16x20480xf32, #tpu.memory_space<vmem>>, vector<16x20480xf32>
    %reduce_min3A_762 = arith.constant dense<0x7F800000> : vector<16xf32>
    %reduce_min3A_763 = vector.multi_reduction <minimumf>, %get3A_761, %reduce_min3A_762 [1] : vector<16x20480xf32> to vector<16xf32>
    %broadcast_in_dim3A_764 = vector.shape_cast %reduce_min3A_763 : vector<16xf32> to vector<16x1xf32>
    %eq3A_765 = vector.broadcast %broadcast_in_dim3A_764 : vector<16x1xf32> to vector<16x20480xf32>
    %eq3A_766 = arith.cmpf oeq, %get3A_761, %eq3A_765 : vector<16x20480xf32>
    %jit3A_767 = arith.constant 1073741824 : i32
    %broadcast_in_dim3A_768 = vector.broadcast %jit3A_767 : i32 to vector<16x20480xi32>
    %select_n3A_769 = arith.select %eq3A_766, %iota3A, %broadcast_in_dim3A_768 : vector<16x20480xi1>, vector<16x20480xi32>
    %reduce_min3A_770 = arith.constant dense<2147483647> : vector<16xi32>
    %reduce_min3A_771 = vector.multi_reduction <minsi>, %select_n3A_769, %reduce_min3A_770 [1] : vector<16x20480xi32> to vector<16xi32>
    %broadcast_in_dim3A_772 = vector.shape_cast %reduce_min3A_771 : vector<16xi32> to vector<16x1xi32>
    %jit3A_773 = arith.constant 1.000000e+10 : f32
    %broadcast_in_dim3A_774 = vector.broadcast %jit3A_773 : f32 to vector<16x20480xf32>
    %select_n3A_775 = arith.select %eq3A_766, %broadcast_in_dim3A_774, %get3A_761 : vector<16x20480xi1>, vector<16x20480xf32>
    %swap3A_776 = arith.constant 0 : index
    %swap3A_777 = arith.constant 0 : index
    %swap3A_778 = vector.load %arg6[%swap3A_776, %swap3A_777] : memref<16x20480xf32, #tpu.memory_space<vmem>>, vector<16x20480xf32>
    tpu.vector_store %arg6[%swap3A_776, %swap3A_777], %select_n3A_775 {strides = array<i32>} : memref<16x20480xf32, #tpu.memory_space<vmem>>, vector<16x20480xf32>,
    %lt3A_779 = arith.constant 1.000000e+09 : f32
    %lt3A_780 = vector.broadcast %lt3A_779 : f32 to vector<16x1xf32>
    %lt3A_781 = arith.cmpf olt, %broadcast_in_dim3A_764, %lt3A_780 : vector<16x1xf32>
    %select_n3A_782 = arith.select %lt3A_781, %broadcast_in_dim3A_772, %broadcast_in_dim3A_48 : vector<16x1xi1>, vector<16x1xi32>
    %swap3A_783 = arith.constant 0 : index
    %swap3A_784 = arith.constant 27 : index
    %swap3A_785 = vector.load %arg5[%swap3A_783, %swap3A_784] : memref<16x128xi32, #tpu.memory_space<vmem>>, vector<16x1xi32>
    tpu.vector_store %arg5[%swap3A_783, %swap3A_784], %select_n3A_782 {strides = array<i32>} : memref<16x128xi32, #tpu.memory_space<vmem>>, vector<16x1xi32>,
    %get3A_786 = arith.constant 0 : index
    %get3A_787 = arith.constant 0 : index
    %get3A_788 = vector.load %arg6[%get3A_786, %get3A_787] : memref<16x20480xf32, #tpu.memory_space<vmem>>, vector<16x20480xf32>
    %reduce_min3A_789 = arith.constant dense<0x7F800000> : vector<16xf32>
    %reduce_min3A_790 = vector.multi_reduction <minimumf>, %get3A_788, %reduce_min3A_789 [1] : vector<16x20480xf32> to vector<16xf32>
    %broadcast_in_dim3A_791 = vector.shape_cast %reduce_min3A_790 : vector<16xf32> to vector<16x1xf32>
    %eq3A_792 = vector.broadcast %broadcast_in_dim3A_791 : vector<16x1xf32> to vector<16x20480xf32>
    %eq3A_793 = arith.cmpf oeq, %get3A_788, %eq3A_792 : vector<16x20480xf32>
    %jit3A_794 = arith.constant 1073741824 : i32
    %broadcast_in_dim3A_795 = vector.broadcast %jit3A_794 : i32 to vector<16x20480xi32>
    %select_n3A_796 = arith.select %eq3A_793, %iota3A, %broadcast_in_dim3A_795 : vector<16x20480xi1>, vector<16x20480xi32>
    %reduce_min3A_797 = arith.constant dense<2147483647> : vector<16xi32>
    %reduce_min3A_798 = vector.multi_reduction <minsi>, %select_n3A_796, %reduce_min3A_797 [1] : vector<16x20480xi32> to vector<16xi32>
    %broadcast_in_dim3A_799 = vector.shape_cast %reduce_min3A_798 : vector<16xi32> to vector<16x1xi32>
    %jit3A_800 = arith.constant 1.000000e+10 : f32
    %broadcast_in_dim3A_801 = vector.broadcast %jit3A_800 : f32 to vector<16x20480xf32>
    %select_n3A_802 = arith.select %eq3A_793, %broadcast_in_dim3A_801, %get3A_788 : vector<16x20480xi1>, vector<16x20480xf32>
    %swap3A_803 = arith.constant 0 : index
    %swap3A_804 = arith.constant 0 : index
    %swap3A_805 = vector.load %arg6[%swap3A_803, %swap3A_804] : memref<16x20480xf32, #tpu.memory_space<vmem>>, vector<16x20480xf32>
    tpu.vector_store %arg6[%swap3A_803, %swap3A_804], %select_n3A_802 {strides = array<i32>} : memref<16x20480xf32, #tpu.memory_space<vmem>>, vector<16x20480xf32>,
    %lt3A_806 = arith.constant 1.000000e+09 : f32
    %lt3A_807 = vector.broadcast %lt3A_806 : f32 to vector<16x1xf32>
    %lt3A_808 = arith.cmpf olt, %broadcast_in_dim3A_791, %lt3A_807 : vector<16x1xf32>
    %select_n3A_809 = arith.select %lt3A_808, %broadcast_in_dim3A_799, %broadcast_in_dim3A_48 : vector<16x1xi1>, vector<16x1xi32>
    %swap3A_810 = arith.constant 0 : index
    %swap3A_811 = arith.constant 28 : index
    %swap3A_812 = vector.load %arg5[%swap3A_810, %swap3A_811] : memref<16x128xi32, #tpu.memory_space<vmem>>, vector<16x1xi32>
    tpu.vector_store %arg5[%swap3A_810, %swap3A_811], %select_n3A_809 {strides = array<i32>} : memref<16x128xi32, #tpu.memory_space<vmem>>, vector<16x1xi32>,
    %get3A_813 = arith.constant 0 : index
    %get3A_814 = arith.constant 0 : index
    %get3A_815 = vector.load %arg6[%get3A_813, %get3A_814] : memref<16x20480xf32, #tpu.memory_space<vmem>>, vector<16x20480xf32>
    %reduce_min3A_816 = arith.constant dense<0x7F800000> : vector<16xf32>
    %reduce_min3A_817 = vector.multi_reduction <minimumf>, %get3A_815, %reduce_min3A_816 [1] : vector<16x20480xf32> to vector<16xf32>
    %broadcast_in_dim3A_818 = vector.shape_cast %reduce_min3A_817 : vector<16xf32> to vector<16x1xf32>
    %eq3A_819 = vector.broadcast %broadcast_in_dim3A_818 : vector<16x1xf32> to vector<16x20480xf32>
    %eq3A_820 = arith.cmpf oeq, %get3A_815, %eq3A_819 : vector<16x20480xf32>
    %jit3A_821 = arith.constant 1073741824 : i32
    %broadcast_in_dim3A_822 = vector.broadcast %jit3A_821 : i32 to vector<16x20480xi32>
    %select_n3A_823 = arith.select %eq3A_820, %iota3A, %broadcast_in_dim3A_822 : vector<16x20480xi1>, vector<16x20480xi32>
    %reduce_min3A_824 = arith.constant dense<2147483647> : vector<16xi32>
    %reduce_min3A_825 = vector.multi_reduction <minsi>, %select_n3A_823, %reduce_min3A_824 [1] : vector<16x20480xi32> to vector<16xi32>
    %broadcast_in_dim3A_826 = vector.shape_cast %reduce_min3A_825 : vector<16xi32> to vector<16x1xi32>
    %jit3A_827 = arith.constant 1.000000e+10 : f32
    %broadcast_in_dim3A_828 = vector.broadcast %jit3A_827 : f32 to vector<16x20480xf32>
    %select_n3A_829 = arith.select %eq3A_820, %broadcast_in_dim3A_828, %get3A_815 : vector<16x20480xi1>, vector<16x20480xf32>
    %swap3A_830 = arith.constant 0 : index
    %swap3A_831 = arith.constant 0 : index
    %swap3A_832 = vector.load %arg6[%swap3A_830, %swap3A_831] : memref<16x20480xf32, #tpu.memory_space<vmem>>, vector<16x20480xf32>
    tpu.vector_store %arg6[%swap3A_830, %swap3A_831], %select_n3A_829 {strides = array<i32>} : memref<16x20480xf32, #tpu.memory_space<vmem>>, vector<16x20480xf32>,
    %lt3A_833 = arith.constant 1.000000e+09 : f32
    %lt3A_834 = vector.broadcast %lt3A_833 : f32 to vector<16x1xf32>
    %lt3A_835 = arith.cmpf olt, %broadcast_in_dim3A_818, %lt3A_834 : vector<16x1xf32>
    %select_n3A_836 = arith.select %lt3A_835, %broadcast_in_dim3A_826, %broadcast_in_dim3A_48 : vector<16x1xi1>, vector<16x1xi32>
    %swap3A_837 = arith.constant 0 : index
    %swap3A_838 = arith.constant 29 : index
    %swap3A_839 = vector.load %arg5[%swap3A_837, %swap3A_838] : memref<16x128xi32, #tpu.memory_space<vmem>>, vector<16x1xi32>
    tpu.vector_store %arg5[%swap3A_837, %swap3A_838], %select_n3A_836 {strides = array<i32>} : memref<16x128xi32, #tpu.memory_space<vmem>>, vector<16x1xi32>,
    %get3A_840 = arith.constant 0 : index
    %get3A_841 = arith.constant 0 : index
    %get3A_842 = vector.load %arg6[%get3A_840, %get3A_841] : memref<16x20480xf32, #tpu.memory_space<vmem>>, vector<16x20480xf32>
    %reduce_min3A_843 = arith.constant dense<0x7F800000> : vector<16xf32>
    %reduce_min3A_844 = vector.multi_reduction <minimumf>, %get3A_842, %reduce_min3A_843 [1] : vector<16x20480xf32> to vector<16xf32>
    %broadcast_in_dim3A_845 = vector.shape_cast %reduce_min3A_844 : vector<16xf32> to vector<16x1xf32>
    %eq3A_846 = vector.broadcast %broadcast_in_dim3A_845 : vector<16x1xf32> to vector<16x20480xf32>
    %eq3A_847 = arith.cmpf oeq, %get3A_842, %eq3A_846 : vector<16x20480xf32>
    %jit3A_848 = arith.constant 1073741824 : i32
    %broadcast_in_dim3A_849 = vector.broadcast %jit3A_848 : i32 to vector<16x20480xi32>
    %select_n3A_850 = arith.select %eq3A_847, %iota3A, %broadcast_in_dim3A_849 : vector<16x20480xi1>, vector<16x20480xi32>
    %reduce_min3A_851 = arith.constant dense<2147483647> : vector<16xi32>
    %reduce_min3A_852 = vector.multi_reduction <minsi>, %select_n3A_850, %reduce_min3A_851 [1] : vector<16x20480xi32> to vector<16xi32>
    %broadcast_in_dim3A_853 = vector.shape_cast %reduce_min3A_852 : vector<16xi32> to vector<16x1xi32>
    %jit3A_854 = arith.constant 1.000000e+10 : f32
    %broadcast_in_dim3A_855 = vector.broadcast %jit3A_854 : f32 to vector<16x20480xf32>
    %select_n3A_856 = arith.select %eq3A_847, %broadcast_in_dim3A_855, %get3A_842 : vector<16x20480xi1>, vector<16x20480xf32>
    %swap3A_857 = arith.constant 0 : index
    %swap3A_858 = arith.constant 0 : index
    %swap3A_859 = vector.load %arg6[%swap3A_857, %swap3A_858] : memref<16x20480xf32, #tpu.memory_space<vmem>>, vector<16x20480xf32>
    tpu.vector_store %arg6[%swap3A_857, %swap3A_858], %select_n3A_856 {strides = array<i32>} : memref<16x20480xf32, #tpu.memory_space<vmem>>, vector<16x20480xf32>,
    %lt3A_860 = arith.constant 1.000000e+09 : f32
    %lt3A_861 = vector.broadcast %lt3A_860 : f32 to vector<16x1xf32>
    %lt3A_862 = arith.cmpf olt, %broadcast_in_dim3A_845, %lt3A_861 : vector<16x1xf32>
    %select_n3A_863 = arith.select %lt3A_862, %broadcast_in_dim3A_853, %broadcast_in_dim3A_48 : vector<16x1xi1>, vector<16x1xi32>
    %swap3A_864 = arith.constant 0 : index
    %swap3A_865 = arith.constant 30 : index
    %swap3A_866 = vector.load %arg5[%swap3A_864, %swap3A_865] : memref<16x128xi32, #tpu.memory_space<vmem>>, vector<16x1xi32>
    tpu.vector_store %arg5[%swap3A_864, %swap3A_865], %select_n3A_863 {strides = array<i32>} : memref<16x128xi32, #tpu.memory_space<vmem>>, vector<16x1xi32>,
    %get3A_867 = arith.constant 0 : index
    %get3A_868 = arith.constant 0 : index
    %get3A_869 = vector.load %arg6[%get3A_867, %get3A_868] : memref<16x20480xf32, #tpu.memory_space<vmem>>, vector<16x20480xf32>
    %reduce_min3A_870 = arith.constant dense<0x7F800000> : vector<16xf32>
    %reduce_min3A_871 = vector.multi_reduction <minimumf>, %get3A_869, %reduce_min3A_870 [1] : vector<16x20480xf32> to vector<16xf32>
    %broadcast_in_dim3A_872 = vector.shape_cast %reduce_min3A_871 : vector<16xf32> to vector<16x1xf32>
    %eq3A_873 = vector.broadcast %broadcast_in_dim3A_872 : vector<16x1xf32> to vector<16x20480xf32>
    %eq3A_874 = arith.cmpf oeq, %get3A_869, %eq3A_873 : vector<16x20480xf32>
    %jit3A_875 = arith.constant 1073741824 : i32
    %broadcast_in_dim3A_876 = vector.broadcast %jit3A_875 : i32 to vector<16x20480xi32>
    %select_n3A_877 = arith.select %eq3A_874, %iota3A, %broadcast_in_dim3A_876 : vector<16x20480xi1>, vector<16x20480xi32>
    %reduce_min3A_878 = arith.constant dense<2147483647> : vector<16xi32>
    %reduce_min3A_879 = vector.multi_reduction <minsi>, %select_n3A_877, %reduce_min3A_878 [1] : vector<16x20480xi32> to vector<16xi32>
    %broadcast_in_dim3A_880 = vector.shape_cast %reduce_min3A_879 : vector<16xi32> to vector<16x1xi32>
    %jit3A_881 = arith.constant 1.000000e+10 : f32
    %broadcast_in_dim3A_882 = vector.broadcast %jit3A_881 : f32 to vector<16x20480xf32>
    %select_n3A_883 = arith.select %eq3A_874, %broadcast_in_dim3A_882, %get3A_869 : vector<16x20480xi1>, vector<16x20480xf32>
    %swap3A_884 = arith.constant 0 : index
    %swap3A_885 = arith.constant 0 : index
    %swap3A_886 = vector.load %arg6[%swap3A_884, %swap3A_885] : memref<16x20480xf32, #tpu.memory_space<vmem>>, vector<16x20480xf32>
    tpu.vector_store %arg6[%swap3A_884, %swap3A_885], %select_n3A_883 {strides = array<i32>} : memref<16x20480xf32, #tpu.memory_space<vmem>>, vector<16x20480xf32>,
    %lt3A_887 = arith.constant 1.000000e+09 : f32
    %lt3A_888 = vector.broadcast %lt3A_887 : f32 to vector<16x1xf32>
    %lt3A_889 = arith.cmpf olt, %broadcast_in_dim3A_872, %lt3A_888 : vector<16x1xf32>
    %select_n3A_890 = arith.select %lt3A_889, %broadcast_in_dim3A_880, %broadcast_in_dim3A_48 : vector<16x1xi1>, vector<16x1xi32>
    %swap3A_891 = arith.constant 0 : index
    %swap3A_892 = arith.constant 31 : index
    %swap3A_893 = vector.load %arg5[%swap3A_891, %swap3A_892] : memref<16x128xi32, #tpu.memory_space<vmem>>, vector<16x1xi32>
    tpu.vector_store %arg5[%swap3A_891, %swap3A_892], %select_n3A_890 {strides = array<i32>} : memref<16x128xi32, #tpu.memory_space<vmem>>, vector<16x1xi32>,
    return
  }
  func.func @transform_0(%arg0: i32) -> (i32, i32) {
    %c0_i32 = arith.constant 0 : i32
    %c0_i32_0 = arith.constant 0 : i32
    return %arg0, %c0_i32 : i32, i32
  }
  func.func @transform_1(%arg0: i32) -> (i32, i32) {
    %c0_i32 = arith.constant 0 : i32
    %c0_i32_0 = arith.constant 0 : i32
    %c0_i32_1 = arith.constant 0 : i32
    return %c0_i32, %c0_i32_0 : i32, i32
  }
  func.func @transform_2(%arg0: i32) -> (i32, i32) {
    %c0_i32 = arith.constant 0 : i32
    %c0_i32_0 = arith.constant 0 : i32
    %c0_i32_1 = arith.constant 0 : i32
    return %c0_i32, %c0_i32_0 : i32, i32
  }
  func.func @transform_3(%arg0: i32) -> (i32, i32) {
    %c0_i32 = arith.constant 0 : i32
    %c0_i32_0 = arith.constant 0 : i32
    %c0_i32_1 = arith.constant 0 : i32
    return %c0_i32, %c0_i32_0 : i32, i32
  }
  func.func @transform_4(%arg0: i32) -> (i32, i32) {
    %c0_i32 = arith.constant 0 : i32
    %c0_i32_0 = arith.constant 0 : i32
    return %arg0, %c0_i32 : i32, i32
  }
}

module attributes {stable_mosaic.version = 14 : i64} {
  func.func @_mlp_body(%arg0: i32, %arg1: memref<8192x128xf32, #tpu.memory_space<vmem>>, %arg2: memref<256x128xf32, #tpu.memory_space<vmem>>, %arg3: memref<4x32xf32, #tpu.memory_space<vmem>>, %arg4: memref<1x32xf32, #tpu.memory_space<vmem>>, %arg5: memref<32x64xf32, #tpu.memory_space<vmem>>, %arg6: memref<1x64xf32, #tpu.memory_space<vmem>>, %arg7: memref<256x64xf32, #tpu.memory_space<vmem>>) attributes {dimension_semantics = [#tpu.dimension_semantics<arbitrary>], iteration_bounds = array<i64: 8>, scalar_prefetch = 0 : i64, scratch_operands = 0 : i64, tpu.core_type = #tpu.core_type<tc>, window_params = [{transform_indices = @transform_0, window_bounds = array<i64: 8192, 128>}, {transform_indices = @transform_1, window_bounds = array<i64: 256, 128>}, {pipeline_mode = #tpu.pipeline_mode<synchronous>, transform_indices = @transform_2, window_bounds = array<i64: 4, 32>}, {pipeline_mode = #tpu.pipeline_mode<synchronous>, transform_indices = @transform_3, window_bounds = array<i64: 1, 32>}, {pipeline_mode = #tpu.pipeline_mode<synchronous>, transform_indices = @transform_4, window_bounds = array<i64: 32, 64>}, {pipeline_mode = #tpu.pipeline_mode<synchronous>, transform_indices = @transform_5, window_bounds = array<i64: 1, 64>}, {transform_indices = @transform_6, window_bounds = array<i64: 256, 64>}]} {
    %get3A = arith.constant 0 : index
    %get3A_0 = arith.constant 0 : index
    %get3A_1 = vector.load %arg1[%get3A, %get3A_0] : memref<8192x128xf32, #tpu.memory_space<vmem>>, vector<8192x4xf32>
    %get3A_2 = arith.constant 0 : index
    %get3A_3 = arith.constant 0 : index
    %get3A_4 = vector.load %arg3[%get3A_2, %get3A_3] : memref<4x32xf32, #tpu.memory_space<vmem>>, vector<4x32xf32>
    %dot_general3A = arith.constant dense<0.000000e+00> : vector<8192x32xf32>
    %dot_general3A_5 = tpu.matmul %get3A_1, %get3A_4, %dot_general3A {dimension_numbers = #tpu.dot_dimension_numbers<[1], [0], [0], [1], [0, 0, 1, 1], [], []>, transpose_lhs_hint = false} : vector<8192x4xf32>, vector<4x32xf32>, vector<8192x32xf32> -> vector<8192x32xf32>
    %get3A_6 = arith.constant 0 : index
    %get3A_7 = arith.constant 0 : index
    %get3A_8 = vector.load %arg2[%get3A_6, %get3A_7] : memref<256x128xf32, #tpu.memory_space<vmem>>, vector<256x3xf32>
    %get3A_9 = arith.constant 0 : index
    %get3A_10 = arith.constant 0 : index
    %get3A_11 = vector.load %arg3[%get3A_9, %get3A_10] : memref<4x32xf32, #tpu.memory_space<vmem>>, vector<3x32xf32>
    %dot_general3A_12 = arith.constant dense<0.000000e+00> : vector<256x32xf32>
    %dot_general3A_13 = tpu.matmul %get3A_8, %get3A_11, %dot_general3A_12 {dimension_numbers = #tpu.dot_dimension_numbers<[1], [0], [0], [1], [0, 0, 1, 1], [], []>, transpose_lhs_hint = false} : vector<256x3xf32>, vector<3x32xf32>, vector<256x32xf32> -> vector<256x32xf32>
    %reshape3A = vector.shape_cast %dot_general3A_5 : vector<8192x32xf32> to vector<256x32x32xf32>
    %broadcast_in_dim3A = vector.shape_cast %dot_general3A_13 : vector<256x32xf32> to vector<256x1x32xf32>
    %sub3A = vector.broadcast %broadcast_in_dim3A : vector<256x1x32xf32> to vector<256x32x32xf32>
    %sub3A_14 = arith.subf %reshape3A, %sub3A : vector<256x32x32xf32>
    %get3A_15 = arith.constant 0 : index
    %get3A_16 = arith.constant 0 : index
    %get3A_17 = vector.load %arg4[%get3A_15, %get3A_16] : memref<1x32xf32, #tpu.memory_space<vmem>>, vector<1x32xf32>
    %broadcast_in_dim3A_18 = vector.shape_cast %get3A_17 : vector<1x32xf32> to vector<1x1x32xf32>
    %add3A = vector.broadcast %broadcast_in_dim3A_18 : vector<1x1x32xf32> to vector<256x32x32xf32>
    %add3A_19 = arith.addf %sub3A_14, %add3A : vector<256x32x32xf32>
    %max3A = arith.constant 0.000000e+00 : f32
    %max3A_20 = vector.broadcast %max3A : f32 to vector<256x32x32xf32>
    %max3A_21 = arith.maximumf %add3A_19, %max3A_20 : vector<256x32x32xf32>
    %reshape3A_22 = vector.shape_cast %max3A_21 : vector<256x32x32xf32> to vector<8192x32xf32>
    %get3A_23 = arith.constant 0 : index
    %get3A_24 = arith.constant 0 : index
    %get3A_25 = vector.load %arg5[%get3A_23, %get3A_24] : memref<32x64xf32, #tpu.memory_space<vmem>>, vector<32x64xf32>
    %dot_general3A_26 = arith.constant dense<0.000000e+00> : vector<8192x64xf32>
    %dot_general3A_27 = tpu.matmul %reshape3A_22, %get3A_25, %dot_general3A_26 {dimension_numbers = #tpu.dot_dimension_numbers<[1], [0], [0], [1], [0, 0, 1, 1], [], []>, transpose_lhs_hint = false} : vector<8192x32xf32>, vector<32x64xf32>, vector<8192x64xf32> -> vector<8192x64xf32>
    %get3A_28 = arith.constant 0 : index
    %get3A_29 = arith.constant 0 : index
    %get3A_30 = vector.load %arg6[%get3A_28, %get3A_29] : memref<1x64xf32, #tpu.memory_space<vmem>>, vector<1x64xf32>
    %add3A_31 = vector.broadcast %get3A_30 : vector<1x64xf32> to vector<8192x64xf32>
    %add3A_32 = arith.addf %dot_general3A_27, %add3A_31 : vector<8192x64xf32>
    %max3A_33 = arith.constant 0.000000e+00 : f32
    %max3A_34 = vector.broadcast %max3A_33 : f32 to vector<8192x64xf32>
    %max3A_35 = arith.maximumf %add3A_32, %max3A_34 : vector<8192x64xf32>
    %reshape3A_36 = vector.shape_cast %max3A_35 : vector<8192x64xf32> to vector<256x32x64xf32>
    %reduce_max3A = arith.constant dense<0xFF800000> : vector<256x64xf32>
    %reduce_max3A_37 = vector.multi_reduction <maximumf>, %reshape3A_36, %reduce_max3A [1] : vector<256x32x64xf32> to vector<256x64xf32>
    %swap3A = arith.constant 0 : index
    %swap3A_38 = arith.constant 0 : index
    %swap3A_39 = vector.load %arg7[%swap3A, %swap3A_38] : memref<256x64xf32, #tpu.memory_space<vmem>>, vector<256x64xf32>
    tpu.vector_store %arg7[%swap3A, %swap3A_38], %reduce_max3A_37 {strides = array<i32>} : memref<256x64xf32, #tpu.memory_space<vmem>>, vector<256x64xf32>,
    return
  }
  func.func @transform_0(%arg0: i32) -> (i32, i32) {
    %c0_i32 = arith.constant 0 : i32
    %c0_i32_0 = arith.constant 0 : i32
    return %arg0, %c0_i32 : i32, i32
  }
  func.func @transform_1(%arg0: i32) -> (i32, i32) {
    %c0_i32 = arith.constant 0 : i32
    %c0_i32_0 = arith.constant 0 : i32
    return %arg0, %c0_i32 : i32, i32
  }
  func.func @transform_2(%arg0: i32) -> (i32, i32) {
    %c0_i32 = arith.constant 0 : i32
    %c0_i32_0 = arith.constant 0 : i32
    %c0_i32_1 = arith.constant 0 : i32
    return %c0_i32, %c0_i32_0 : i32, i32
  }
  func.func @transform_3(%arg0: i32) -> (i32, i32) {
    %c0_i32 = arith.constant 0 : i32
    %c0_i32_0 = arith.constant 0 : i32
    %c0_i32_1 = arith.constant 0 : i32
    return %c0_i32, %c0_i32_0 : i32, i32
  }
  func.func @transform_4(%arg0: i32) -> (i32, i32) {
    %c0_i32 = arith.constant 0 : i32
    %c0_i32_0 = arith.constant 0 : i32
    %c0_i32_1 = arith.constant 0 : i32
    return %c0_i32, %c0_i32_0 : i32, i32
  }
  func.func @transform_5(%arg0: i32) -> (i32, i32) {
    %c0_i32 = arith.constant 0 : i32
    %c0_i32_0 = arith.constant 0 : i32
    %c0_i32_1 = arith.constant 0 : i32
    return %c0_i32, %c0_i32_0 : i32, i32
  }
  func.func @transform_6(%arg0: i32) -> (i32, i32) {
    %c0_i32 = arith.constant 0 : i32
    %c0_i32_0 = arith.constant 0 : i32
    return %arg0, %c0_i32 : i32, i32
  }
}

module attributes {stable_mosaic.version = 14 : i64} {
  func.func @_blend_body(%arg0: memref<2048x64xf32, #tpu.memory_space<vmem>>, %arg1: memref<2048x256xf32, #tpu.memory_space<vmem>>, %arg2: memref<2048x256xf32, #tpu.memory_space<vmem>>, %arg3: memref<2048x256xf32, #tpu.memory_space<vmem>>, %arg4: memref<2048x256xf32, #tpu.memory_space<vmem>>, %arg5: memref<2048x128xf32, #tpu.memory_space<vmem>>, %arg6: memref<2048x320xf32, #tpu.memory_space<vmem>>) attributes {dimension_semantics = [], scalar_prefetch = 0 : i64, scratch_operands = 0 : i64, tpu.core_type = #tpu.core_type<tc>} {
    %get3A = arith.constant 0 : index
    %get3A_0 = arith.constant 0 : index
    %get3A_1 = vector.load %arg5[%get3A, %get3A_0] : memref<2048x128xf32, #tpu.memory_space<vmem>>, vector<2048x1xf32>
    %get3A_2 = arith.constant 0 : index
    %get3A_3 = arith.constant 1 : index
    %get3A_4 = vector.load %arg5[%get3A_2, %get3A_3] : memref<2048x128xf32, #tpu.memory_space<vmem>>, vector<2048x1xf32>
    %add3A = arith.constant 4.000000e+00 : f32
    %add3A_5 = vector.broadcast %add3A : f32 to vector<2048x1xf32>
    %add3A_6 = arith.addf %get3A_1, %add3A_5 : vector<2048x1xf32>
    %div3A = arith.constant 8.000000e+00 : f32
    %div3A_7 = vector.broadcast %div3A : f32 to vector<2048x1xf32>
    %div3A_8 = arith.divf %add3A_6, %div3A_7 : vector<2048x1xf32>
    %mul3A = arith.constant 1.990000e+02 : f32
    %mul3A_9 = vector.broadcast %mul3A : f32 to vector<2048x1xf32>
    %mul3A_10 = arith.mulf %div3A_8, %mul3A_9 : vector<2048x1xf32>
    %add3A_11 = arith.constant 4.000000e+00 : f32
    %add3A_12 = vector.broadcast %add3A_11 : f32 to vector<2048x1xf32>
    %add3A_13 = arith.addf %get3A_4, %add3A_12 : vector<2048x1xf32>
    %div3A_14 = arith.constant 8.000000e+00 : f32
    %div3A_15 = vector.broadcast %div3A_14 : f32 to vector<2048x1xf32>
    %div3A_16 = arith.divf %add3A_13, %div3A_15 : vector<2048x1xf32>
    %mul3A_17 = arith.constant 1.750000e+02 : f32
    %mul3A_18 = vector.broadcast %mul3A_17 : f32 to vector<2048x1xf32>
    %mul3A_19 = arith.mulf %div3A_16, %mul3A_18 : vector<2048x1xf32>
    %jit3A = arith.constant 0.000000e+00 : f32
    %jit3A_20 = arith.constant 1.990000e+02 : f32
    %max3A = vector.broadcast %jit3A : f32 to vector<2048x1xf32>
    %max3A_21 = arith.maximumf %max3A, %mul3A_10 : vector<2048x1xf32>
    %min3A = vector.broadcast %jit3A_20 : f32 to vector<2048x1xf32>
    %min3A_22 = arith.minimumf %min3A, %max3A_21 : vector<2048x1xf32>
    %jit3A_23 = arith.constant 0.000000e+00 : f32
    %jit3A_24 = arith.constant 1.750000e+02 : f32
    %max3A_25 = vector.broadcast %jit3A_23 : f32 to vector<2048x1xf32>
    %max3A_26 = arith.maximumf %max3A_25, %mul3A_19 : vector<2048x1xf32>
    %min3A_27 = vector.broadcast %jit3A_24 : f32 to vector<2048x1xf32>
    %min3A_28 = arith.minimumf %min3A_27, %max3A_26 : vector<2048x1xf32>
    %floor3A = math.floor %min3A_22 : vector<2048x1xf32>
    %sub3A = arith.subf %min3A_22, %floor3A : vector<2048x1xf32>
    %floor3A_29 = math.floor %min3A_28 : vector<2048x1xf32>
    %sub3A_30 = arith.subf %min3A_28, %floor3A_29 : vector<2048x1xf32>
    %get3A_31 = arith.constant 0 : index
    %get3A_32 = arith.constant 0 : index
    %get3A_33 = vector.load %arg1[%get3A_31, %get3A_32] : memref<2048x256xf32, #tpu.memory_space<vmem>>, vector<2048x256xf32>
    %sub3A_34 = arith.constant 1.000000e+00 : f32
    %sub3A_35 = vector.broadcast %sub3A_34 : f32 to vector<2048x1xf32>
    %sub3A_36 = arith.subf %sub3A_35, %sub3A : vector<2048x1xf32>
    %mul3A_37 = vector.broadcast %sub3A_36 : vector<2048x1xf32> to vector<2048x256xf32>
    %mul3A_38 = arith.mulf %get3A_33, %mul3A_37 : vector<2048x256xf32>
    %sub3A_39 = arith.constant 1.000000e+00 : f32
    %sub3A_40 = vector.broadcast %sub3A_39 : f32 to vector<2048x1xf32>
    %sub3A_41 = arith.subf %sub3A_40, %sub3A_30 : vector<2048x1xf32>
    %mul3A_42 = vector.broadcast %sub3A_41 : vector<2048x1xf32> to vector<2048x256xf32>
    %mul3A_43 = arith.mulf %mul3A_38, %mul3A_42 : vector<2048x256xf32>
    %get3A_44 = arith.constant 0 : index
    %get3A_45 = arith.constant 0 : index
    %get3A_46 = vector.load %arg2[%get3A_44, %get3A_45] : memref<2048x256xf32, #tpu.memory_space<vmem>>, vector<2048x256xf32>
    %mul3A_47 = vector.broadcast %sub3A : vector<2048x1xf32> to vector<2048x256xf32>
    %mul3A_48 = arith.mulf %get3A_46, %mul3A_47 : vector<2048x256xf32>
    %sub3A_49 = arith.constant 1.000000e+00 : f32
    %sub3A_50 = vector.broadcast %sub3A_49 : f32 to vector<2048x1xf32>
    %sub3A_51 = arith.subf %sub3A_50, %sub3A_30 : vector<2048x1xf32>
    %mul3A_52 = vector.broadcast %sub3A_51 : vector<2048x1xf32> to vector<2048x256xf32>
    %mul3A_53 = arith.mulf %mul3A_48, %mul3A_52 : vector<2048x256xf32>
    %add3A_54 = arith.addf %mul3A_43, %mul3A_53 : vector<2048x256xf32>
    %get3A_55 = arith.constant 0 : index
    %get3A_56 = arith.constant 0 : index
    %get3A_57 = vector.load %arg3[%get3A_55, %get3A_56] : memref<2048x256xf32, #tpu.memory_space<vmem>>, vector<2048x256xf32>
    %sub3A_58 = arith.constant 1.000000e+00 : f32
    %sub3A_59 = vector.broadcast %sub3A_58 : f32 to vector<2048x1xf32>
    %sub3A_60 = arith.subf %sub3A_59, %sub3A : vector<2048x1xf32>
    %mul3A_61 = vector.broadcast %sub3A_60 : vector<2048x1xf32> to vector<2048x256xf32>
    %mul3A_62 = arith.mulf %get3A_57, %mul3A_61 : vector<2048x256xf32>
    %mul3A_63 = vector.broadcast %sub3A_30 : vector<2048x1xf32> to vector<2048x256xf32>
    %mul3A_64 = arith.mulf %mul3A_62, %mul3A_63 : vector<2048x256xf32>
    %add3A_65 = arith.addf %add3A_54, %mul3A_64 : vector<2048x256xf32>
    %get3A_66 = arith.constant 0 : index
    %get3A_67 = arith.constant 0 : index
    %get3A_68 = vector.load %arg4[%get3A_66, %get3A_67] : memref<2048x256xf32, #tpu.memory_space<vmem>>, vector<2048x256xf32>
    %mul3A_69 = vector.broadcast %sub3A : vector<2048x1xf32> to vector<2048x256xf32>
    %mul3A_70 = arith.mulf %get3A_68, %mul3A_69 : vector<2048x256xf32>
    %mul3A_71 = vector.broadcast %sub3A_30 : vector<2048x1xf32> to vector<2048x256xf32>
    %mul3A_72 = arith.mulf %mul3A_70, %mul3A_71 : vector<2048x256xf32>
    %add3A_73 = arith.addf %add3A_65, %mul3A_72 : vector<2048x256xf32>
    %get3A_74 = arith.constant 0 : index
    %get3A_75 = arith.constant 0 : index
    %get3A_76 = vector.load %arg0[%get3A_74, %get3A_75] : memref<2048x64xf32, #tpu.memory_space<vmem>>, vector<2048x64xf32>
    %swap3A = arith.constant 0 : index
    %swap3A_77 = arith.constant 0 : index
    %swap3A_78 = vector.load %arg6[%swap3A, %swap3A_77] : memref<2048x320xf32, #tpu.memory_space<vmem>>, vector<2048x64xf32>
    tpu.vector_store %arg6[%swap3A, %swap3A_77], %get3A_76 {strides = array<i32>} : memref<2048x320xf32, #tpu.memory_space<vmem>>, vector<2048x64xf32>,
    %swap3A_79 = arith.constant 0 : index
    %swap3A_80 = arith.constant 64 : index
    %swap3A_81 = vector.load %arg6[%swap3A_79, %swap3A_80] : memref<2048x320xf32, #tpu.memory_space<vmem>>, vector<2048x256xf32>
    tpu.vector_store %arg6[%swap3A_79, %swap3A_80], %add3A_73 {strides = array<i32>} : memref<2048x320xf32, #tpu.memory_space<vmem>>, vector<2048x256xf32>,
    return
  }
}

</mosaic_0001>

<sc_bundles>
// kernel: kernel.11.cloned.1.call-start
scs
__scs_entry_jumppad:
0x0: {  	(pc) =	sbr.rel $0x88, $3  }
0x1: {  	(tag) =	ssettag $0x0;
	lr =	simm.s32 $0x1  }
0x2: {  	[smem:$0x3F9B] =	sst lr;
	_ =	strace $0xD0000000  }
0x3: {  	_ = 	snop  }
0x4: {  	_ = 	snop  }
0x5: {  	_ = 	snop  }
0x6: {  	_ = 	snop  }
0x7: {  	_ = 	snop  }
__scs_overlays_trampoline_lowered:
0x8: {  	[smem:$0x3FAA] =	sst s0  }
0x9: {  	[smem:$0x3FAB] =	sst s1  }
0xa: {  	[smem:$0x3FAC] =	sst s2  }
0xb: {  	[smem:$0x3FAD] =	sst s3  }
0xc: {  	[smem:$0x3FAE] =	sst s4  }
0xd: {  	[smem:$0x3FAF] =	sst s5  }
0xe: {  	[smem:$0x3FB0] =	sst s6  }
0xf: {  	[smem:$0x3FB1] =	sst s7  }
0x10: {  	[smem:$0x3FB2] =	sst s8  }
0x11: {  	[smem:$0x3FB3] =	sst s9;
	s0 =	simm.s32 @!p0 $0x0  }
0x12: {  	s1 =	sld [smem:$0x3F99];
	s0 =	simm.s32 @p0 $0x1  }
0x13: {  	[smem:$0x3FB4] =	sst s0;
	s0 =	simm.s32 @!p1 $0x0  }
0x14: {  	s2 =	sld [smem:$0x3F98];
	s0 =	simm.s32 @p1 $0x1  }
0x15: {  	[smem:$0x3FB5] =	sst s0;
	s0 =	simm.s32 @!p2 $0x0  }
0x16: {  	s3 =	sld [smem:$0x3FDB];
	s0 =	simm.s32 @p2 $0x1  }
0x17: {  	s4 =	simm.s32 $0x1BF5;
	[smem:$0x3FB7] =	sst s0  }
0x18: {  	s0 =	sld [smem:$0x3F9A];
	_ =	swait.ge [sflag:s4], $0x0  }
0x19: {  	s7 =	sld [smem:$0x3F9B]  }
0x1a: {  	s8 =	sadd.s32 $0xFFFFE003, lr  }
0x1b: {  	s9 =	sadd.s32 $0xFFFFFEF7, lr;
	s5 =	simm.s32 $0xFFFFFFFF;
	p2 =	slt.u32 s8, $0xFFFFF086  }
0x1c: {  	p1 =	slt.u32 s9, $0xF7A;
	s5 =	simm.s32 @!p2 $0x0  }
0x1d: {  	s5 =	simm.s32 @p1 $0x1;
	p0 =	seq.s32 s7, s2  }
0x1e: {  	s7 =	smul.u32 @!p0 $0xF7A, s2;
	p2 =	seq.s32 @!p0 s5, $0x0  }
0x1f: {  	s9 =	smul.u32 $0xF7A, s1;
	s8 =	simm.s32 @!p0 $0x1BF5;
	p2 =	por !p2, p0  }
0x20: {  	[sflag:s8] =	ssyncset.s32 @!p0 $0xFFFFF086;
	s6 =	sadd.s32 @!p0 s3, s7;
	s7 =	simm.s32 @!p0 $0x108  }
0x21: {  	s3 =	sadd.s32 s3, s9;
	s6 =	sadd.s32 @!p0 $0x88, s6;
	s7 =	simm.s32 @p2 $0x1082  }
0x22: {  	[simem:s7], [sflag:s8] =	dma.local @!p0 [hbm:s6], $0xF7A  }
0x23: {  	s9 =	sor.u32 $0xD0000000, s2;
	s6 =	simm.s32 $0x108;
	_ =	swait.ge @!p0 [sflag:s8], $0x0  }
0x24: {  	s3 =	sadd.s32 $0x88, s3;
	s6 =	simm.s32 @!p1 $0x1082;
	[sflag:s4] =	ssyncset.s32 $0xFFFFF086  }
0x25: {  	[simem:s6], [sflag:s4] =	dma.local [hbm:s3], $0xF7A  }
0x26: {  	[smem:$0x3F9B] =	sst s1;
	(tag) =	ssettag s2;
	_ =	strace s9  }
0x27: {  	s1 =	sld [smem:$0x3FAB]  }
0x28: {  	s2 =	sld [smem:$0x3FAC]  }
0x29: {  	s4 =	sld [smem:$0x3FAE]  }
0x2a: {  	p0 =	seq.s32 s5, $0x0;
	s5 =	sld [smem:$0x3FAF]  }
0x2b: {  	s6 =	sld [smem:$0x3FB0]  }
0x2c: {  	s7 =	sld [smem:$0x3FB1]  }
0x2d: {  	s3 =	simm.s32 $0x108;
	s8 =	sld [smem:$0x3FB2]  }
0x2e: {  	s3 =	simm.s32 @!p0 $0x1082;
	s9 =	sld [smem:$0x3FB3]  }
0x2f: {  	lr =	sadd.s32 s0, s3;
	s0 =	sld [smem:$0x3FAA]  }
0x30: {  	s3 =	sld [smem:$0x3FAD]  }
0x31: {  	[smem:$0x3FB6] =	sst s10  }
0x32: {  	s10 =	sld [smem:$0x3FB4];
	_ =	sdelay $0x3  }
0x33: {  	p0 =	seq.s32 s10, $0x1;
	s10 =	sld [smem:$0x3FB6];
	_ =	sdelay $0x3  }
0x34: {  	[smem:$0x3FB6] =	sst s10  }
0x35: {  	s10 =	sld [smem:$0x3FB5];
	_ =	sdelay $0x3  }
0x36: {  	p1 =	seq.s32 s10, $0x1;
	s10 =	sld [smem:$0x3FB6];
	_ =	sdelay $0x3  }
0x37: {  	[smem:$0x3FB6] =	sst s10  }
0x38: {  	s10 =	sld [smem:$0x3FB7]  }
0x39: {  	_ = 	snop;
	(pc) =	sbr.ind lr, $3  }
0x3a: {  	_ = 	snop  }
0x3b: {  	_ = 	snop  }
0x3c: {  	p2 =	seq.s32 s10, $0x1;
	s10 =	sld [smem:$0x3FB6]  }
0x3d: {  	_ =	shalt  }
0x3e: {  	_ =	shalt  }
0x3f: {  	_ =	shalt  }
0x40: {  	_ =	shalt  }
0x41: {  	_ =	shalt  }
0x42: {  	_ =	shalt  }
0x43: {  	_ =	shalt  }
0x44: {  	_ =	shalt  }
0x45: {  	_ =	shalt  }
0x46: {  	_ =	shalt  }
0x47: {  	_ =	shalt  }
0x48: {  	_ =	shalt  }
0x49: {  	_ =	shalt  }
0x4a: {  	_ =	shalt  }
0x4b: {  	_ =	shalt  }
0x4c: {  	_ =	shalt  }
0x4d: {  	_ =	shalt  }
0x4e: {  	_ =	shalt  }
0x4f: {  	_ =	shalt  }
0x50: {  	_ =	shalt  }
0x51: {  	_ =	shalt  }
0x52: {  	_ =	shalt  }
0x53: {  	_ =	shalt  }
0x54: {  	_ =	shalt  }
0x55: {  	_ =	shalt  }
0x56: {  	_ =	shalt  }
0x57: {  	_ =	shalt  }
0x58: {  	_ =	shalt  }
0x59: {  	_ =	shalt  }
0x5a: {  	_ =	shalt  }
0x5b: {  	_ =	shalt  }
0x5c: {  	_ =	shalt  }
0x5d: {  	_ =	shalt  }
0x5e: {  	_ =	shalt  }
0x5f: {  	_ =	shalt  }
0x60: {  	_ =	shalt  }
0x61: {  	_ =	shalt  }
0x62: {  	_ =	shalt  }
0x63: {  	_ =	shalt  }
0x64: {  	_ =	shalt  }
0x65: {  	_ =	shalt  }
0x66: {  	_ =	shalt  }
0x67: {  	_ =	shalt  }
0x68: {  	_ =	shalt  }
0x69: {  	_ =	shalt  }
0x6a: {  	_ =	shalt  }
0x6b: {  	_ =	shalt  }
0x6c: {  	_ =	shalt  }
0x6d: {  	_ =	shalt  }
0x6e: {  	_ =	shalt  }
0x6f: {  	_ =	shalt  }
0x70: {  	_ =	shalt  }
0x71: {  	_ =	shalt  }
0x72: {  	_ =	shalt  }
0x73: {  	_ =	shalt  }
0x74: {  	_ =	shalt  }
0x75: {  	_ =	shalt  }
0x76: {  	_ =	shalt  }
0x77: {  	_ =	shalt  }
0x78: {  	_ =	shalt  }
0x79: {  	_ =	shalt  }
0x7a: {  	_ =	shalt  }
0x7b: {  	_ =	shalt  }
0x7c: {  	_ =	shalt  }
0x7d: {  	_ =	shalt  }
0x7e: {  	_ =	shalt  }
0x7f: {  	_ =	shalt  }
0x80: {  	_ =	shalt  }
0x81: {  	_ =	shalt  }
0x82: {  	_ =	shalt  }
0x83: {  	_ =	shalt  }
0x84: {  	_ =	shalt  }
0x85: {  	_ =	shalt  }
0x86: {  	_ =	shalt  }
0x87: {  	_ =	shalt  }
.Lfunc_end0:
.L_simem_size_0:
called_computation.1_lowered:
.L_overlay_start_0:
0x88: {  	s2 =	sld [smem:$0x3FD9]  }
0x89: {  	s3 =	sld [smem:$0x3FFE];
	_ =	sdelay $0x1  }
0x8a: {  	s1 =	srdreg.scid  }
0x8b: {  	s0 =	sand.u32 $0x1, s1  }
0x8c: {  	s17 =	sshll.u32 s0, $0xA;
	s2 =	sadd.s32 s3, s2  }
0x8d: {  	s2 =	sadd.s32 s2, s17  }
0x8e: {  	[smem:$0x3FC2] =	sst s2  }
0x8f: {  	_ = 	snop  }
0x90: {  	s4 =	sld [smem:$0x3FC8]  }
0x91: {  	s18 =	sld [smem:$0x3FD0];
	(tm) =	ssettm $0x1  }
0x92: {  	s19 =	sld [smem:$0x3FFB];
	_ =	sdelay $0x3  }
0x93: {  	_ =	strace s19  }
0x94: {  	s2 =	sld [smem:$0x3FFC];
	_ =	sdelay $0x3  }
0x95: {  	_ =	strace s2  }
0x96: {  	s2 =	sld [smem:$0x3FFD];
	_ =	sdelay $0x3  }
0x97: {  	_ =	strace s2  }
0x98: {  	_ =	strace $0x8FFFFFFF  }
0x99: {  	s20 =	sld [smem:$0x3FDB];
	_ =	sdelay $0x1  }
0x9a: {  	s5 =	simm.s32 $_scs_section_size  }
0x9b: {  	s6 =	simm.s32 $_size__tile_overlayer_lowered;
	s7 =	simm.s32 $_tile_overlayer_lowered  }
0x9c: {  	s8 =	simm.s32 $0x1BFF;
	s21 =	sshll.u32 s7, $0x1;
	s5 =	sadd.s32 s5, s20  }
0x9d: {  	s22 =	simm.s32 $0x0;
	s6 =	sshll.u32 s6, $0x1;
	s7 =	sadd.s32 s21, s5  }
0x9e: {  	[timem:s22], [sflag:s8] =	dma.local [hbm:s7], s6  }
0x9f: {  	_ =	swait.ge [sflag:s8], s6  }
0xa0: {  	s6 =	ssub.s32 $0x0, s6;
	[sflag:s8] =	ssyncset.done $0x0  }
0xa1: {  	[sflag:s8] =	ssyncadd.s32 s6;
	_ =	sdelay $0x1  }
0xa2: {  	s23 =	simm.s32 $0x1B8B  }
0xa3: {  	_ =	swait.ge [sflag:s23], $0x1  }
0xa4: {  	[sflag:s23] =	ssyncset.done $0x0  }
0xa5: {  	[sflag:s23] =	ssyncadd.s32 $0xFFFFFFFF  }
0xa6: {  	s6 =	sld [smem:$0x0]  }
0xa7: {  	s7 =	sand.u32 $0xFFFFFFFE, s1  }
0xa8: {  	p0 =	sne.s32 s1, s7  }
0xa9: {  	s7 =	sshll.u32 @p0 s7, $0xE  }
0xaa: {  	s7 =	sadd.s32 @p0 $0x11B8D, s7;
	s8 =	sshll.u32 @p0 s6, $0x11  }
0xab: {  	s7 =	sor.u32 @p0 s8, s7  }
0xac: {  	[sflag:s7] =	ssyncadd.remote.s32 @p0 $0x1;
	_ =	sdelay $0x1  }
0xad: {  	s7 =	simm.s32 @p0 $0x1B8D  }
0xae: {  	_ =	swait.eq @p0 [sflag:s7], $0x1  }
0xaf: {  	[sflag:s7] =	ssyncadd.s32 @p0 $0xFFFFFFFF  }
0xb0: {  	s8 =	sshll.u32 @!p0 s1, $0xE  }
0xb1: {  	s8 =	sor.u32 @!p0 $0x4000, s8;
	s7 =	simm.s32 @!p0 $0x1B8D  }
0xb2: {  	s6 =	sshll.u32 @!p0 s6, $0x11;
	s8 =	sadd.s32 @!p0 $0x11B8D, s8;
	_ =	swait.eq @!p0 [sflag:s7], $0x1  }
0xb3: {  	s6 =	sor.u32 @!p0 s6, s8;
	[sflag:s7] =	ssyncadd.s32 @!p0 $0xFFFFFFFF  }
0xb4: {  	s25 =	simm.s32 $0x1B8E;
	s24 =	sld [smem:$0x3FFE];
	[sflag:s6] =	ssyncadd.remote.s32 @!p0 $0x1  }
0xb5: {  	s26 =	simm.s32 $execute0_lowered;
	[smem:$0x3FD2] =	sst s25  }
0xb6: {  	s7 =	sshll.u32 s26, $0x1;
	_ =	strace $0x80000049;
	[dreg:$0x1] =	wrdreg $0xFFFFFFFF  }
0xb7: {  	s28 =	simm.s32 $_size_execute0_lowered;
	s5 =	sadd.s32 s5, s7;
	[dreg:$0x0] =	wrdreg $0x0  }
0xb8: {  	s7 =	sshll.u32 s28, $0x1;
	[dreg:$0x2] =	wrdreg s5  }
0xb9: {  	[dreg:$0x3] =	wrdreg s7  }
0xba: {  	[dreg:$0x4] =	wrdreg $0xC0  }
0xbb: {  	_ =	task [dreg:s22], $0x5FFFF  }
0xbc: {  	[dreg:$0x1] =	wrdreg $0xFFFFFFFF  }
0xbd: {  	[dreg:$0x0] =	wrdreg $0x60  }
0xbe: {  	[dreg:$0x2] =	wrdreg s4  }
0xbf: {  	[dreg:$0x3] =	wrdreg s24  }
0xc0: {  	[dreg:$0x4] =	wrdreg s18  }
0xc1: {  	[dreg:$0x5] =	wrdreg $0xA  }
0xc2: {  	_ =	task.clear_ibuf [dreg:s22], $0x6FFFF;
	_ =	strace $0x90000049  }
0xc3: {  	s29 =	simm.s32 $0xA;
	_ =	strace $0x8000004B  }
0xc4: {  	_ =	swait.ge [sflag:s29], $0x1  }
0xc5: {  	[sflag:s29] =	ssyncadd.s32 $0xFFFFFFFF  }
0xc6: {  	_ =	strace $0x9000004B  }
0xc7: {  	_ =	sfence  }
0xc8: {  	s30 =	sld [smem:$0x0];
	_ =	sdelay $0x2  }
0xc9: {  	s31 =	sshll.u32 s1, $0xD;
	s1 =	sshrl.u32 s1, $0x2  }
0xca: {  	s4 =	sand.u32 $0x4000, s31;
	s1 =	sadd.s32 s1, s30  }
0xcb: {  	s0 =	sor.u32 s4, s0;
	s1 =	sshll.u32 s1, $0x11  }
0xcc: {  	s0 =	sor.u32 s1, s0  }
0xcd: {  	s0 =	sadd.s32 $0x8F2B, s0  }
0xce: {  	[sflag:s0] =	ssyncadd.remote.s32 $0x1  }
0xcf: {  	_ =	sfence.sel $0xFFFF  }
0xd0: {  	[dreg:$0x0] =	wrdreg $0xFFFFFFFF;
	(pc) =	sbr.abs _section_cstart, $3  }
0xd1: {  	[dreg:$0x1] =	wrdreg $0xFFFFFFFF  }
0xd2: {  	_ =	task.clear_ibuf [dreg:s22], $0x2FFFF;
	_ =	strace $0x9FFFFFFF  }
0xd3: {  	(tm) =	ssettm $0x7FFFFFFF  }
tec
execute0_lowered:
.L_overlay_start_1:
0x0: {  	(tag) =	ssettag $0x1  }
0x1: {  	s1 =	rddreg [dreg:$0x0]  }
0x2: {  	s2 =	srdreg.scid;
	s4 =	rddreg [dreg:$0x1]  }
0x3: {  	s0 =	stileid.u32;
	s6 =	rddreg [dreg:$0x2]  }
0x4: {  	s18 =	simm.s32 $0x80;
	s19 =	simm.s32 $0xB00;
	s20 =	simm.s32 $0x1300  }
0x5: {  	s21 =	simm.s32 $0x1B00;
	s23 =	simm.s32 $0x2300;
	s24 =	simm.s32 $0x2B00  }
0x6: {  	s25 =	simm.s32 $0x3300;
	s26 =	simm.s32 $0x3B00;
	s9 =	simm.s32 $0x5300  }
0x7: {  	s10 =	simm.s32 $0x5B00;
	s11 =	simm.s32 $0x6300;
	s2 =	sand.u32 $0x1, s2  }
0x8: {  	s12 =	simm.s32 $0x6B00;
	s3 =	sshll.u32 s0, $0x7;
	s5 =	sshll.u32 s2, $0x6  }
0x9: {  	s13 =	simm.s32 $0x7300;
	s5 =	sor.u32 s5, s3;
	s3 =	simm.s32 $0x0  }
0xa: {  	s14 =	simm.s32 $0x7B00;
	s15 =	simm.s32 $0x8300;
	[smem:$0x7FF] =	sst s3  }
0xb: {  	s28 =	simm.s32 $0xE300;
	_ =	strace $0x8000004A;
	[dreg:$0xa] =	wrdreg s18  }
0xc: {  	s29 =	simm.s32 $0xEB00;
	s30 =	simm.s32 $0xF300;
	[dreg:$0xb] =	wrdreg s19  }
0xd: {  	s31 =	simm.s32 $0xFB00;
	s2 =	ssub.s32 $0x2, s2;
	[dreg:$0xc] =	wrdreg s20  }
0xe: {  	s22 =	sshrl.u32 s2, $0x1;
	s7 =	sshrl.u32 s5, $0x3;
	[dreg:$0xd] =	wrdreg s21  }
0xf: {  	s5 =	sshll.u32 s5, $0x5;
	s2 =	ssub.s32 s2, s22;
	[dreg:$0xe] =	wrdreg s23  }
0x10: {  	v0 =	vimm.f32 $8.000000000e+00;
	s22 =	simm.s32 $0xBB00;
	s7 =	sadd.s32 s7, s4;
	[dreg:$0xf] =	wrdreg s24  }
0x11: {  	s4 =	sadd.s32 s5, s4;
	s5 =	sadd.s32 s6, s5;
	[dreg:$0x10] =	wrdreg s25;
	(erf) = vrcp.f32 v0  }
0x12: {  	s6 =	simm.s32 $0x300;
	[dreg:$0x11] =	wrdreg s26;
	s18 =	simm.s32 $0x9B00  }
0x13: {  	s19 =	simm.s32 $0xA300;
	s20 =	simm.s32 $0xAB00;
	s21 =	simm.s32 $0xB300  }
0x14: {  	s23 =	simm.s32 $0xC300;
	s8 =	sadd.s32 $0x150A00, s7;
	[dreg:$0x6] =	wrdreg s5  }
0x15: {  	s24 =	simm.s32 $0xCB00;
	s7 =	sadd.s32 $0x150800, s7;
	[dreg:$0x4] =	wrdreg s8  }
0x16: {  	s25 =	simm.s32 $0xD300;
	s16 =	sadd.s32 $0x150C00, s4;
	[dreg:$0x5] =	wrdreg s7  }
0x17: {  	s26 =	simm.s32 $0xDB00;
	s17 =	sadd.s32 $0x160C00, s4;
	[dreg:$0x7] =	wrdreg s16  }
0x18: {  	v3 =	vlaneseq.u32;
	s4 =	sadd.s32 $0x170C00, s4;
	s5 =	simm.s32 $0x2;
	[dreg:$0x8] =	wrdreg s17  }
0x19: {  	vm0 =	vmmov $0xffff;
	v2 =	vshrl.u32 v3, $0x3;
	[dreg:$0x9] =	wrdreg s4;
	s4 =	smax.u32 s2, $0x1;
	s7 =	simm.s32 $0x4300  }
0x1a: {  	v2 =	vmul.u32 $0x8, v2;
	v0 =	vand.u32 $0x7, v3;
	v3 =	vor.u32 $0x8, v3;
	s16 =	simm.s32 $0x8B00;
	s17 =	simm.s32 $0x9300;
	s2 =	simm.s32 $0x1;
	v1 =	vpop (erf)  }
.LBB2_1:
0x1b: {  	s0 =	rddreg [dreg:$0x4]  }
0x1c: {  	[tilespmem:s3], [sflag:$0x2] =	stream.linear.gather [hbm4b:s0+s3], $0x40, $0x38;
	[tilespmem:$0x10300] =	vst v63  }
0x1d: {  	_ =	swait.ge [sflag:s5], $0x40  }
0x1e: {  	s0 =	rddreg [dreg:$0x5];
	[sflag:s5] =	ssyncset.done $0x0  }
0x1f: {  	s8 =	rddreg [dreg:$0xa];
	[sflag:s5] =	ssyncadd.s32 $0xFFFFFFC0  }
0x20: {  	[tilespmem:s8], [sflag:$0x2] =	stream.linear.gather [hbm4b:s0+s3], $0x40, $0x38;
	[tilespmem:$0x10300] =	vst v63  }
0x21: {  	_ =	swait.ge [sflag:s5], $0x40  }
0x22: {  	[sflag:s5] =	ssyncset.done $0x0  }
0x23: {  	[sflag:s5] =	ssyncadd.s32 $0xFFFFFFC0  }
0x24: {  	v4 =	vld [tilespmem:$0x0]  }
0x25: {  	v5 =	vld [tilespmem:$0x80]  }
0x26: {  	v6 =	vld [tilespmem:$0x10]  }
0x27: {  	v7 =	vld [tilespmem:$0x90]  }
0x28: {  	v9 =	vld [tilespmem:$0x20]  }
0x29: {  	v11 =	vld [tilespmem:$0xA0]  }
0x2a: {  	v15 =	vld [tilespmem:$0xB0];
	_ =	sdelay $0x1  }
0x2b: {  	v4 =	vadd.f32 $4.000000000e+00, v4;
	v5 =	vadd.f32 $4.000000000e+00, v5  }
0x2c: {  	v6 =	vadd.f32 $4.000000000e+00, v6;
	v7 =	vadd.f32 $4.000000000e+00, v7  }
0x2d: {  	v9 =	vadd.f32 $4.000000000e+00, v9;
	v11 =	vadd.f32 $4.000000000e+00, v11;
	v4 =	vmul.f32 v4, v1  }
0x2e: {  	v15 =	vadd.f32 $4.000000000e+00, v15;
	v5 =	vmul.f32 v5, v1;
	v6 =	vmul.f32 v6, v1  }
0x2f: {  	v7 =	vmul.f32 v7, v1;
	v9 =	vmul.f32 v9, v1  }
0x30: {  	v11 =	vmul.f32 v11, v1;
	v15 =	vmul.f32 v15, v1  }
0x31: {  	v4 =	vmul.f32 $1.990000000e+02, v4;
	v5 =	vmul.f32 $1.750000000e+02, v5  }
0x32: {  	v6 =	vmul.f32 $1.990000000e+02, v6;
	v7 =	vmul.f32 $1.750000000e+02, v7  }
0x33: {  	v9 =	vmul.f32 $1.990000000e+02, v9;
	v11 =	vmul.f32 $1.750000000e+02, v11;
	v4 =	vmax.f32 v4, $0.0e+00  }
0x34: {  	v5 =	vmax.f32 v5, $0.0e+00;
	v6 =	vmax.f32 v6, $0.0e+00;
	v7 =	vmax.f32 v7, $0.0e+00  }
0x35: {  	v9 =	vmax.f32 v9, $0.0e+00;
	v11 =	vmax.f32 v11, $0.0e+00;
	v4 =	vmin.f32 v4, $1.990000000e+02  }
0x36: {  	v5 =	vmin.f32 v5, $1.750000000e+02;
	v6 =	vmin.f32 v6, $1.990000000e+02;
	v7 =	vmin.f32 v7, $1.750000000e+02  }
0x37: {  	v9 =	vmin.f32 v9, $1.990000000e+02;
	v4 =	vtrunc.f32 v4;
	v5 =	vtrunc.f32 v5  }
0x38: {  	v11 =	vmin.f32 v11, $1.750000000e+02;
	v6 =	vtrunc.f32 v6;
	v7 =	vtrunc.f32 v7  }
0x39: {  	v9 =	vtrunc.f32 v9;
	v11 =	vtrunc.f32 v11  }
0x3a: {  	v4 =	vcvt.f32.s32 v4;
	v5 =	vcvt.f32.s32 v5  }
0x3b: {  	v6 =	vcvt.f32.s32 v6;
	v7 =	vcvt.f32.s32 v7  }
0x3c: {  	v9 =	vcvt.f32.s32 v9;
	v11 =	vcvt.f32.s32 v11;
	v8 =	vadd.s32 $0x1, v4  }
0x3d: {  	v46 =	vld [tilespmem:$0x30];
	v10 =	vadd.s32 $0x1, v5;
	v5 =	vmul.u32 $0xC8, v5;
	vm1 =	vlt.s32 v8, $0xC7  }
0x3e: {  	v13 =	vadd.s32 $0x1, v6;
	v8 =	vnsel vm1, $0xC7, v8;
	vm1 =	vlt.s32 v10, $0xAF  }
0x3f: {  	v14 =	vadd.s32 $0x1, v7;
	v7 =	vmul.u32 $0xC8, v7;
	v10 =	vnsel vm1, $0xAF, v10  }
0x40: {  	v17 =	vadd.s32 $0x1, v9;
	v49 =	vadd.s32 $0x1, v11;
	v10 =	vmul.u32 $0xC8, v10  }
0x41: {  	v11 =	vmul.u32 $0xC8, v11;
	v12 =	vadd.s32 v4, v5;
	v5 =	vadd.s32 v8, v5  }
0x42: {  	v4 =	vadd.s32 v4, v10;
	v8 =	vadd.s32 v8, v10;
	v10 =	vadd.f32 $4.000000000e+00, v46  }
0x43: {  	v16 =	vadd.s32 v6, v7;
	v52 =	vadd.s32 v9, v11;
	vm1 =	vlt.s32 v13, $0xC7  }
0x44: {  	[tilespmem:$0x100] =	vst v12;
	v13 =	vnsel vm1, $0xC7, v13;
	vm1 =	vlt.s32 v14, $0xAF;
	v10 =	vmul.f32 v10, v1  }
0x45: {  	[tilespmem:$0x180] =	vst v5;
	v5 =	vmul.f32 $1.750000000e+02, v15;
	v14 =	vnsel vm1, $0xAF, v14;
	v7 =	vadd.s32 v13, v7  }
0x46: {  	v50 =	vld [tilespmem:$0x100];
	vm1 =	vlt.s32 v17, $0xC7;
	v14 =	vmul.u32 $0xC8, v14;
	v10 =	vmul.f32 $1.990000000e+02, v10  }
0x47: {  	v48 =	vnsel vm1, $0xC7, v17;
	vm1 =	vlt.s32 v49, $0xAF;
	v5 =	vmax.f32 v5, $0.0e+00  }
0x48: {  	[tilespmem:$0x200] =	vst v4;
	v4 =	vnsel vm1, $0xAF, v49;
	v5 =	vmin.f32 v5, $1.750000000e+02;
	v10 =	vmax.f32 v10, $0.0e+00  }
0x49: {  	[tilespmem:$0x110] =	vst v16;
	v53 =	vadd.s32 v48, v11;
	v6 =	vadd.s32 v6, v14;
	v10 =	vmin.f32 v10, $1.990000000e+02  }
0x4a: {  	[tilespmem:$0x120] =	vst v52;
	v47 =	vadd.s32 v13, v14;
	v4 =	vmul.u32 $0xC8, v4;
	v51 =	vtrunc.f32 v10  }
0x4b: {  	[tilespmem:$0x280] =	vst v8;
	v5 =	vtrunc.f32 v5;
	v55 =	vshll.u32 v50, $0x1;
	v8 =	vcvt.f32.s32 v51  }
0x4c: {  	[tilespmem:$0x190] =	vst v7;
	v5 =	vcvt.f32.s32 v5;
	v56 =	vand.u32 $0x7, v50;
	v11 =	vand.u32 $0xFFFFFFF0, v55  }
0x4d: {  	[tilespmem:$0x1A0] =	vst v53;
	v9 =	vadd.s32 v9, v4;
	v57 =	vor.u32 v56, v11;
	v54 =	vadd.s32 $0x1, v8  }
0x4e: {  	[tilespmem:$0x210] =	vst v6;
	v58 =	vadd.s32 $0x1, v5;
	v5 =	vmul.u32 $0xC8, v5;
	vm1 =	vlt.s32 v54, $0xC7  }
0x4f: {  	[tilespmem:$0x290] =	vst v47;
	v59 =	vperm.xlane v57, v0;
	v6 =	vnsel vm1, $0xC7, v54;
	vm1 =	vlt.s32 v58, $0xAF  }
0x50: {  	v4 =	vadd.s32 v48, v4;
	[tilespmem:$0x220] =	vst v9;
	v62 =	vperm.xlane v57, v3;
	v60 =	vnsel vm1, $0xAF, v58  }
0x51: {  	[tilespmem:$0x2A0] =	vst v4;
	v7 =	vadd.s32 v2, v59;
	v61 =	vadd.s32 v8, v5;
	v4 =	vmul.u32 $0xC8, v60  }
0x52: {  	[tilespmem:$0x130] =	vst v61;
	v5 =	vadd.s32 v6, v5  }
0x53: {  	v63 =	vadd.s32 v2, v62;
	[tilespmem:$0x1B0] =	vst v5;
	v5 =	vadd.s32 v8, v4  }
0x54: {  	v4 =	vadd.s32 v6, v4;
	[tilespmem:$0x230] =	vst v5  }
0x55: {  	[tilespmem:$0x2B0] =	vst v4  }
0x56: {  	[tilespmem:s6], [sflag:$0x1] =	stream.indirect_vreg.gather [hbm4b:s1+s3], $0x80, v7, vm0, $0xb8;
	[tilespmem:$0x10300] =	vst v63  }
0x57: {  	s8 =	rddreg [dreg:$0xb]  }
0x58: {  	[tilespmem:s8], [sflag:$0x1] =	stream.indirect_vreg.gather [hbm4b:s1+s3], $0x80, v63, vm0, $0xb8;
	[tilespmem:$0x10300] =	vst v63  }
0x59: {  	v4 =	vld [tilespmem:$0x110];
	_ =	sdelay $0x4  }
0x5a: {  	v5 =	vshll.u32 v4, $0x1  }
0x5b: {  	v4 =	vand.u32 $0x7, v4;
	v5 =	vand.u32 $0xFFFFFFF0, v5  }
0x5c: {  	v4 =	vor.u32 v4, v5  }
0x5d: {  	v5 =	vperm.xlane v4, v0;
	_ =	sdelay $0x1  }
0x5e: {  	v4 =	vperm.xlane v4, v3;
	v5 =	vadd.s32 v2, v5;
	_ =	sdelay $0x1  }
0x5f: {  	v4 =	vadd.s32 v2, v4;
	_ =	sdelay $0x1  }
0x60: {  	s0 =	rddreg [dreg:$0xc]  }
0x61: {  	[tilespmem:s0], [sflag:$0x1] =	stream.indirect_vreg.gather [hbm4b:s1+s3], $0x80, v5, vm0, $0xb8;
	[tilespmem:$0x10300] =	vst v63  }
0x62: {  	s8 =	rddreg [dreg:$0xd]  }
0x63: {  	[tilespmem:s8], [sflag:$0x1] =	stream.indirect_vreg.gather [hbm4b:s1+s3], $0x80, v4, vm0, $0xb8;
	[tilespmem:$0x10300] =	vst v63  }
0x64: {  	v4 =	vld [tilespmem:$0x120];
	_ =	sdelay $0x4  }
0x65: {  	v5 =	vshll.u32 v4, $0x1  }
0x66: {  	v4 =	vand.u32 $0x7, v4;
	v5 =	vand.u32 $0xFFFFFFF0, v5  }
0x67: {  	v4 =	vor.u32 v4, v5  }
0x68: {  	v5 =	vperm.xlane v4, v0;
	_ =	sdelay $0x1  }
0x69: {  	v4 =	vperm.xlane v4, v3;
	v5 =	vadd.s32 v2, v5;
	_ =	sdelay $0x1  }
0x6a: {  	v4 =	vadd.s32 v2, v4;
	_ =	sdelay $0x1  }
0x6b: {  	s0 =	rddreg [dreg:$0xe]  }
0x6c: {  	[tilespmem:s0], [sflag:$0x1] =	stream.indirect_vreg.gather [hbm4b:s1+s3], $0x80, v5, vm0, $0xb8;
	[tilespmem:$0x10300] =	vst v63  }
0x6d: {  	s8 =	rddreg [dreg:$0xf]  }
0x6e: {  	[tilespmem:s8], [sflag:$0x1] =	stream.indirect_vreg.gather [hbm4b:s1+s3], $0x80, v4, vm0, $0xb8;
	[tilespmem:$0x10300] =	vst v63  }
0x6f: {  	v4 =	vld [tilespmem:$0x130];
	_ =	sdelay $0x4  }
0x70: {  	v5 =	vshll.u32 v4, $0x1  }
0x71: {  	v4 =	vand.u32 $0x7, v4;
	v5 =	vand.u32 $0xFFFFFFF0, v5  }
0x72: {  	v4 =	vor.u32 v4, v5  }
0x73: {  	v5 =	vperm.xlane v4, v0;
	_ =	sdelay $0x1  }
0x74: {  	v4 =	vperm.xlane v4, v3;
	v5 =	vadd.s32 v2, v5;
	_ =	sdelay $0x1  }
0x75: {  	v4 =	vadd.s32 v2, v4;
	_ =	sdelay $0x1  }
0x76: {  	s0 =	rddreg [dreg:$0x10]  }
0x77: {  	[tilespmem:s0], [sflag:$0x1] =	stream.indirect_vreg.gather [hbm4b:s1+s3], $0x80, v5, vm0, $0xb8;
	[tilespmem:$0x10300] =	vst v63  }
0x78: {  	s8 =	rddreg [dreg:$0x11]  }
0x79: {  	[tilespmem:s8], [sflag:$0x1] =	stream.indirect_vreg.gather [hbm4b:s1+s3], $0x80, v4, vm0, $0xb8;
	[tilespmem:$0x10300] =	vst v63  }
0x7a: {  	v4 =	vld [tilespmem:$0x180];
	_ =	sdelay $0x4  }
0x7b: {  	v5 =	vshll.u32 v4, $0x1  }
0x7c: {  	v4 =	vand.u32 $0x7, v4;
	v5 =	vand.u32 $0xFFFFFFF0, v5  }
0x7d: {  	v4 =	vor.u32 v4, v5  }
0x7e: {  	v5 =	vperm.xlane v4, v0;
	_ =	sdelay $0x1  }
0x7f: {  	v4 =	vperm.xlane v4, v3;
	v5 =	vadd.s32 v2, v5;
	_ =	sdelay $0x1  }
0x80: {  	v4 =	vadd.s32 v2, v4;
	_ =	sdelay $0x2  }
0x81: {  	[tilespmem:s7], [sflag:$0x1] =	stream.indirect_vreg.gather [hbm4b:s1+s3], $0x80, v5, vm0, $0xb8;
	[tilespmem:$0x10300] =	vst v63  }
0x82: {  	s8 =	simm.s32 $0x4B00  }
0x83: {  	[tilespmem:s8], [sflag:$0x1] =	stream.indirect_vreg.gather [hbm4b:s1+s3], $0x80, v4, vm0, $0xb8;
	[tilespmem:$0x10300] =	vst v63  }
0x84: {  	v4 =	vld [tilespmem:$0x190];
	_ =	sdelay $0x4  }
0x85: {  	v5 =	vshll.u32 v4, $0x1  }
0x86: {  	v4 =	vand.u32 $0x7, v4;
	v5 =	vand.u32 $0xFFFFFFF0, v5  }
0x87: {  	v4 =	vor.u32 v4, v5  }
0x88: {  	v5 =	vperm.xlane v4, v0;
	_ =	sdelay $0x1  }
0x89: {  	v4 =	vperm.xlane v4, v3;
	v5 =	vadd.s32 v2, v5;
	_ =	sdelay $0x1  }
0x8a: {  	v4 =	vadd.s32 v2, v4;
	_ =	sdelay $0x2  }
0x8b: {  	[tilespmem:s9], [sflag:$0x1] =	stream.indirect_vreg.gather [hbm4b:s1+s3], $0x80, v5, vm0, $0xb8;
	[tilespmem:$0x10300] =	vst v63  }
0x8c: {  	_ = 	snop  }
0x8d: {  	[tilespmem:s10], [sflag:$0x1] =	stream.indirect_vreg.gather [hbm4b:s1+s3], $0x80, v4, vm0, $0xb8;
	[tilespmem:$0x10300] =	vst v63  }
0x8e: {  	v4 =	vld [tilespmem:$0x1A0];
	_ =	sdelay $0x4  }
0x8f: {  	v5 =	vshll.u32 v4, $0x1  }
0x90: {  	v4 =	vand.u32 $0x7, v4;
	v5 =	vand.u32 $0xFFFFFFF0, v5  }
0x91: {  	v4 =	vor.u32 v4, v5  }
0x92: {  	v5 =	vperm.xlane v4, v0;
	_ =	sdelay $0x1  }
0x93: {  	v4 =	vperm.xlane v4, v3;
	v5 =	vadd.s32 v2, v5;
	_ =	sdelay $0x1  }
0x94: {  	v4 =	vadd.s32 v2, v4;
	_ =	sdelay $0x2  }
0x95: {  	[tilespmem:s11], [sflag:$0x1] =	stream.indirect_vreg.gather [hbm4b:s1+s3], $0x80, v5, vm0, $0xb8;
	[tilespmem:$0x10300] =	vst v63  }
0x96: {  	_ = 	snop  }
0x97: {  	[tilespmem:s12], [sflag:$0x1] =	stream.indirect_vreg.gather [hbm4b:s1+s3], $0x80, v4, vm0, $0xb8;
	[tilespmem:$0x10300] =	vst v63  }
0x98: {  	v4 =	vld [tilespmem:$0x1B0];
	_ =	sdelay $0x4  }
0x99: {  	v5 =	vshll.u32 v4, $0x1  }
0x9a: {  	v4 =	vand.u32 $0x7, v4;
	v5 =	vand.u32 $0xFFFFFFF0, v5  }
0x9b: {  	v4 =	vor.u32 v4, v5  }
0x9c: {  	v5 =	vperm.xlane v4, v0;
	_ =	sdelay $0x1  }
0x9d: {  	v4 =	vperm.xlane v4, v3;
	v5 =	vadd.s32 v2, v5;
	_ =	sdelay $0x1  }
0x9e: {  	v4 =	vadd.s32 v2, v4;
	_ =	sdelay $0x2  }
0x9f: {  	[tilespmem:s13], [sflag:$0x1] =	stream.indirect_vreg.gather [hbm4b:s1+s3], $0x80, v5, vm0, $0xb8;
	[tilespmem:$0x10300] =	vst v63  }
0xa0: {  	_ = 	snop  }
0xa1: {  	[tilespmem:s14], [sflag:$0x1] =	stream.indirect_vreg.gather [hbm4b:s1+s3], $0x80, v4, vm0, $0xb8;
	[tilespmem:$0x10300] =	vst v63  }
0xa2: {  	v4 =	vld [tilespmem:$0x200];
	_ =	sdelay $0x4  }
0xa3: {  	v5 =	vshll.u32 v4, $0x1  }
0xa4: {  	v4 =	vand.u32 $0x7, v4;
	v5 =	vand.u32 $0xFFFFFFF0, v5  }
0xa5: {  	v4 =	vor.u32 v4, v5  }
0xa6: {  	v5 =	vperm.xlane v4, v0;
	_ =	sdelay $0x1  }
0xa7: {  	v4 =	vperm.xlane v4, v3;
	v5 =	vadd.s32 v2, v5;
	_ =	sdelay $0x1  }
0xa8: {  	v4 =	vadd.s32 v2, v4;
	_ =	sdelay $0x2  }
0xa9: {  	[tilespmem:s15], [sflag:$0x1] =	stream.indirect_vreg.gather [hbm4b:s1+s3], $0x80, v5, vm0, $0xb8;
	[tilespmem:$0x10300] =	vst v63  }
0xaa: {  	_ = 	snop  }
0xab: {  	[tilespmem:s16], [sflag:$0x1] =	stream.indirect_vreg.gather [hbm4b:s1+s3], $0x80, v4, vm0, $0xb8;
	[tilespmem:$0x10300] =	vst v63  }
0xac: {  	v4 =	vld [tilespmem:$0x210];
	_ =	sdelay $0x4  }
0xad: {  	v5 =	vshll.u32 v4, $0x1  }
0xae: {  	v4 =	vand.u32 $0x7, v4;
	v5 =	vand.u32 $0xFFFFFFF0, v5  }
0xaf: {  	v4 =	vor.u32 v4, v5  }
0xb0: {  	v5 =	vperm.xlane v4, v0;
	_ =	sdelay $0x1  }
0xb1: {  	v4 =	vperm.xlane v4, v3;
	v5 =	vadd.s32 v2, v5;
	_ =	sdelay $0x1  }
0xb2: {  	v4 =	vadd.s32 v2, v4;
	_ =	sdelay $0x2  }
0xb3: {  	[tilespmem:s17], [sflag:$0x1] =	stream.indirect_vreg.gather [hbm4b:s1+s3], $0x80, v5, vm0, $0xb8;
	[tilespmem:$0x10300] =	vst v63  }
0xb4: {  	_ = 	snop  }
0xb5: {  	[tilespmem:s18], [sflag:$0x1] =	stream.indirect_vreg.gather [hbm4b:s1+s3], $0x80, v4, vm0, $0xb8;
	[tilespmem:$0x10300] =	vst v63  }
0xb6: {  	v4 =	vld [tilespmem:$0x220];
	_ =	sdelay $0x4  }
0xb7: {  	v5 =	vshll.u32 v4, $0x1  }
0xb8: {  	v4 =	vand.u32 $0x7, v4;
	v5 =	vand.u32 $0xFFFFFFF0, v5  }
0xb9: {  	v4 =	vor.u32 v4, v5  }
0xba: {  	v5 =	vperm.xlane v4, v0;
	_ =	sdelay $0x1  }
0xbb: {  	v4 =	vperm.xlane v4, v3;
	v5 =	vadd.s32 v2, v5;
	_ =	sdelay $0x1  }
0xbc: {  	v4 =	vadd.s32 v2, v4;
	_ =	sdelay $0x2  }
0xbd: {  	[tilespmem:s19], [sflag:$0x1] =	stream.indirect_vreg.gather [hbm4b:s1+s3], $0x80, v5, vm0, $0xb8;
	[tilespmem:$0x10300] =	vst v63  }
0xbe: {  	_ = 	snop  }
0xbf: {  	[tilespmem:s20], [sflag:$0x1] =	stream.indirect_vreg.gather [hbm4b:s1+s3], $0x80, v4, vm0, $0xb8;
	[tilespmem:$0x10300] =	vst v63  }
0xc0: {  	v4 =	vld [tilespmem:$0x230];
	_ =	sdelay $0x4  }
0xc1: {  	v5 =	vshll.u32 v4, $0x1  }
0xc2: {  	v4 =	vand.u32 $0x7, v4;
	v5 =	vand.u32 $0xFFFFFFF0, v5  }
0xc3: {  	v4 =	vor.u32 v4, v5  }
0xc4: {  	v5 =	vperm.xlane v4, v0;
	_ =	sdelay $0x1  }
0xc5: {  	v4 =	vperm.xlane v4, v3;
	v5 =	vadd.s32 v2, v5;
	_ =	sdelay $0x1  }
0xc6: {  	v4 =	vadd.s32 v2, v4;
	_ =	sdelay $0x2  }
0xc7: {  	[tilespmem:s21], [sflag:$0x1] =	stream.indirect_vreg.gather [hbm4b:s1+s3], $0x80, v5, vm0, $0xb8;
	[tilespmem:$0x10300] =	vst v63  }
0xc8: {  	_ = 	snop  }
0xc9: {  	[tilespmem:s22], [sflag:$0x1] =	stream.indirect_vreg.gather [hbm4b:s1+s3], $0x80, v4, vm0, $0xb8;
	[tilespmem:$0x10300] =	vst v63  }
0xca: {  	v4 =	vld [tilespmem:$0x280];
	_ =	sdelay $0x4  }
0xcb: {  	v5 =	vshll.u32 v4, $0x1  }
0xcc: {  	v4 =	vand.u32 $0x7, v4;
	v5 =	vand.u32 $0xFFFFFFF0, v5  }
0xcd: {  	v4 =	vor.u32 v4, v5  }
0xce: {  	v5 =	vperm.xlane v4, v0;
	_ =	sdelay $0x1  }
0xcf: {  	v4 =	vperm.xlane v4, v3;
	v5 =	vadd.s32 v2, v5;
	_ =	sdelay $0x1  }
0xd0: {  	v4 =	vadd.s32 v2, v4;
	_ =	sdelay $0x2  }
0xd1: {  	[tilespmem:s23], [sflag:$0x1] =	stream.indirect_vreg.gather [hbm4b:s1+s3], $0x80, v5, vm0, $0xb8;
	[tilespmem:$0x10300] =	vst v63  }
0xd2: {  	_ = 	snop  }
0xd3: {  	[tilespmem:s24], [sflag:$0x1] =	stream.indirect_vreg.gather [hbm4b:s1+s3], $0x80, v4, vm0, $0xb8;
	[tilespmem:$0x10300] =	vst v63  }
0xd4: {  	v4 =	vld [tilespmem:$0x290];
	_ =	sdelay $0x4  }
0xd5: {  	v5 =	vshll.u32 v4, $0x1  }
0xd6: {  	v4 =	vand.u32 $0x7, v4;
	v5 =	vand.u32 $0xFFFFFFF0, v5  }
0xd7: {  	v4 =	vor.u32 v4, v5  }
0xd8: {  	v5 =	vperm.xlane v4, v0;
	_ =	sdelay $0x1  }
0xd9: {  	v4 =	vperm.xlane v4, v3;
	v5 =	vadd.s32 v2, v5;
	_ =	sdelay $0x1  }
0xda: {  	v4 =	vadd.s32 v2, v4;
	_ =	sdelay $0x2  }
0xdb: {  	[tilespmem:s25], [sflag:$0x1] =	stream.indirect_vreg.gather [hbm4b:s1+s3], $0x80, v5, vm0, $0xb8;
	[tilespmem:$0x10300] =	vst v63  }
0xdc: {  	_ = 	snop  }
0xdd: {  	[tilespmem:s26], [sflag:$0x1] =	stream.indirect_vreg.gather [hbm4b:s1+s3], $0x80, v4, vm0, $0xb8;
	[tilespmem:$0x10300] =	vst v63  }
0xde: {  	v4 =	vld [tilespmem:$0x2A0];
	_ =	sdelay $0x4  }
0xdf: {  	v5 =	vshll.u32 v4, $0x1  }
0xe0: {  	v4 =	vand.u32 $0x7, v4;
	v5 =	vand.u32 $0xFFFFFFF0, v5  }
0xe1: {  	v4 =	vor.u32 v4, v5  }
0xe2: {  	v5 =	vperm.xlane v4, v0;
	_ =	sdelay $0x1  }
0xe3: {  	v4 =	vperm.xlane v4, v3;
	v5 =	vadd.s32 v2, v5;
	_ =	sdelay $0x1  }
0xe4: {  	v4 =	vadd.s32 v2, v4;
	_ =	sdelay $0x2  }
0xe5: {  	[tilespmem:s28], [sflag:$0x1] =	stream.indirect_vreg.gather [hbm4b:s1+s3], $0x80, v5, vm0, $0xb8;
	[tilespmem:$0x10300] =	vst v63  }
0xe6: {  	_ = 	snop  }
0xe7: {  	[tilespmem:s29], [sflag:$0x1] =	stream.indirect_vreg.gather [hbm4b:s1+s3], $0x80, v4, vm0, $0xb8;
	[tilespmem:$0x10300] =	vst v63  }
0xe8: {  	v4 =	vld [tilespmem:$0x2B0];
	_ =	sdelay $0x4  }
0xe9: {  	v5 =	vshll.u32 v4, $0x1  }
0xea: {  	v4 =	vand.u32 $0x7, v4;
	v5 =	vand.u32 $0xFFFFFFF0, v5  }
0xeb: {  	v4 =	vor.u32 v4, v5  }
0xec: {  	v5 =	vperm.xlane v4, v0;
	_ =	sdelay $0x1  }
0xed: {  	v4 =	vperm.xlane v4, v3;
	v5 =	vadd.s32 v2, v5;
	_ =	sdelay $0x1  }
0xee: {  	v4 =	vadd.s32 v2, v4;
	_ =	sdelay $0x2  }
0xef: {  	[tilespmem:s30], [sflag:$0x1] =	stream.indirect_vreg.gather [hbm4b:s1+s3], $0x80, v5, vm0, $0xb8;
	[tilespmem:$0x10300] =	vst v63  }
0xf0: {  	_ = 	snop  }
0xf1: {  	[tilespmem:s31], [sflag:$0x1] =	stream.indirect_vreg.gather [hbm4b:s1+s3], $0x80, v4, vm0, $0xb8;
	[tilespmem:$0x10300] =	vst v63  }
0xf2: {  	_ =	swait.ge [sflag:s2], $0x4000  }
0xf3: {  	[sflag:s2] =	ssyncset.done $0x0  }
0xf4: {  	[sflag:s2] =	ssyncadd.s32 $0xFFFFC000  }
0xf5: {  	_ =	swait.ge [sflag:s2], $0x4000  }
0xf6: {  	[sflag:s2] =	ssyncset.done $0x0  }
0xf7: {  	[sflag:s2] =	ssyncadd.s32 $0xFFFFC000  }
0xf8: {  	_ =	swait.ge [sflag:s2], $0x4000  }
0xf9: {  	[sflag:s2] =	ssyncset.done $0x0  }
0xfa: {  	[sflag:s2] =	ssyncadd.s32 $0xFFFFC000  }
0xfb: {  	_ =	swait.ge [sflag:s2], $0x4000  }
0xfc: {  	[sflag:s2] =	ssyncset.done $0x0  }
0xfd: {  	s8 =	rddreg [dreg:$0x6];
	[sflag:s2] =	ssyncadd.s32 $0xFFFFC000  }
0xfe: {  	[hbm4b:s8+s3] =	stream.linear.scatter [tilespmem:s6], [sflag:$0x2], $0x4000, $0x38;
	[tilespmem:$0x10300] =	vst v63  }
0xff: {  	_ =	swait.ge [sflag:s5], $0x4000  }
0x100: {  	[sflag:s5] =	ssyncset.done $0x0  }
0x101: {  	s8 =	rddreg [dreg:$0x7];
	[sflag:s5] =	ssyncadd.s32 $0xFFFFC000  }
0x102: {  	[hbm4b:s8+s3] =	stream.linear.scatter [tilespmem:s7], [sflag:$0x2], $0x4000, $0x38;
	[tilespmem:$0x10300] =	vst v63  }
0x103: {  	_ =	swait.ge [sflag:s5], $0x4000  }
0x104: {  	[sflag:s5] =	ssyncset.done $0x0  }
0x105: {  	s8 =	rddreg [dreg:$0x8];
	[sflag:s5] =	ssyncadd.s32 $0xFFFFC000  }
0x106: {  	[hbm4b:s8+s3] =	stream.linear.scatter [tilespmem:s15], [sflag:$0x2], $0x4000, $0x38;
	[tilespmem:$0x10300] =	vst v63  }
0x107: {  	_ =	swait.ge [sflag:s5], $0x4000  }
0x108: {  	p0 =	sne.s32 s4, $0x1;
	[sflag:s5] =	ssyncset.done $0x0  }
.Ltmp0:
0x109: {  	s8 =	rddreg [dreg:$0x9];
	[sflag:s5] =	ssyncadd.s32 $0xFFFFC000;
	(pc) =	sbr.rel @p0 .LBB2_1-.Ltmp0, $4  }
0x10a: {  	[hbm4b:s8+s3] =	stream.linear.scatter [tilespmem:s23], [sflag:$0x2], $0x4000, $0x38;
	[tilespmem:$0x10300] =	vst v63  }
0x10b: {  	_ =	swait.ge [sflag:s5], $0x4000  }
0x10c: {  	[sflag:s5] =	ssyncset.done $0x0  }
0x10d: {  	s4 =	sadd.s32 $0xFFFFFFFF, s4;
	[sflag:s5] =	ssyncadd.s32 $0xFFFFC000  }
0x10e: {  	_ =	sfence.sel $0x180000  }
0x10f: {  	[bflag:$0x0] =	sbarrier.arrive $0xFFFF  }
0x110: {  	_ =	strace $0x9000004A  }
0x111: {  	s0 =	stileid.u32;
	[bflag:$0x2] =	sbarrier.arrive $0xFFFF  }
0x112: {  	p0 =	sne.s32 s0, $0x0;
	s0 =	rddreg [dreg:$0x3]  }
0x113: {  	s0 =	sadd.s32 @!p0 $0x100000, s0  }
0x114: {  	[sflag:s0] =	ssyncadd.tile.s32 @!p0 $0x1;
	_ =	shalt  }
.Lfunc_end2:
_tile_overlayer_lowered:
.L_overlay_start_2:
0x115: {  	(tag) =	ssettag $0x2  }
0x116: {  	s0 =	rddreg [dreg:$0x0];
	s2 =	stileid.u32  }
0x117: {  	s1 =	rddreg [dreg:$0x1];
	p0 =	sne.s32 s2, $0x0  }
0x118: {  	s3 =	rddreg [dreg:$0x2];
	[bflag:$0x3] =	sbarrier.arrive $0xFFFF;
	s2 =	simm.s32 @!p0 $0x1C02  }
0x119: {  	[timem:s3], [sflag:s2] =	dma.local @!p0 [hbm:s0], s1  }
0x11a: {  	s0 =	simm.s32 @!p0 $0x2  }
0x11b: {  	_ =	swait.ge @!p0 [sflag:s0], s1  }
0x11c: {  	s1 =	ssub.s32 @!p0 $0x0, s1;
	[sflag:s0] =	ssyncset.done @!p0 $0x0  }
0x11d: {  	[sflag:s0] =	ssyncadd.s32 @!p0 s1  }
0x11e: {  	[bflag:$0x3] =	sbarrier.arrive $0xFFFF  }
0x11f: {  	_ =	shalt  }

// kernel: kernel.8.cloned.1.call-start
scs
__scs_entry_jumppad:
0x0: {  	(pc) =	sbr.rel $0x88, $3  }
0x1: {  	(tag) =	ssettag $0x0;
	lr =	simm.s32 $0x1  }
0x2: {  	[smem:$0x3F9B] =	sst lr;
	_ =	strace $0xD0000000  }
0x3: {  	_ = 	snop  }
0x4: {  	_ = 	snop  }
0x5: {  	_ = 	snop  }
0x6: {  	_ = 	snop  }
0x7: {  	_ = 	snop  }
__scs_overlays_trampoline_lowered:
0x8: {  	[smem:$0x3FAA] =	sst s0  }
0x9: {  	[smem:$0x3FAB] =	sst s1  }
0xa: {  	[smem:$0x3FAC] =	sst s2  }
0xb: {  	[smem:$0x3FAD] =	sst s3  }
0xc: {  	[smem:$0x3FAE] =	sst s4  }
0xd: {  	[smem:$0x3FAF] =	sst s5  }
0xe: {  	[smem:$0x3FB0] =	sst s6  }
0xf: {  	[smem:$0x3FB1] =	sst s7  }
0x10: {  	[smem:$0x3FB2] =	sst s8  }
0x11: {  	[smem:$0x3FB3] =	sst s9;
	s0 =	simm.s32 @!p0 $0x0  }
0x12: {  	s1 =	sld [smem:$0x3F99];
	s0 =	simm.s32 @p0 $0x1  }
0x13: {  	[smem:$0x3FB4] =	sst s0;
	s0 =	simm.s32 @!p1 $0x0  }
0x14: {  	s2 =	sld [smem:$0x3F98];
	s0 =	simm.s32 @p1 $0x1  }
0x15: {  	[smem:$0x3FB5] =	sst s0;
	s0 =	simm.s32 @!p2 $0x0  }
0x16: {  	s3 =	sld [smem:$0x3FDB];
	s0 =	simm.s32 @p2 $0x1  }
0x17: {  	s4 =	simm.s32 $0x1BF5;
	[smem:$0x3FB7] =	sst s0  }
0x18: {  	s0 =	sld [smem:$0x3F9A];
	_ =	swait.ge [sflag:s4], $0x0  }
0x19: {  	s7 =	sld [smem:$0x3F9B]  }
0x1a: {  	s8 =	sadd.s32 $0xFFFFE003, lr  }
0x1b: {  	s9 =	sadd.s32 $0xFFFFFEF7, lr;
	s5 =	simm.s32 $0xFFFFFFFF;
	p2 =	slt.u32 s8, $0xFFFFF086  }
0x1c: {  	p1 =	slt.u32 s9, $0xF7A;
	s5 =	simm.s32 @!p2 $0x0  }
0x1d: {  	s5 =	simm.s32 @p1 $0x1;
	p0 =	seq.s32 s7, s2  }
0x1e: {  	s7 =	smul.u32 @!p0 $0xF7A, s2;
	p2 =	seq.s32 @!p0 s5, $0x0  }
0x1f: {  	s9 =	smul.u32 $0xF7A, s1;
	s8 =	simm.s32 @!p0 $0x1BF5;
	p2 =	por !p2, p0  }
0x20: {  	[sflag:s8] =	ssyncset.s32 @!p0 $0xFFFFF086;
	s6 =	sadd.s32 @!p0 s3, s7;
	s7 =	simm.s32 @!p0 $0x108  }
0x21: {  	s3 =	sadd.s32 s3, s9;
	s6 =	sadd.s32 @!p0 $0x88, s6;
	s7 =	simm.s32 @p2 $0x1082  }
0x22: {  	[simem:s7], [sflag:s8] =	dma.local @!p0 [hbm:s6], $0xF7A  }
0x23: {  	s9 =	sor.u32 $0xD0000000, s2;
	s6 =	simm.s32 $0x108;
	_ =	swait.ge @!p0 [sflag:s8], $0x0  }
0x24: {  	s3 =	sadd.s32 $0x88, s3;
	s6 =	simm.s32 @!p1 $0x1082;
	[sflag:s4] =	ssyncset.s32 $0xFFFFF086  }
0x25: {  	[simem:s6], [sflag:s4] =	dma.local [hbm:s3], $0xF7A  }
0x26: {  	[smem:$0x3F9B] =	sst s1;
	(tag) =	ssettag s2;
	_ =	strace s9  }
0x27: {  	s1 =	sld [smem:$0x3FAB]  }
0x28: {  	s2 =	sld [smem:$0x3FAC]  }
0x29: {  	s4 =	sld [smem:$0x3FAE]  }
0x2a: {  	p0 =	seq.s32 s5, $0x0;
	s5 =	sld [smem:$0x3FAF]  }
0x2b: {  	s6 =	sld [smem:$0x3FB0]  }
0x2c: {  	s7 =	sld [smem:$0x3FB1]  }
0x2d: {  	s3 =	simm.s32 $0x108;
	s8 =	sld [smem:$0x3FB2]  }
0x2e: {  	s3 =	simm.s32 @!p0 $0x1082;
	s9 =	sld [smem:$0x3FB3]  }
0x2f: {  	lr =	sadd.s32 s0, s3;
	s0 =	sld [smem:$0x3FAA]  }
0x30: {  	s3 =	sld [smem:$0x3FAD]  }
0x31: {  	[smem:$0x3FB6] =	sst s10  }
0x32: {  	s10 =	sld [smem:$0x3FB4];
	_ =	sdelay $0x3  }
0x33: {  	p0 =	seq.s32 s10, $0x1;
	s10 =	sld [smem:$0x3FB6];
	_ =	sdelay $0x3  }
0x34: {  	[smem:$0x3FB6] =	sst s10  }
0x35: {  	s10 =	sld [smem:$0x3FB5];
	_ =	sdelay $0x3  }
0x36: {  	p1 =	seq.s32 s10, $0x1;
	s10 =	sld [smem:$0x3FB6];
	_ =	sdelay $0x3  }
0x37: {  	[smem:$0x3FB6] =	sst s10  }
0x38: {  	s10 =	sld [smem:$0x3FB7]  }
0x39: {  	_ = 	snop;
	(pc) =	sbr.ind lr, $3  }
0x3a: {  	_ = 	snop  }
0x3b: {  	_ = 	snop  }
0x3c: {  	p2 =	seq.s32 s10, $0x1;
	s10 =	sld [smem:$0x3FB6]  }
0x3d: {  	_ =	shalt  }
0x3e: {  	_ =	shalt  }
0x3f: {  	_ =	shalt  }
0x40: {  	_ =	shalt  }
0x41: {  	_ =	shalt  }
0x42: {  	_ =	shalt  }
0x43: {  	_ =	shalt  }
0x44: {  	_ =	shalt  }
0x45: {  	_ =	shalt  }
0x46: {  	_ =	shalt  }
0x47: {  	_ =	shalt  }
0x48: {  	_ =	shalt  }
0x49: {  	_ =	shalt  }
0x4a: {  	_ =	shalt  }
0x4b: {  	_ =	shalt  }
0x4c: {  	_ =	shalt  }
0x4d: {  	_ =	shalt  }
0x4e: {  	_ =	shalt  }
0x4f: {  	_ =	shalt  }
0x50: {  	_ =	shalt  }
0x51: {  	_ =	shalt  }
0x52: {  	_ =	shalt  }
0x53: {  	_ =	shalt  }
0x54: {  	_ =	shalt  }
0x55: {  	_ =	shalt  }
0x56: {  	_ =	shalt  }
0x57: {  	_ =	shalt  }
0x58: {  	_ =	shalt  }
0x59: {  	_ =	shalt  }
0x5a: {  	_ =	shalt  }
0x5b: {  	_ =	shalt  }
0x5c: {  	_ =	shalt  }
0x5d: {  	_ =	shalt  }
0x5e: {  	_ =	shalt  }
0x5f: {  	_ =	shalt  }
0x60: {  	_ =	shalt  }
0x61: {  	_ =	shalt  }
0x62: {  	_ =	shalt  }
0x63: {  	_ =	shalt  }
0x64: {  	_ =	shalt  }
0x65: {  	_ =	shalt  }
0x66: {  	_ =	shalt  }
0x67: {  	_ =	shalt  }
0x68: {  	_ =	shalt  }
0x69: {  	_ =	shalt  }
0x6a: {  	_ =	shalt  }
0x6b: {  	_ =	shalt  }
0x6c: {  	_ =	shalt  }
0x6d: {  	_ =	shalt  }
0x6e: {  	_ =	shalt  }
0x6f: {  	_ =	shalt  }
0x70: {  	_ =	shalt  }
0x71: {  	_ =	shalt  }
0x72: {  	_ =	shalt  }
0x73: {  	_ =	shalt  }
0x74: {  	_ =	shalt  }
0x75: {  	_ =	shalt  }
0x76: {  	_ =	shalt  }
0x77: {  	_ =	shalt  }
0x78: {  	_ =	shalt  }
0x79: {  	_ =	shalt  }
0x7a: {  	_ =	shalt  }
0x7b: {  	_ =	shalt  }
0x7c: {  	_ =	shalt  }
0x7d: {  	_ =	shalt  }
0x7e: {  	_ =	shalt  }
0x7f: {  	_ =	shalt  }
0x80: {  	_ =	shalt  }
0x81: {  	_ =	shalt  }
0x82: {  	_ =	shalt  }
0x83: {  	_ =	shalt  }
0x84: {  	_ =	shalt  }
0x85: {  	_ =	shalt  }
0x86: {  	_ =	shalt  }
0x87: {  	_ =	shalt  }
.Lfunc_end0:
.L_simem_size_0:
called_computation_lowered:
.L_overlay_start_0:
0x88: {  	s2 =	sld [smem:$0x3FD9]  }
0x89: {  	s3 =	sld [smem:$0x3FFE];
	_ =	sdelay $0x1  }
0x8a: {  	s1 =	srdreg.scid  }
0x8b: {  	s0 =	sand.u32 $0x1, s1  }
0x8c: {  	s16 =	sshll.u32 s0, $0xA;
	s2 =	sadd.s32 s3, s2  }
0x8d: {  	s2 =	sadd.s32 s2, s16  }
0x8e: {  	[smem:$0x3FC2] =	sst s2  }
0x8f: {  	_ = 	snop  }
0x90: {  	(tm) =	ssettm $0x1  }
0x91: {  	s17 =	sld [smem:$0x3FFB];
	_ =	sdelay $0x3  }
0x92: {  	_ =	strace s17  }
0x93: {  	s2 =	sld [smem:$0x3FFC];
	_ =	sdelay $0x3  }
0x94: {  	_ =	strace s2  }
0x95: {  	s2 =	sld [smem:$0x3FFD];
	_ =	sdelay $0x3  }
0x96: {  	_ =	strace s2  }
0x97: {  	_ =	strace $0x8FFFFFFF  }
0x98: {  	s18 =	sld [smem:$0x3FDB];
	_ =	sdelay $0x1  }
0x99: {  	s19 =	simm.s32 $_scs_section_size  }
0x9a: {  	s4 =	simm.s32 $_size__tile_overlayer_lowered;
	s5 =	simm.s32 $_tile_overlayer_lowered  }
0x9b: {  	s22 =	simm.s32 $0x1BFF;
	s21 =	sshll.u32 s5, $0x1;
	s2 =	sadd.s32 s19, s18  }
0x9c: {  	s6 =	simm.s32 $0x0;
	s20 =	sshll.u32 s4, $0x1;
	s4 =	sadd.s32 s21, s2  }
0x9d: {  	[timem:s6], [sflag:s22] =	dma.local [hbm:s4], s20  }
0x9e: {  	_ =	swait.ge [sflag:s22], s20  }
0x9f: {  	s3 =	ssub.s32 $0x0, s20;
	[sflag:s22] =	ssyncset.done $0x0  }
0xa0: {  	[sflag:s22] =	ssyncadd.s32 s3;
	_ =	sdelay $0x1  }
0xa1: {  	s23 =	simm.s32 $0x1B8B  }
0xa2: {  	_ =	swait.ge [sflag:s23], $0x1  }
0xa3: {  	[sflag:s23] =	ssyncset.done $0x0  }
0xa4: {  	s25 =	simm.s32 $0x1B8E;
	s24 =	sld [smem:$0x3FFE];
	[sflag:s23] =	ssyncadd.s32 $0xFFFFFFFF  }
0xa5: {  	s26 =	simm.s32 $execute0_lowered;
	[smem:$0x3FD2] =	sst s25  }
0xa6: {  	s4 =	sshll.u32 s26, $0x1;
	_ =	strace $0x80000046;
	[dreg:$0x1] =	wrdreg $0xFFFFFFFF  }
0xa7: {  	s28 =	simm.s32 $_size_execute0_lowered;
	s2 =	sadd.s32 s2, s4;
	[dreg:$0x0] =	wrdreg $0x0  }
0xa8: {  	s4 =	sshll.u32 s28, $0x1;
	[dreg:$0x2] =	wrdreg s2  }
0xa9: {  	[dreg:$0x3] =	wrdreg s4  }
0xaa: {  	[dreg:$0x4] =	wrdreg $0xC0  }
0xab: {  	_ =	task [dreg:s6], $0x5FFFF  }
0xac: {  	[dreg:$0x1] =	wrdreg $0xFFFFFFFF  }
0xad: {  	[dreg:$0x0] =	wrdreg $0x60  }
0xae: {  	[dreg:$0x2] =	wrdreg s24  }
0xaf: {  	[dreg:$0x3] =	wrdreg $0x9  }
0xb0: {  	_ =	task.clear_ibuf [dreg:s6], $0x4FFFF;
	_ =	strace $0x90000046  }
0xb1: {  	s29 =	simm.s32 $0x9;
	_ =	strace $0x80000048  }
0xb2: {  	_ =	swait.ge [sflag:s29], $0x1  }
0xb3: {  	[sflag:s29] =	ssyncadd.s32 $0xFFFFFFFF  }
0xb4: {  	_ =	strace $0x90000048  }
0xb5: {  	_ =	sfence  }
0xb6: {  	s30 =	sld [smem:$0x0];
	_ =	sdelay $0x2  }
0xb7: {  	s31 =	sshll.u32 s1, $0xD;
	s1 =	sshrl.u32 s1, $0x2  }
0xb8: {  	s3 =	sand.u32 $0x4000, s31;
	s1 =	sadd.s32 s1, s30  }
0xb9: {  	s0 =	sor.u32 s3, s0;
	s1 =	sshll.u32 s1, $0x11  }
0xba: {  	s0 =	sor.u32 s1, s0  }
0xbb: {  	s0 =	sadd.s32 $0x8F2B, s0  }
0xbc: {  	[sflag:s0] =	ssyncadd.remote.s32 $0x1  }
0xbd: {  	_ =	sfence.sel $0xFFFF  }
0xbe: {  	[dreg:$0x0] =	wrdreg $0xFFFFFFFF;
	(pc) =	sbr.abs _section_cstart, $3  }
0xbf: {  	[dreg:$0x1] =	wrdreg $0xFFFFFFFF  }
0xc0: {  	_ =	task.clear_ibuf [dreg:s6], $0x2FFFF;
	_ =	strace $0x9FFFFFFF  }
0xc1: {  	(tm) =	ssettm $0x7FFFFFFF  }
tec
execute0_lowered:
.L_overlay_start_1:
0x0: {  	(tag) =	ssettag $0x1  }
0x1: {  	s1 =	srdreg.scid  }
0x2: {  	s0 =	stileid.u32;
	s1 =	sand.u32 $0x1, s1  }
0x3: {  	s2 =	sshll.u32 s0, $0xC;
	s3 =	sshll.u32 s1, $0xB  }
0x4: {  	s3 =	sor.u32 s3, s2  }
0x5: {  	s4 =	rddreg [dreg:$0x0];
	s5 =	sshrl.u32 s3, $0x3  }
0x6: {  	s2 =	simm.s32 $0x0;
	s3 =	sshll.u32 s3, $0x4;
	s5 =	sadd.s32 s5, s4  }
0x7: {  	[smem:$0x7FF] =	sst s2;
	s31 =	sadd.s32 s3, s4;
	s16 =	sadd.s32 $0x4E800, s5  }
0x8: {  	_ =	strace $0x80000047;
	s17 =	sadd.s32 $0x50800, s31;
	[dreg:$0x2] =	wrdreg s16  }
0x9: {  	s18 =	sadd.s32 $0x51000, s31;
	[dreg:$0x3] =	wrdreg s17  }
0xa: {  	s19 =	sadd.s32 $0x51800, s31;
	[dreg:$0x4] =	wrdreg s18  }
0xb: {  	s20 =	sadd.s32 $0x52000, s31;
	[dreg:$0x5] =	wrdreg s19  }
0xc: {  	s21 =	sadd.s32 $0x52800, s31;
	[dreg:$0x6] =	wrdreg s20  }
0xd: {  	s22 =	sadd.s32 $0x53000, s31;
	[dreg:$0x7] =	wrdreg s21  }
0xe: {  	s23 =	sadd.s32 $0x53800, s31;
	[dreg:$0x8] =	wrdreg s22  }
0xf: {  	s24 =	sadd.s32 $0x54000, s31;
	[dreg:$0x9] =	wrdreg s23  }
0x10: {  	s26 =	sadd.s32 $0x54800, s31;
	[dreg:$0xa] =	wrdreg s24  }
0x11: {  	[dreg:$0xb] =	wrdreg s26  }
0x12: {  	s3 =	simm.s32 $0x3;
	s25 =	rddreg [dreg:$0x2]  }
0x13: {  	[tilespmem:s2], [sflag:$0x3] =	stream.linear.gather [hbm4b:s25+s2], $0x800, $0x38;
	[tilespmem:$0x8800] =	vst v63  }
0x14: {  	_ =	swait.ge [sflag:s3], $0x800  }
0x15: {  	s6 =	simm.s32 $0x800;
	[sflag:s3] =	ssyncset.done $0x0  }
0x16: {  	s4 =	sadd.s32 $0x600, s4;
	s5 =	simm.s32 $0x80;
	[sflag:s3] =	ssyncadd.s32 $0xFFFFF800  }
0x17: {  	[tilespmem:s6], [sflag:$0x1] =	stream.indirect.gather [hbm4b:s4+s5], $0x80, s2, s5, $0xb8;
	[tilespmem:$0x8800] =	vst v63  }
0x18: {  	s7 =	simm.s32 $0x4800;
	s8 =	simm.s32 $0x1  }
0x19: {  	[tilespmem:s7], [sflag:$0x2] =	stream.indirect.gather [hbm4b:s4+s5], $0x80, s5, s5, $0xb8;
	[tilespmem:$0x8800] =	vst v63  }
0x1a: {  	_ =	swait.ge [sflag:s8], $0x4000  }
0x1b: {  	[sflag:s8] =	ssyncset.done $0x0  }
0x1c: {  	s9 =	rddreg [dreg:$0x3];
	[sflag:s8] =	ssyncadd.s32 $0xFFFFC000  }
0x1d: {  	[hbm4b:s9+s2] =	stream.linear.scatter [tilespmem:s6], [sflag:$0x3], $0x4000, $0x38;
	[tilespmem:$0x8800] =	vst v63  }
0x1e: {  	_ =	swait.ge [sflag:s3], $0x4000  }
0x1f: {  	[sflag:s3] =	ssyncset.done $0x0  }
0x20: {  	s10 =	simm.s32 $0x2;
	s9 =	simm.s32 $0x100;
	[sflag:s3] =	ssyncadd.s32 $0xFFFFC000  }
0x21: {  	[tilespmem:s6], [sflag:$0x1] =	stream.indirect.gather [hbm4b:s4+s5], $0x80, s9, s5, $0xb8;
	[tilespmem:$0x8800] =	vst v63  }
0x22: {  	_ =	swait.ge [sflag:s10], $0x4000  }
0x23: {  	[sflag:s10] =	ssyncset.done $0x0  }
0x24: {  	s11 =	rddreg [dreg:$0x4];
	[sflag:s10] =	ssyncadd.s32 $0xFFFFC000  }
0x25: {  	[hbm4b:s11+s2] =	stream.linear.scatter [tilespmem:s7], [sflag:$0x3], $0x4000, $0x38;
	[tilespmem:$0x8800] =	vst v63  }
0x26: {  	_ =	swait.ge [sflag:s3], $0x4000  }
0x27: {  	[sflag:s3] =	ssyncset.done $0x0  }
0x28: {  	s11 =	simm.s32 $0x180;
	[sflag:s3] =	ssyncadd.s32 $0xFFFFC000  }
0x29: {  	[tilespmem:s7], [sflag:$0x2] =	stream.indirect.gather [hbm4b:s4+s5], $0x80, s11, s5, $0xb8;
	[tilespmem:$0x8800] =	vst v63  }
0x2a: {  	_ =	swait.ge [sflag:s8], $0x4000  }
0x2b: {  	[sflag:s8] =	ssyncset.done $0x0  }
0x2c: {  	s12 =	rddreg [dreg:$0x5];
	[sflag:s8] =	ssyncadd.s32 $0xFFFFC000  }
0x2d: {  	[hbm4b:s12+s2] =	stream.linear.scatter [tilespmem:s6], [sflag:$0x3], $0x4000, $0x38;
	[tilespmem:$0x8800] =	vst v63  }
0x2e: {  	_ =	swait.ge [sflag:s3], $0x4000  }
0x2f: {  	[sflag:s3] =	ssyncset.done $0x0  }
0x30: {  	s12 =	simm.s32 $0x200;
	[sflag:s3] =	ssyncadd.s32 $0xFFFFC000  }
0x31: {  	[tilespmem:s6], [sflag:$0x1] =	stream.indirect.gather [hbm4b:s4+s5], $0x80, s12, s5, $0xb8;
	[tilespmem:$0x8800] =	vst v63  }
0x32: {  	_ =	swait.ge [sflag:s10], $0x4000  }
0x33: {  	[sflag:s10] =	ssyncset.done $0x0  }
0x34: {  	s13 =	rddreg [dreg:$0x6];
	[sflag:s10] =	ssyncadd.s32 $0xFFFFC000  }
0x35: {  	[hbm4b:s13+s2] =	stream.linear.scatter [tilespmem:s7], [sflag:$0x3], $0x4000, $0x38;
	[tilespmem:$0x8800] =	vst v63  }
0x36: {  	_ =	swait.ge [sflag:s3], $0x4000  }
0x37: {  	[sflag:s3] =	ssyncset.done $0x0  }
0x38: {  	s13 =	simm.s32 $0x280;
	[sflag:s3] =	ssyncadd.s32 $0xFFFFC000  }
0x39: {  	[tilespmem:s7], [sflag:$0x2] =	stream.indirect.gather [hbm4b:s4+s5], $0x80, s13, s5, $0xb8;
	[tilespmem:$0x8800] =	vst v63  }
0x3a: {  	_ =	swait.ge [sflag:s8], $0x4000  }
0x3b: {  	[sflag:s8] =	ssyncset.done $0x0  }
0x3c: {  	s14 =	rddreg [dreg:$0x7];
	[sflag:s8] =	ssyncadd.s32 $0xFFFFC000  }
0x3d: {  	[hbm4b:s14+s2] =	stream.linear.scatter [tilespmem:s6], [sflag:$0x3], $0x4000, $0x38;
	[tilespmem:$0x8800] =	vst v63  }
0x3e: {  	_ =	swait.ge [sflag:s3], $0x4000  }
0x3f: {  	[sflag:s3] =	ssyncset.done $0x0  }
0x40: {  	s14 =	simm.s32 $0x300;
	[sflag:s3] =	ssyncadd.s32 $0xFFFFC000  }
0x41: {  	[tilespmem:s6], [sflag:$0x1] =	stream.indirect.gather [hbm4b:s4+s5], $0x80, s14, s5, $0xb8;
	[tilespmem:$0x8800] =	vst v63  }
0x42: {  	_ =	swait.ge [sflag:s10], $0x4000  }
0x43: {  	[sflag:s10] =	ssyncset.done $0x0  }
0x44: {  	s15 =	rddreg [dreg:$0x8];
	[sflag:s10] =	ssyncadd.s32 $0xFFFFC000  }
0x45: {  	[hbm4b:s15+s2] =	stream.linear.scatter [tilespmem:s7], [sflag:$0x3], $0x4000, $0x38;
	[tilespmem:$0x8800] =	vst v63  }
0x46: {  	_ =	swait.ge [sflag:s3], $0x4000  }
0x47: {  	[sflag:s3] =	ssyncset.done $0x0  }
0x48: {  	s15 =	simm.s32 $0x380;
	[sflag:s3] =	ssyncadd.s32 $0xFFFFC000  }
0x49: {  	[tilespmem:s7], [sflag:$0x2] =	stream.indirect.gather [hbm4b:s4+s5], $0x80, s15, s5, $0xb8;
	[tilespmem:$0x8800] =	vst v63  }
0x4a: {  	_ =	swait.ge [sflag:s8], $0x4000  }
0x4b: {  	[sflag:s8] =	ssyncset.done $0x0  }
0x4c: {  	s16 =	rddreg [dreg:$0x9];
	[sflag:s8] =	ssyncadd.s32 $0xFFFFC000  }
0x4d: {  	[hbm4b:s16+s2] =	stream.linear.scatter [tilespmem:s6], [sflag:$0x3], $0x4000, $0x38;
	[tilespmem:$0x8800] =	vst v63  }
0x4e: {  	_ =	swait.ge [sflag:s3], $0x4000  }
0x4f: {  	[sflag:s3] =	ssyncset.done $0x0  }
0x50: {  	s16 =	simm.s32 $0x400;
	[sflag:s3] =	ssyncadd.s32 $0xFFFFC000  }
0x51: {  	[tilespmem:s6], [sflag:$0x1] =	stream.indirect.gather [hbm4b:s4+s5], $0x80, s16, s5, $0xb8;
	[tilespmem:$0x8800] =	vst v63  }
0x52: {  	_ =	swait.ge [sflag:s10], $0x4000  }
0x53: {  	[sflag:s10] =	ssyncset.done $0x0  }
0x54: {  	s17 =	rddreg [dreg:$0xa];
	[sflag:s10] =	ssyncadd.s32 $0xFFFFC000  }
0x55: {  	[hbm4b:s17+s2] =	stream.linear.scatter [tilespmem:s7], [sflag:$0x3], $0x4000, $0x38;
	[tilespmem:$0x8800] =	vst v63  }
0x56: {  	_ =	swait.ge [sflag:s3], $0x4000  }
0x57: {  	[sflag:s3] =	ssyncset.done $0x0  }
0x58: {  	s17 =	simm.s32 $0x480;
	[sflag:s3] =	ssyncadd.s32 $0xFFFFC000  }
0x59: {  	[tilespmem:s7], [sflag:$0x2] =	stream.indirect.gather [hbm4b:s4+s5], $0x80, s17, s5, $0xb8;
	[tilespmem:$0x8800] =	vst v63  }
0x5a: {  	_ =	swait.ge [sflag:s8], $0x4000  }
0x5b: {  	[sflag:s8] =	ssyncset.done $0x0  }
0x5c: {  	s18 =	rddreg [dreg:$0xb];
	[sflag:s8] =	ssyncadd.s32 $0xFFFFC000  }
0x5d: {  	[hbm4b:s18+s2] =	stream.linear.scatter [tilespmem:s6], [sflag:$0x3], $0x4000, $0x38;
	[tilespmem:$0x8800] =	vst v63  }
0x5e: {  	_ =	swait.ge [sflag:s3], $0x4000  }
0x5f: {  	[sflag:s3] =	ssyncset.done $0x0  }
0x60: {  	s18 =	simm.s32 $0x500;
	[sflag:s3] =	ssyncadd.s32 $0xFFFFC000  }
0x61: {  	[tilespmem:s6], [sflag:$0x1] =	stream.indirect.gather [hbm4b:s4+s5], $0x80, s18, s5, $0xb8;
	[tilespmem:$0x8800] =	vst v63  }
0x62: {  	_ =	swait.ge [sflag:s10], $0x4000  }
0x63: {  	[sflag:s10] =	ssyncset.done $0x0  }
0x64: {  	s19 =	sadd.s32 $0x55000, s31;
	[sflag:s10] =	ssyncadd.s32 $0xFFFFC000  }
0x65: {  	[hbm4b:s19+s2] =	stream.linear.scatter [tilespmem:s7], [sflag:$0x3], $0x4000, $0x38;
	[tilespmem:$0x8800] =	vst v63  }
0x66: {  	_ =	swait.ge [sflag:s3], $0x4000  }
0x67: {  	[sflag:s3] =	ssyncset.done $0x0  }
0x68: {  	s20 =	simm.s32 $0x580;
	[sflag:s3] =	ssyncadd.s32 $0xFFFFC000  }
0x69: {  	[tilespmem:s7], [sflag:$0x2] =	stream.indirect.gather [hbm4b:s4+s5], $0x80, s20, s5, $0xb8;
	[tilespmem:$0x8800] =	vst v63  }
0x6a: {  	_ =	swait.ge [sflag:s8], $0x4000  }
0x6b: {  	[sflag:s8] =	ssyncset.done $0x0  }
0x6c: {  	s21 =	sadd.s32 $0x55800, s31;
	[sflag:s8] =	ssyncadd.s32 $0xFFFFC000  }
0x6d: {  	[hbm4b:s21+s2] =	stream.linear.scatter [tilespmem:s6], [sflag:$0x3], $0x4000, $0x38;
	[tilespmem:$0x8800] =	vst v63  }
0x6e: {  	_ =	swait.ge [sflag:s3], $0x4000  }
0x6f: {  	[sflag:s3] =	ssyncset.done $0x0  }
0x70: {  	s22 =	simm.s32 $0x600;
	[sflag:s3] =	ssyncadd.s32 $0xFFFFC000  }
0x71: {  	[tilespmem:s6], [sflag:$0x1] =	stream.indirect.gather [hbm4b:s4+s5], $0x80, s22, s5, $0xb8;
	[tilespmem:$0x8800] =	vst v63  }
0x72: {  	_ =	swait.ge [sflag:s10], $0x4000  }
0x73: {  	[sflag:s10] =	ssyncset.done $0x0  }
0x74: {  	s23 =	sadd.s32 $0x56000, s31;
	[sflag:s10] =	ssyncadd.s32 $0xFFFFC000  }
0x75: {  	[hbm4b:s23+s2] =	stream.linear.scatter [tilespmem:s7], [sflag:$0x3], $0x4000, $0x38;
	[tilespmem:$0x8800] =	vst v63  }
0x76: {  	_ =	swait.ge [sflag:s3], $0x4000  }
0x77: {  	[sflag:s3] =	ssyncset.done $0x0  }
0x78: {  	s24 =	simm.s32 $0x680;
	[sflag:s3] =	ssyncadd.s32 $0xFFFFC000  }
0x79: {  	[tilespmem:s7], [sflag:$0x2] =	stream.indirect.gather [hbm4b:s4+s5], $0x80, s24, s5, $0xb8;
	[tilespmem:$0x8800] =	vst v63  }
0x7a: {  	_ =	swait.ge [sflag:s8], $0x4000  }
0x7b: {  	[sflag:s8] =	ssyncset.done $0x0  }
0x7c: {  	s25 =	sadd.s32 $0x56800, s31;
	[sflag:s8] =	ssyncadd.s32 $0xFFFFC000  }
0x7d: {  	[hbm4b:s25+s2] =	stream.linear.scatter [tilespmem:s6], [sflag:$0x3], $0x4000, $0x38;
	[tilespmem:$0x8800] =	vst v63  }
0x7e: {  	_ =	swait.ge [sflag:s3], $0x4000  }
0x7f: {  	[sflag:s3] =	ssyncset.done $0x0  }
0x80: {  	s26 =	simm.s32 $0x700;
	[sflag:s3] =	ssyncadd.s32 $0xFFFFC000  }
0x81: {  	[tilespmem:s6], [sflag:$0x1] =	stream.indirect.gather [hbm4b:s4+s5], $0x80, s26, s5, $0xb8;
	[tilespmem:$0x8800] =	vst v63  }
0x82: {  	_ =	swait.ge [sflag:s10], $0x4000  }
0x83: {  	[sflag:s10] =	ssyncset.done $0x0  }
0x84: {  	s28 =	sadd.s32 $0x57000, s31;
	[sflag:s10] =	ssyncadd.s32 $0xFFFFC000  }
0x85: {  	[hbm4b:s28+s2] =	stream.linear.scatter [tilespmem:s7], [sflag:$0x3], $0x4000, $0x38;
	[tilespmem:$0x8800] =	vst v63  }
0x86: {  	_ =	swait.ge [sflag:s3], $0x4000  }
0x87: {  	[sflag:s3] =	ssyncset.done $0x0  }
0x88: {  	s29 =	simm.s32 $0x780;
	[sflag:s3] =	ssyncadd.s32 $0xFFFFC000  }
0x89: {  	[tilespmem:s7], [sflag:$0x2] =	stream.indirect.gather [hbm4b:s4+s5], $0x80, s29, s5, $0xb8;
	[tilespmem:$0x8800] =	vst v63  }
0x8a: {  	_ =	swait.ge [sflag:s8], $0x4000  }
0x8b: {  	s1 =	ssub.s32 $0x2, s1;
	[sflag:s8] =	ssyncset.done $0x0  }
0x8c: {  	s0 =	sshrl.u32 s1, $0x1;
	s30 =	sadd.s32 $0x57800, s31;
	[sflag:s8] =	ssyncadd.s32 $0xFFFFC000  }
0x8d: {  	[hbm4b:s30+s2] =	stream.linear.scatter [tilespmem:s6], [sflag:$0x3], $0x4000, $0x38;
	[tilespmem:$0x8800] =	vst v63  }
0x8e: {  	s0 =	ssub.s32 s1, s0;
	_ =	swait.ge [sflag:s3], $0x4000  }
0x8f: {  	s0 =	smax.u32 s0, $0x1;
	[sflag:s3] =	ssyncset.done $0x0  }
0x90: {  	p0 =	sne.s32 s0, $0x1;
	[sflag:s3] =	ssyncadd.s32 $0xFFFFC000  }
.Ltmp0:
0x91: {  	_ =	swait.ge [sflag:s10], $0x4000;
	(pc) =	sbr.rel @!p0 .LBB2_2-.Ltmp0, $4  }
0x92: {  	[sflag:s10] =	ssyncset.done $0x0  }
0x93: {  	s31 =	sadd.s32 $0x58000, s31;
	[sflag:s10] =	ssyncadd.s32 $0xFFFFC000  }
0x94: {  	[hbm4b:s31+s2] =	stream.linear.scatter [tilespmem:s7], [sflag:$0x3], $0x4000, $0x38;
	[tilespmem:$0x8800] =	vst v63  }
0x95: {  	s1 =	sadd.s32 $0xFFFFFFFF, s0;
	_ =	swait.ge [sflag:s3], $0x4000  }
.LBB2_1:
0x96: {  	[sflag:s3] =	ssyncset.done $0x0  }
0x97: {  	s0 =	rddreg [dreg:$0x2];
	[sflag:s3] =	ssyncadd.s32 $0xFFFFC000  }
0x98: {  	[tilespmem:s2], [sflag:$0x3] =	stream.linear.gather [hbm4b:s0+s2], $0x800, $0x38;
	[tilespmem:$0x8800] =	vst v63  }
0x99: {  	_ =	swait.ge [sflag:s3], $0x800  }
0x9a: {  	[sflag:s3] =	ssyncset.done $0x0  }
0x9b: {  	[sflag:s3] =	ssyncadd.s32 $0xFFFFF800  }
0x9c: {  	[tilespmem:s6], [sflag:$0x1] =	stream.indirect.gather [hbm4b:s4+s5], $0x80, s2, s5, $0xb8;
	[tilespmem:$0x8800] =	vst v63  }
0x9d: {  	_ = 	snop  }
0x9e: {  	[tilespmem:s7], [sflag:$0x2] =	stream.indirect.gather [hbm4b:s4+s5], $0x80, s5, s5, $0xb8;
	[tilespmem:$0x8800] =	vst v63  }
0x9f: {  	_ =	swait.ge [sflag:s8], $0x4000  }
0xa0: {  	[sflag:s8] =	ssyncset.done $0x0  }
0xa1: {  	s0 =	rddreg [dreg:$0x3];
	[sflag:s8] =	ssyncadd.s32 $0xFFFFC000  }
0xa2: {  	[hbm4b:s0+s2] =	stream.linear.scatter [tilespmem:s6], [sflag:$0x3], $0x4000, $0x38;
	[tilespmem:$0x8800] =	vst v63  }
0xa3: {  	_ =	swait.ge [sflag:s3], $0x4000  }
0xa4: {  	[sflag:s3] =	ssyncset.done $0x0  }
0xa5: {  	[sflag:s3] =	ssyncadd.s32 $0xFFFFC000  }
0xa6: {  	[tilespmem:s6], [sflag:$0x1] =	stream.indirect.gather [hbm4b:s4+s5], $0x80, s9, s5, $0xb8;
	[tilespmem:$0x8800] =	vst v63  }
0xa7: {  	_ =	swait.ge [sflag:s10], $0x4000  }
0xa8: {  	[sflag:s10] =	ssyncset.done $0x0  }
0xa9: {  	s0 =	rddreg [dreg:$0x4];
	[sflag:s10] =	ssyncadd.s32 $0xFFFFC000  }
0xaa: {  	[hbm4b:s0+s2] =	stream.linear.scatter [tilespmem:s7], [sflag:$0x3], $0x4000, $0x38;
	[tilespmem:$0x8800] =	vst v63  }
0xab: {  	_ =	swait.ge [sflag:s3], $0x4000  }
0xac: {  	[sflag:s3] =	ssyncset.done $0x0  }
0xad: {  	[sflag:s3] =	ssyncadd.s32 $0xFFFFC000  }
0xae: {  	[tilespmem:s7], [sflag:$0x2] =	stream.indirect.gather [hbm4b:s4+s5], $0x80, s11, s5, $0xb8;
	[tilespmem:$0x8800] =	vst v63  }
0xaf: {  	_ =	swait.ge [sflag:s8], $0x4000  }
0xb0: {  	[sflag:s8] =	ssyncset.done $0x0  }
0xb1: {  	s0 =	rddreg [dreg:$0x5];
	[sflag:s8] =	ssyncadd.s32 $0xFFFFC000  }
0xb2: {  	[hbm4b:s0+s2] =	stream.linear.scatter [tilespmem:s6], [sflag:$0x3], $0x4000, $0x38;
	[tilespmem:$0x8800] =	vst v63  }
0xb3: {  	_ =	swait.ge [sflag:s3], $0x4000  }
0xb4: {  	[sflag:s3] =	ssyncset.done $0x0  }
0xb5: {  	[sflag:s3] =	ssyncadd.s32 $0xFFFFC000  }
0xb6: {  	[tilespmem:s6], [sflag:$0x1] =	stream.indirect.gather [hbm4b:s4+s5], $0x80, s12, s5, $0xb8;
	[tilespmem:$0x8800] =	vst v63  }
0xb7: {  	_ =	swait.ge [sflag:s10], $0x4000  }
0xb8: {  	[sflag:s10] =	ssyncset.done $0x0  }
0xb9: {  	s0 =	rddreg [dreg:$0x6];
	[sflag:s10] =	ssyncadd.s32 $0xFFFFC000  }
0xba: {  	[hbm4b:s0+s2] =	stream.linear.scatter [tilespmem:s7], [sflag:$0x3], $0x4000, $0x38;
	[tilespmem:$0x8800] =	vst v63  }
0xbb: {  	_ =	swait.ge [sflag:s3], $0x4000  }
0xbc: {  	[sflag:s3] =	ssyncset.done $0x0  }
0xbd: {  	[sflag:s3] =	ssyncadd.s32 $0xFFFFC000  }
0xbe: {  	[tilespmem:s7], [sflag:$0x2] =	stream.indirect.gather [hbm4b:s4+s5], $0x80, s13, s5, $0xb8;
	[tilespmem:$0x8800] =	vst v63  }
0xbf: {  	_ =	swait.ge [sflag:s8], $0x4000  }
0xc0: {  	[sflag:s8] =	ssyncset.done $0x0  }
0xc1: {  	s0 =	rddreg [dreg:$0x7];
	[sflag:s8] =	ssyncadd.s32 $0xFFFFC000  }
0xc2: {  	[hbm4b:s0+s2] =	stream.linear.scatter [tilespmem:s6], [sflag:$0x3], $0x4000, $0x38;
	[tilespmem:$0x8800] =	vst v63  }
0xc3: {  	_ =	swait.ge [sflag:s3], $0x4000  }
0xc4: {  	[sflag:s3] =	ssyncset.done $0x0  }
0xc5: {  	[sflag:s3] =	ssyncadd.s32 $0xFFFFC000  }
0xc6: {  	[tilespmem:s6], [sflag:$0x1] =	stream.indirect.gather [hbm4b:s4+s5], $0x80, s14, s5, $0xb8;
	[tilespmem:$0x8800] =	vst v63  }
0xc7: {  	_ =	swait.ge [sflag:s10], $0x4000  }
0xc8: {  	[sflag:s10] =	ssyncset.done $0x0  }
0xc9: {  	s0 =	rddreg [dreg:$0x8];
	[sflag:s10] =	ssyncadd.s32 $0xFFFFC000  }
0xca: {  	[hbm4b:s0+s2] =	stream.linear.scatter [tilespmem:s7], [sflag:$0x3], $0x4000, $0x38;
	[tilespmem:$0x8800] =	vst v63  }
0xcb: {  	_ =	swait.ge [sflag:s3], $0x4000  }
0xcc: {  	[sflag:s3] =	ssyncset.done $0x0  }
0xcd: {  	[sflag:s3] =	ssyncadd.s32 $0xFFFFC000  }
0xce: {  	[tilespmem:s7], [sflag:$0x2] =	stream.indirect.gather [hbm4b:s4+s5], $0x80, s15, s5, $0xb8;
	[tilespmem:$0x8800] =	vst v63  }
0xcf: {  	_ =	swait.ge [sflag:s8], $0x4000  }
0xd0: {  	[sflag:s8] =	ssyncset.done $0x0  }
0xd1: {  	s0 =	rddreg [dreg:$0x9];
	[sflag:s8] =	ssyncadd.s32 $0xFFFFC000  }
0xd2: {  	[hbm4b:s0+s2] =	stream.linear.scatter [tilespmem:s6], [sflag:$0x3], $0x4000, $0x38;
	[tilespmem:$0x8800] =	vst v63  }
0xd3: {  	_ =	swait.ge [sflag:s3], $0x4000  }
0xd4: {  	[sflag:s3] =	ssyncset.done $0x0  }
0xd5: {  	[sflag:s3] =	ssyncadd.s32 $0xFFFFC000  }
0xd6: {  	[tilespmem:s6], [sflag:$0x1] =	stream.indirect.gather [hbm4b:s4+s5], $0x80, s16, s5, $0xb8;
	[tilespmem:$0x8800] =	vst v63  }
0xd7: {  	_ =	swait.ge [sflag:s10], $0x4000  }
0xd8: {  	[sflag:s10] =	ssyncset.done $0x0  }
0xd9: {  	s0 =	rddreg [dreg:$0xa];
	[sflag:s10] =	ssyncadd.s32 $0xFFFFC000  }
0xda: {  	[hbm4b:s0+s2] =	stream.linear.scatter [tilespmem:s7], [sflag:$0x3], $0x4000, $0x38;
	[tilespmem:$0x8800] =	vst v63  }
0xdb: {  	_ =	swait.ge [sflag:s3], $0x4000  }
0xdc: {  	[sflag:s3] =	ssyncset.done $0x0  }
0xdd: {  	[sflag:s3] =	ssyncadd.s32 $0xFFFFC000  }
0xde: {  	[tilespmem:s7], [sflag:$0x2] =	stream.indirect.gather [hbm4b:s4+s5], $0x80, s17, s5, $0xb8;
	[tilespmem:$0x8800] =	vst v63  }
0xdf: {  	_ =	swait.ge [sflag:s8], $0x4000  }
0xe0: {  	[sflag:s8] =	ssyncset.done $0x0  }
0xe1: {  	s0 =	rddreg [dreg:$0xb];
	[sflag:s8] =	ssyncadd.s32 $0xFFFFC000  }
0xe2: {  	[hbm4b:s0+s2] =	stream.linear.scatter [tilespmem:s6], [sflag:$0x3], $0x4000, $0x38;
	[tilespmem:$0x8800] =	vst v63  }
0xe3: {  	_ =	swait.ge [sflag:s3], $0x4000  }
0xe4: {  	[sflag:s3] =	ssyncset.done $0x0  }
0xe5: {  	[sflag:s3] =	ssyncadd.s32 $0xFFFFC000  }
0xe6: {  	[tilespmem:s6], [sflag:$0x1] =	stream.indirect.gather [hbm4b:s4+s5], $0x80, s18, s5, $0xb8;
	[tilespmem:$0x8800] =	vst v63  }
0xe7: {  	_ =	swait.ge [sflag:s10], $0x4000  }
0xe8: {  	[sflag:s10] =	ssyncset.done $0x0  }
0xe9: {  	[sflag:s10] =	ssyncadd.s32 $0xFFFFC000  }
0xea: {  	[hbm4b:s19+s2] =	stream.linear.scatter [tilespmem:s7], [sflag:$0x3], $0x4000, $0x38;
	[tilespmem:$0x8800] =	vst v63  }
0xeb: {  	_ =	swait.ge [sflag:s3], $0x4000  }
0xec: {  	[sflag:s3] =	ssyncset.done $0x0  }
0xed: {  	[sflag:s3] =	ssyncadd.s32 $0xFFFFC000  }
0xee: {  	[tilespmem:s7], [sflag:$0x2] =	stream.indirect.gather [hbm4b:s4+s5], $0x80, s20, s5, $0xb8;
	[tilespmem:$0x8800] =	vst v63  }
0xef: {  	_ =	swait.ge [sflag:s8], $0x4000  }
0xf0: {  	[sflag:s8] =	ssyncset.done $0x0  }
0xf1: {  	[sflag:s8] =	ssyncadd.s32 $0xFFFFC000  }
0xf2: {  	[hbm4b:s21+s2] =	stream.linear.scatter [tilespmem:s6], [sflag:$0x3], $0x4000, $0x38;
	[tilespmem:$0x8800] =	vst v63  }
0xf3: {  	_ =	swait.ge [sflag:s3], $0x4000  }
0xf4: {  	[sflag:s3] =	ssyncset.done $0x0  }
0xf5: {  	[sflag:s3] =	ssyncadd.s32 $0xFFFFC000  }
0xf6: {  	[tilespmem:s6], [sflag:$0x1] =	stream.indirect.gather [hbm4b:s4+s5], $0x80, s22, s5, $0xb8;
	[tilespmem:$0x8800] =	vst v63  }
0xf7: {  	_ =	swait.ge [sflag:s10], $0x4000  }
0xf8: {  	[sflag:s10] =	ssyncset.done $0x0  }
0xf9: {  	[sflag:s10] =	ssyncadd.s32 $0xFFFFC000  }
0xfa: {  	[hbm4b:s23+s2] =	stream.linear.scatter [tilespmem:s7], [sflag:$0x3], $0x4000, $0x38;
	[tilespmem:$0x8800] =	vst v63  }
0xfb: {  	_ =	swait.ge [sflag:s3], $0x4000  }
0xfc: {  	[sflag:s3] =	ssyncset.done $0x0  }
0xfd: {  	[sflag:s3] =	ssyncadd.s32 $0xFFFFC000  }
0xfe: {  	[tilespmem:s7], [sflag:$0x2] =	stream.indirect.gather [hbm4b:s4+s5], $0x80, s24, s5, $0xb8;
	[tilespmem:$0x8800] =	vst v63  }
0xff: {  	_ =	swait.ge [sflag:s8], $0x4000  }
0x100: {  	[sflag:s8] =	ssyncset.done $0x0  }
0x101: {  	[sflag:s8] =	ssyncadd.s32 $0xFFFFC000  }
0x102: {  	[hbm4b:s25+s2] =	stream.linear.scatter [tilespmem:s6], [sflag:$0x3], $0x4000, $0x38;
	[tilespmem:$0x8800] =	vst v63  }
0x103: {  	_ =	swait.ge [sflag:s3], $0x4000  }
0x104: {  	[sflag:s3] =	ssyncset.done $0x0  }
0x105: {  	[sflag:s3] =	ssyncadd.s32 $0xFFFFC000  }
0x106: {  	[tilespmem:s6], [sflag:$0x1] =	stream.indirect.gather [hbm4b:s4+s5], $0x80, s26, s5, $0xb8;
	[tilespmem:$0x8800] =	vst v63  }
0x107: {  	_ =	swait.ge [sflag:s10], $0x4000  }
0x108: {  	[sflag:s10] =	ssyncset.done $0x0  }
0x109: {  	[sflag:s10] =	ssyncadd.s32 $0xFFFFC000  }
0x10a: {  	[hbm4b:s28+s2] =	stream.linear.scatter [tilespmem:s7], [sflag:$0x3], $0x4000, $0x38;
	[tilespmem:$0x8800] =	vst v63  }
0x10b: {  	_ =	swait.ge [sflag:s3], $0x4000  }
0x10c: {  	[sflag:s3] =	ssyncset.done $0x0  }
0x10d: {  	[sflag:s3] =	ssyncadd.s32 $0xFFFFC000  }
0x10e: {  	[tilespmem:s7], [sflag:$0x2] =	stream.indirect.gather [hbm4b:s4+s5], $0x80, s29, s5, $0xb8;
	[tilespmem:$0x8800] =	vst v63  }
0x10f: {  	_ =	swait.ge [sflag:s8], $0x4000  }
0x110: {  	[sflag:s8] =	ssyncset.done $0x0  }
0x111: {  	[sflag:s8] =	ssyncadd.s32 $0xFFFFC000  }
0x112: {  	[hbm4b:s30+s2] =	stream.linear.scatter [tilespmem:s6], [sflag:$0x3], $0x4000, $0x38;
	[tilespmem:$0x8800] =	vst v63  }
0x113: {  	_ =	swait.ge [sflag:s3], $0x4000  }
0x114: {  	[sflag:s3] =	ssyncset.done $0x0  }
0x115: {  	p0 =	sne.s32 s1, $0x1;
	[sflag:s3] =	ssyncadd.s32 $0xFFFFC000  }
.Ltmp1:
0x116: {  	_ =	swait.ge [sflag:s10], $0x4000;
	(pc) =	sbr.rel @p0 .LBB2_1-.Ltmp1, $4  }
0x117: {  	[sflag:s10] =	ssyncset.done $0x0  }
0x118: {  	[sflag:s10] =	ssyncadd.s32 $0xFFFFC000  }
0x119: {  	[hbm4b:s31+s2] =	stream.linear.scatter [tilespmem:s7], [sflag:$0x3], $0x4000, $0x38;
	[tilespmem:$0x8800] =	vst v63  }
0x11a: {  	s1 =	sadd.s32 $0xFFFFFFFF, s1;
	_ =	swait.ge [sflag:s3], $0x4000  }
.LBB2_2:
0x11b: {  	[sflag:s3] =	ssyncset.done $0x0  }
0x11c: {  	[sflag:s3] =	ssyncadd.s32 $0xFFFFC000  }
0x11d: {  	_ =	sfence.sel $0x180000  }
0x11e: {  	[bflag:$0x0] =	sbarrier.arrive $0xFFFF  }
0x11f: {  	_ =	strace $0x90000047  }
0x120: {  	s0 =	stileid.u32;
	[bflag:$0x2] =	sbarrier.arrive $0xFFFF  }
0x121: {  	p0 =	sne.s32 s0, $0x0;
	s0 =	rddreg [dreg:$0x1]  }
0x122: {  	s0 =	sadd.s32 @!p0 $0x100000, s0  }
0x123: {  	[sflag:s0] =	ssyncadd.tile.s32 @!p0 $0x1;
	_ =	shalt  }
.Lfunc_end2:
_tile_overlayer_lowered:
.L_overlay_start_2:
0x124: {  	(tag) =	ssettag $0x2  }
0x125: {  	s0 =	rddreg [dreg:$0x0];
	s2 =	stileid.u32  }
0x126: {  	s1 =	rddreg [dreg:$0x1];
	p0 =	sne.s32 s2, $0x0  }
0x127: {  	s3 =	rddreg [dreg:$0x2];
	[bflag:$0x3] =	sbarrier.arrive $0xFFFF;
	s2 =	simm.s32 @!p0 $0x1C03  }
0x128: {  	[timem:s3], [sflag:s2] =	dma.local @!p0 [hbm:s0], s1  }
0x129: {  	s0 =	simm.s32 @!p0 $0x3  }
0x12a: {  	_ =	swait.ge @!p0 [sflag:s0], s1  }
0x12b: {  	s1 =	ssub.s32 @!p0 $0x0, s1;
	[sflag:s0] =	ssyncset.done @!p0 $0x0  }
0x12c: {  	[sflag:s0] =	ssyncadd.s32 @!p0 s1  }
0x12d: {  	[bflag:$0x3] =	sbarrier.arrive $0xFFFF  }
0x12e: {  	_ =	shalt  }

</sc_bundles>
